<compile_context>
chip_gen: v7x
topology: tpu7x:2x2x1
jax: 0.10.2.dev20260603
libtpu: 0.0.44.dev20260713+nightly
codegen_flags: <defaults>
</compile_context>

<pallas_src>
import functools

import jax
import jax.numpy as jnp
from jax import lax
from jax.experimental import pallas as pl
from jax.experimental.pallas import tpu as pltpu
from jax.experimental.pallas import tpu_sc as plsc

N = 10000
E = 320000
D_IN = 128
D_HID = 32
D_OUT = 2
D_OUTP = 8

NC, NS = 2, 16
NW = NC * NS
EW = E // NW
NG = 10
GIW = EW // NG
N_PAD = 10240
STRIPE = N_PAD // NS


def _sc_mesh():
    return plsc.VectorSubcoreMesh(core_axis_name="c", subcore_axis_name="s",
                                  num_cores=NC, num_subcores=NS)


_SC_PARAMS = pltpu.CompilerParams(use_tc_tiling_on_sc=False)


def _deg_partials(ei3, zeros1, ones):

    @functools.partial(
        pl.kernel,
        out_type=(jax.ShapeDtypeStruct((N_PAD,), jnp.float32),
                  jax.ShapeDtypeStruct((N_PAD,), jnp.float32)),
        mesh=_sc_mesh(),
        scratch_types=[
            pltpu.VMEM_SHARED((N_PAD,), jnp.float32),
            pltpu.VMEM((EW,), jnp.int32),
            pltpu.VMEM((GIW,), jnp.float32),
        ],
        compiler_params=_SC_PARAMS,
    )
    def k(ei_ref, z_ref, ones_ref, out0_ref, out1_ref, acc, didx, ones_v):
        cid = lax.axis_index("c")
        sid = lax.axis_index("s")
        wid = sid * NC + cid
        s0 = sid * STRIPE

        pltpu.sync_copy(z_ref.at[pl.ds(s0, STRIPE)], acc.at[pl.ds(s0, STRIPE)])
        pltpu.sync_copy(ones_ref, ones_v)
        pltpu.sync_copy(ei_ref.at[1, pl.ds(wid * EW, EW)], didx)
        plsc.subcore_barrier()

        def body(c, carry):
            pltpu.sync_copy(ones_v, acc.at[didx.at[pl.ds(c * GIW, GIW)]],
                            add=True)
            return carry

        lax.fori_loop(0, NG, body, 0)
        plsc.subcore_barrier()

        @pl.when(cid == 0)
        def _():
            pltpu.sync_copy(acc.at[pl.ds(s0, STRIPE)],
                            out0_ref.at[pl.ds(s0, STRIPE)])

        @pl.when(cid == 1)
        def _():
            pltpu.sync_copy(acc.at[pl.ds(s0, STRIPE)],
                            out1_ref.at[pl.ds(s0, STRIPE)])

    return k(ei3, zeros1, ones)


def _seg_sum_partials(table, ei3, zeros2):
    d = table.shape[1]

    @functools.partial(
        pl.kernel,
        out_type=jax.ShapeDtypeStruct((2, N_PAD, d), jnp.float32),
        mesh=_sc_mesh(),
        scratch_types=[
            pltpu.VMEM_SHARED((N_PAD, d), jnp.float32),
            pltpu.VMEM((EW,), jnp.int32),
            pltpu.VMEM((GIW,), jnp.int32),
            pltpu.VMEM((GIW,), jnp.int32),
            pltpu.VMEM((GIW, d), jnp.float32),
            pltpu.VMEM((GIW, d), jnp.float32),
            pltpu.VMEM((GIW, d), jnp.float32),
            pltpu.SemaphoreType.DMA,
            pltpu.SemaphoreType.DMA,
            pltpu.SemaphoreType.DMA,
            pltpu.SemaphoreType.DMA,
            pltpu.SemaphoreType.DMA,
        ],
        compiler_params=_SC_PARAMS,
    )
    def k(t_ref, ei_ref, z_ref, out_ref, acc, sidx, didx0, didx1,
          rows0, rows1, rows2, sem0, sem1, sem2, semd0, semd1):
        cid = lax.axis_index("c")
        sid = lax.axis_index("s")
        wid = sid * NC + cid
        s0 = sid * STRIPE

        pltpu.sync_copy(z_ref.at[pl.ds(s0, STRIPE)], acc.at[pl.ds(s0, STRIPE)])
        pltpu.sync_copy(ei_ref.at[0, pl.ds(wid * EW, EW)], sidx)
        plsc.subcore_barrier()

        bufs = (rows0, rows1, rows2)
        sems = (sem0, sem1, sem2)
        dbufs = (didx0, didx1)
        dsems = (semd0, semd1)

        def gather(g):
            return pltpu.async_copy(
                t_ref.at[sidx.at[pl.ds(g * GIW, GIW)]], bufs[g % 3],
                sems[g % 3])

        def dload(g):
            return pltpu.async_copy(
                ei_ref.at[1, pl.ds(wid * EW + g * GIW, GIW)], dbufs[g % 2],
                dsems[g % 2])

        gd = {0: gather(0), 1: gather(1)}
        dd = {0: dload(0), 1: dload(1)}
        for g in range(NG):
            dd[g].wait()
            gd[g].wait()
            if g + 2 < NG:
                gd[g + 2] = gather(g + 2)
            pltpu.sync_copy(bufs[g % 3], acc.at[dbufs[g % 2]], add=True)
            if g + 2 < NG:
                dd[g + 2] = dload(g + 2)
        plsc.subcore_barrier()

        @pl.when(cid == 0)
        def _():
            pltpu.sync_copy(acc.at[pl.ds(s0, STRIPE)],
                            out_ref.at[0, pl.ds(s0, STRIPE)])

        @pl.when(cid == 1)
        def _():
            pltpu.sync_copy(acc.at[pl.ds(s0, STRIPE)],
                            out_ref.at[1, pl.ds(s0, STRIPE)])

    return k(table, ei3, zeros2)


def _dinv(d0, d1):
    return lax.rsqrt(d0 + d1 + 1.0)


def _tc_layer1(degc0, degc1, x, W1):

    def body(d0_ref, d1_ref, x_ref, w_ref, o_ref):
        dinv = _dinv(d0_ref[...], d1_ref[...])
        h = jnp.dot(x_ref[...], w_ref[...], preferred_element_type=jnp.float32)
        o_ref[pl.ds(0, N), :] = h * dinv[:N]
        o_ref[pl.ds(N, N_PAD - N), :] = jnp.zeros((N_PAD - N, D_HID), jnp.float32)

    return pl.pallas_call(
        body, out_shape=jax.ShapeDtypeStruct((N_PAD, D_HID), jnp.float32),
    )(degc0, degc1, x, W1)


def _tc_layer2(degc0, degc1, part1, hs, b1, W2p):

    def body(d0_ref, d1_ref, p_ref, hs_ref, b1_ref, w2_ref, o_ref):
        dinv = _dinv(d0_ref[...], d1_ref[...])
        p = p_ref[...]
        out1 = (p[0] + p[1] + hs_ref[...]) * dinv + b1_ref[...]
        r = jnp.maximum(out1, 0.0)
        h2 = jnp.dot(r, w2_ref[...], preferred_element_type=jnp.float32)
        o_ref[pl.ds(0, N), :] = (h2 * dinv)[:N]
        o_ref[pl.ds(N, N_PAD - N), :] = jnp.zeros((N_PAD - N, D_OUTP), jnp.float32)

    return pl.pallas_call(
        body, out_shape=jax.ShapeDtypeStruct((N_PAD, D_OUTP), jnp.float32),
    )(degc0, degc1, part1, hs, b1, W2p)


def _tc_final(degc0, degc1, part2, hs2, b2p):
    def body(d0_ref, d1_ref, p_ref, hs2_ref, b2_ref, o_ref):
        dinv = _dinv(d0_ref[...], d1_ref[...])
        p = p_ref[...]
        o_ref[...] = (p[0] + p[1] + hs2_ref[...]) * dinv + b2_ref[...]

    return pl.pallas_call(
        body, out_shape=jax.ShapeDtypeStruct((N_PAD, D_OUTP), jnp.float32),
    )(degc0, degc1, part2, hs2, b2p)


def kernel(x, edge_index, W1, b1, W2, b2):
    ei3 = edge_index.astype(jnp.int32)

    zeros1 = jnp.zeros((N_PAD,), jnp.float32)
    zeros_h = jnp.zeros((N_PAD, D_HID), jnp.float32)
    zeros_o = jnp.zeros((N_PAD, D_OUTP), jnp.float32)
    ones = jnp.ones((GIW,), jnp.float32)

    deg0, deg1 = _deg_partials(ei3, zeros1, ones)
    degc0 = deg0.reshape(N_PAD, 1)
    degc1 = deg1.reshape(N_PAD, 1)

    hs = _tc_layer1(degc0, degc1, x, W1)
    part1 = _seg_sum_partials(hs, ei3, zeros_h)

    W2p = jnp.pad(W2, ((0, 0), (0, D_OUTP - D_OUT)))
    hs2 = _tc_layer2(degc0, degc1, part1, hs, b1.reshape(1, D_HID), W2p)
    part2 = _seg_sum_partials(hs2, ei3, zeros_o)

    outp = _tc_final(degc0, degc1, part2, hs2,
                     jnp.pad(b2, (0, D_OUTP - D_OUT)).reshape(1, D_OUTP))
    return outp[:N, :D_OUT]

# --- scband reference (transcript-rebuilt; emitter-appended) ---
"""Pipeline reference for scband-gnn-3221225472589 (READ-ONLY COPY).

The authoritative reference and input builder live on the scoring server;
editing this copy changes nothing except your own understanding.
"""

import jax, jax.numpy as jnp
import numpy as np

N_NODES = 10000
N_EDGES = 320000
D_IN = 128
D_HID = 32
D_OUT = 2


def setup_inputs(seed: int = 0) -> dict:
    key = jax.random.key(seed)
    k1, k2, k3, k4 = jax.random.split(key, 4)
    x = jax.random.normal(k1, (N_NODES, D_IN), dtype=jnp.float32)
    edge_index = jax.random.randint(k2, (2, N_EDGES), 0, N_NODES, dtype=jnp.int64)
    W1 = jax.random.normal(k3, (D_IN, D_HID), dtype=jnp.float32) * (1.0 / np.sqrt(D_IN))
    b1 = jnp.zeros((D_HID,), dtype=jnp.float32)
    W2 = jax.random.normal(k4, (D_HID, D_OUT), dtype=jnp.float32) * (1.0 / np.sqrt(D_HID))
    b2 = jnp.zeros((D_OUT,), dtype=jnp.float32)
    return {"x": x, "edge_index": edge_index, "W1": W1, "b1": b1, "W2": W2, "b2": b2}


def _gcn_conv(x, edge_index, W, b):
    # PyG GCNConv: x' = D^{-1/2} (A + I) D^{-1/2} (x W) + b
    N = x.shape[0]
    loop = jnp.arange(N, dtype=edge_index.dtype)
    src = jnp.concatenate([edge_index[0], loop])
    dst = jnp.concatenate([edge_index[1], loop])
    deg = jnp.zeros((N,), dtype=x.dtype).at[dst].add(1.0)
    dinv = jnp.where(deg > 0, jax.lax.rsqrt(deg), 0.0)
    norm = dinv[src] * dinv[dst]
    h = x @ W
    msg = jnp.take(h, src, axis=0) * norm[:, None]
    out = jax.ops.segment_sum(msg, dst, num_segments=N)
    return out + b


def reference(x, edge_index, W1, b1, W2, b2):
    h = _gcn_conv(x, edge_index, W1, b1)
    h = jax.nn.relu(h)
    out = _gcn_conv(h, edge_index, W2, b2)
    return out

if __name__ == "__main__":
    import jax
    _d = setup_inputs()
    print(jax.jit(kernel)(*tuple(_d.values())))

</pallas_src>

<mosaic_0001>
#map = affine_map<(d0, d1) -> (0, 0)>
#map1 = affine_map<(d0, d1) -> (0, 0, 0)>
module attributes {stable_mosaic.version = 14 : i64} {
  func.func @k(%arg0: i32, %arg1: i32, %arg2: memref<10240x8xf32, #tpu.memory_space<hbm>>, %arg3: memref<2x320000xi32, #tpu.memory_space<hbm>>, %arg4: memref<10240x8xf32, #tpu.memory_space<hbm>>, %arg5: memref<2x10240x8xf32, #tpu.memory_space<hbm>>, %arg6: memref<10240x8xf32, #tpu.memory_space<vmem_shared>>, %arg7: memref<10000xi32, #tpu.memory_space<vmem>>, %arg8: memref<1000xi32, #tpu.memory_space<vmem>>, %arg9: memref<1000xi32, #tpu.memory_space<vmem>>, %arg10: memref<1000x8xf32, #tpu.memory_space<vmem>>, %arg11: memref<1000x8xf32, #tpu.memory_space<vmem>>, %arg12: memref<1000x8xf32, #tpu.memory_space<vmem>>, %arg13: memref<!tpu.dma_semaphore, #tpu.memory_space<semaphore_mem>>, %arg14: memref<!tpu.dma_semaphore, #tpu.memory_space<semaphore_mem>>, %arg15: memref<!tpu.dma_semaphore, #tpu.memory_space<semaphore_mem>>, %arg16: memref<!tpu.dma_semaphore, #tpu.memory_space<semaphore_mem>>, %arg17: memref<!tpu.dma_semaphore, #tpu.memory_space<semaphore_mem>>) attributes {dimension_semantics = [#tpu.dimension_semantics<core_parallel>, #tpu.dimension_semantics<subcore_parallel>], iteration_bounds = array<i64: 2, 16>, scalar_prefetch = 0 : i64, scratch_operands = 12 : i64, tpu.core_type = #tpu.core_type<sc_vector_subcore>, window_params = [{transform_indices = #map}, {transform_indices = #map}, {transform_indices = #map}, {transform_indices = #map1}]} {
    %mul3A = arith.constant 2 : i32
    %mul3A_0 = arith.muli %arg1, %mul3A : i32
    %add3A = arith.addi %mul3A_0, %arg0 : i32
    %mul3A_1 = arith.constant 640 : i32
    %mul3A_2 = arith.muli %arg1, %mul3A_1 : i32
    "tpu.region"() ({
      %run_scoped3A_251 = tpu.sem_alloc : memref<!tpu.dma_semaphore, #tpu.memory_space<semaphore_mem>>
      %dma_start3A_252 = arith.constant 0 : i32
      %dma_start3A_253 = tpu.memref_slice %arg6[%mul3A_2, %dma_start3A_252] : memref<10240x8xf32, #tpu.memory_space<vmem_shared>> -> memref<640x8xf32, #tpu.memory_space<vmem_shared>>
      %dma_start3A_254 = arith.constant 0 : i32
      %dma_start3A_255 = tpu.memref_slice %arg4[%mul3A_2, %dma_start3A_254] : memref<10240x8xf32, #tpu.memory_space<hbm>> -> memref<640x8xf32, #tpu.memory_space<hbm>>
      tpu.enqueue_dma source(%dma_start3A_255 : memref<640x8xf32, #tpu.memory_space<hbm>>) target(%dma_start3A_253 : memref<640x8xf32, #tpu.memory_space<vmem_shared>>) target_semaphore(%run_scoped3A_251 : memref<!tpu.dma_semaphore, #tpu.memory_space<semaphore_mem>>)
      %dma_wait3A_256 = arith.constant 0 : i32
      %dma_wait3A_257 = tpu.memref_slice %arg6[%mul3A_2, %dma_wait3A_256] : memref<10240x8xf32, #tpu.memory_space<vmem_shared>> -> memref<640x8xf32, #tpu.memory_space<vmem_shared>>
      %dma_wait3A_258 = arith.constant 0 : i32
      %dma_wait3A_259 = tpu.memref_slice %arg4[%mul3A_2, %dma_wait3A_258] : memref<10240x8xf32, #tpu.memory_space<hbm>> -> memref<640x8xf32, #tpu.memory_space<hbm>>
      tpu.wait_dma2 semaphore(%run_scoped3A_251 : memref<!tpu.dma_semaphore, #tpu.memory_space<semaphore_mem>>) src(%dma_wait3A_259 : memref<640x8xf32, #tpu.memory_space<hbm>>) dst(%dma_wait3A_257 : memref<640x8xf32, #tpu.memory_space<vmem_shared>>)
      tpu.yield
    }) : () -> ()
    %mul3A_3 = arith.constant 10000 : i32
    %mul3A_4 = arith.muli %add3A, %mul3A_3 : i32
    %run_scoped3A = arith.constant 0 : i32
    "tpu.region"() ({
      %run_scoped3A_251 = tpu.sem_alloc : memref<!tpu.dma_semaphore, #tpu.memory_space<semaphore_mem>>
      %dma_start3A_252 = tpu.memref_slice %arg3[%run_scoped3A, %mul3A_4] : memref<2x320000xi32, #tpu.memory_space<hbm>> -> memref<1x10000xi32, #tpu.memory_space<hbm>>
      %dma_start3A_253 = tpu.memref_squeeze %dma_start3A_252 : memref<1x10000xi32, #tpu.memory_space<hbm>> -> memref<10000xi32, #tpu.memory_space<hbm>>
      %dma_start3A_254 = tpu.memref_slice %arg3[%run_scoped3A, %mul3A_4] : memref<2x320000xi32, #tpu.memory_space<hbm>> -> memref<1x10000xi32, #tpu.memory_space<hbm>>
      %dma_start3A_255 = tpu.memref_squeeze %dma_start3A_254 : memref<1x10000xi32, #tpu.memory_space<hbm>> -> memref<10000xi32, #tpu.memory_space<hbm>>
      tpu.enqueue_dma source(%dma_start3A_255 : memref<10000xi32, #tpu.memory_space<hbm>>) target(%arg7 : memref<10000xi32, #tpu.memory_space<vmem>>) target_semaphore(%run_scoped3A_251 : memref<!tpu.dma_semaphore, #tpu.memory_space<semaphore_mem>>)
      %dma_wait3A_256 = tpu.memref_slice %arg3[%run_scoped3A, %mul3A_4] : memref<2x320000xi32, #tpu.memory_space<hbm>> -> memref<1x10000xi32, #tpu.memory_space<hbm>>
      %dma_wait3A_257 = tpu.memref_squeeze %dma_wait3A_256 : memref<1x10000xi32, #tpu.memory_space<hbm>> -> memref<10000xi32, #tpu.memory_space<hbm>>
      %dma_wait3A_258 = tpu.memref_slice %arg3[%run_scoped3A, %mul3A_4] : memref<2x320000xi32, #tpu.memory_space<hbm>> -> memref<1x10000xi32, #tpu.memory_space<hbm>>
      %dma_wait3A_259 = tpu.memref_squeeze %dma_wait3A_258 : memref<1x10000xi32, #tpu.memory_space<hbm>> -> memref<10000xi32, #tpu.memory_space<hbm>>
      tpu.wait_dma2 semaphore(%run_scoped3A_251 : memref<!tpu.dma_semaphore, #tpu.memory_space<semaphore_mem>>) src(%dma_wait3A_259 : memref<10000xi32, #tpu.memory_space<hbm>>) dst(%arg7 : memref<10000xi32, #tpu.memory_space<vmem>>)
      tpu.yield
    }) : () -> ()
    %barrier3A = arith.constant 0 : index
    tpu.barrier barrier_id(%barrier3A)
    %dma_start3A = arith.constant 0 : i32
    %dma_start3A_5 = tpu.memref_slice %arg7[%dma_start3A] : memref<10000xi32, #tpu.memory_space<vmem>> -> memref<1000xi32, #tpu.memory_space<vmem>>
    %dma_start3A_6 = arith.constant 0 : i32
    %dma_start3A_7 = arith.constant 0 : i32
    %dma_start3A_8 = tpu.memref_slice %arg2[%dma_start3A_6, %dma_start3A_7] : memref<10240x8xf32, #tpu.memory_space<hbm>> -> memref<10240x8xf32, #tpu.memory_space<hbm>>
    tpu.enqueue_indirect_dma source(%dma_start3A_8 : memref<10240x8xf32, #tpu.memory_space<hbm>>) target(%arg10 : memref<1000x8xf32, #tpu.memory_space<vmem>>) offsets(%dma_start3A_5 : memref<1000xi32, #tpu.memory_space<vmem>>) semaphore(%arg13 : memref<!tpu.dma_semaphore, #tpu.memory_space<semaphore_mem>>)
    %dma_start3A_9 = arith.constant 1000 : i32
    %dma_start3A_10 = tpu.memref_slice %arg7[%dma_start3A_9] : memref<10000xi32, #tpu.memory_space<vmem>> -> memref<1000xi32, #tpu.memory_space<vmem>>
    %dma_start3A_11 = arith.constant 0 : i32
    %dma_start3A_12 = arith.constant 0 : i32
    %dma_start3A_13 = tpu.memref_slice %arg2[%dma_start3A_11, %dma_start3A_12] : memref<10240x8xf32, #tpu.memory_space<hbm>> -> memref<10240x8xf32, #tpu.memory_space<hbm>>
    tpu.enqueue_indirect_dma source(%dma_start3A_13 : memref<10240x8xf32, #tpu.memory_space<hbm>>) target(%arg11 : memref<1000x8xf32, #tpu.memory_space<vmem>>) offsets(%dma_start3A_10 : memref<1000xi32, #tpu.memory_space<vmem>>) semaphore(%arg14 : memref<!tpu.dma_semaphore, #tpu.memory_space<semaphore_mem>>)
    %mul3A_14 = arith.constant 10000 : i32
    %mul3A_15 = arith.muli %add3A, %mul3A_14 : i32
    %add3A_16 = arith.constant 0 : i32
    %add3A_17 = arith.addi %mul3A_15, %add3A_16 : i32
    %dma_start3A_18 = arith.constant 1 : i32
    %dma_start3A_19 = tpu.memref_slice %arg3[%dma_start3A_18, %add3A_17] : memref<2x320000xi32, #tpu.memory_space<hbm>> -> memref<1x1000xi32, #tpu.memory_space<hbm>>
    %dma_start3A_20 = tpu.memref_squeeze %dma_start3A_19 : memref<1x1000xi32, #tpu.memory_space<hbm>> -> memref<1000xi32, #tpu.memory_space<hbm>>
    %dma_start3A_21 = tpu.memref_slice %arg3[%dma_start3A_18, %add3A_17] : memref<2x320000xi32, #tpu.memory_space<hbm>> -> memref<1x1000xi32, #tpu.memory_space<hbm>>
    %dma_start3A_22 = tpu.memref_squeeze %dma_start3A_21 : memref<1x1000xi32, #tpu.memory_space<hbm>> -> memref<1000xi32, #tpu.memory_space<hbm>>
    tpu.enqueue_dma source(%dma_start3A_22 : memref<1000xi32, #tpu.memory_space<hbm>>) target(%arg8 : memref<1000xi32, #tpu.memory_space<vmem>>) target_semaphore(%arg16 : memref<!tpu.dma_semaphore, #tpu.memory_space<semaphore_mem>>)
    %mul3A_23 = arith.constant 10000 : i32
    %mul3A_24 = arith.muli %add3A, %mul3A_23 : i32
    %add3A_25 = arith.constant 1000 : i32
    %add3A_26 = arith.addi %mul3A_24, %add3A_25 : i32
    %dma_start3A_27 = arith.constant 1 : i32
    %dma_start3A_28 = tpu.memref_slice %arg3[%dma_start3A_27, %add3A_26] : memref<2x320000xi32, #tpu.memory_space<hbm>> -> memref<1x1000xi32, #tpu.memory_space<hbm>>
    %dma_start3A_29 = tpu.memref_squeeze %dma_start3A_28 : memref<1x1000xi32, #tpu.memory_space<hbm>> -> memref<1000xi32, #tpu.memory_space<hbm>>
    %dma_start3A_30 = tpu.memref_slice %arg3[%dma_start3A_27, %add3A_26] : memref<2x320000xi32, #tpu.memory_space<hbm>> -> memref<1x1000xi32, #tpu.memory_space<hbm>>
    %dma_start3A_31 = tpu.memref_squeeze %dma_start3A_30 : memref<1x1000xi32, #tpu.memory_space<hbm>> -> memref<1000xi32, #tpu.memory_space<hbm>>
    tpu.enqueue_dma source(%dma_start3A_31 : memref<1000xi32, #tpu.memory_space<hbm>>) target(%arg9 : memref<1000xi32, #tpu.memory_space<vmem>>) target_semaphore(%arg17 : memref<!tpu.dma_semaphore, #tpu.memory_space<semaphore_mem>>)
    %dma_wait3A = arith.constant 1 : i32
    %dma_wait3A_32 = tpu.memref_slice %arg3[%dma_wait3A, %add3A_17] : memref<2x320000xi32, #tpu.memory_space<hbm>> -> memref<1x1000xi32, #tpu.memory_space<hbm>>
    %dma_wait3A_33 = tpu.memref_squeeze %dma_wait3A_32 : memref<1x1000xi32, #tpu.memory_space<hbm>> -> memref<1000xi32, #tpu.memory_space<hbm>>
    %dma_wait3A_34 = tpu.memref_slice %arg3[%dma_wait3A, %add3A_17] : memref<2x320000xi32, #tpu.memory_space<hbm>> -> memref<1x1000xi32, #tpu.memory_space<hbm>>
    %dma_wait3A_35 = tpu.memref_squeeze %dma_wait3A_34 : memref<1x1000xi32, #tpu.memory_space<hbm>> -> memref<1000xi32, #tpu.memory_space<hbm>>
    tpu.wait_dma2 semaphore(%arg16 : memref<!tpu.dma_semaphore, #tpu.memory_space<semaphore_mem>>) src(%dma_wait3A_35 : memref<1000xi32, #tpu.memory_space<hbm>>) dst(%arg8 : memref<1000xi32, #tpu.memory_space<vmem>>)
    %dma_wait3A_36 = arith.constant 0 : i32
    %dma_wait3A_37 = tpu.memref_slice %arg7[%dma_wait3A_36] : memref<10000xi32, #tpu.memory_space<vmem>> -> memref<1000xi32, #tpu.memory_space<vmem>>
    %dma_wait3A_38 = arith.constant 0 : i32
    %dma_wait3A_39 = arith.constant 0 : i32
    %dma_wait3A_40 = tpu.memref_slice %arg2[%dma_wait3A_38, %dma_wait3A_39] : memref<10240x8xf32, #tpu.memory_space<hbm>> -> memref<10240x8xf32, #tpu.memory_space<hbm>>
    tpu.wait_indirect_dma semaphore(%arg13 : memref<!tpu.dma_semaphore, #tpu.memory_space<semaphore_mem>>) src(%dma_wait3A_40 : memref<10240x8xf32, #tpu.memory_space<hbm>>) dst(%arg10 : memref<1000x8xf32, #tpu.memory_space<vmem>>)
    %dma_start3A_41 = arith.constant 2000 : i32
    %dma_start3A_42 = tpu.memref_slice %arg7[%dma_start3A_41] : memref<10000xi32, #tpu.memory_space<vmem>> -> memref<1000xi32, #tpu.memory_space<vmem>>
    %dma_start3A_43 = arith.constant 0 : i32
    %dma_start3A_44 = arith.constant 0 : i32
    %dma_start3A_45 = tpu.memref_slice %arg2[%dma_start3A_43, %dma_start3A_44] : memref<10240x8xf32, #tpu.memory_space<hbm>> -> memref<10240x8xf32, #tpu.memory_space<hbm>>
    tpu.enqueue_indirect_dma source(%dma_start3A_45 : memref<10240x8xf32, #tpu.memory_space<hbm>>) target(%arg12 : memref<1000x8xf32, #tpu.memory_space<vmem>>) offsets(%dma_start3A_42 : memref<1000xi32, #tpu.memory_space<vmem>>) semaphore(%arg15 : memref<!tpu.dma_semaphore, #tpu.memory_space<semaphore_mem>>)
    "tpu.region"() ({
      %run_scoped3A_251 = tpu.sem_alloc : memref<!tpu.dma_semaphore, #tpu.memory_space<semaphore_mem>>
      %dma_start3A_252 = arith.constant 0 : i32
      %dma_start3A_253 = arith.constant 0 : i32
      %dma_start3A_254 = tpu.memref_slice %arg6[%dma_start3A_252, %dma_start3A_253] : memref<10240x8xf32, #tpu.memory_space<vmem_shared>> -> memref<10240x8xf32, #tpu.memory_space<vmem_shared>>
      tpu.enqueue_indirect_dma source(%arg10 : memref<1000x8xf32, #tpu.memory_space<vmem>>) target(%dma_start3A_254 : memref<10240x8xf32, #tpu.memory_space<vmem_shared>>) offsets(%arg8 : memref<1000xi32, #tpu.memory_space<vmem>>) semaphore(%run_scoped3A_251 : memref<!tpu.dma_semaphore, #tpu.memory_space<semaphore_mem>>) {add = true}
      %dma_wait3A_255 = arith.constant 0 : i32
      %dma_wait3A_256 = arith.constant 0 : i32
      %dma_wait3A_257 = tpu.memref_slice %arg6[%dma_wait3A_255, %dma_wait3A_256] : memref<10240x8xf32, #tpu.memory_space<vmem_shared>> -> memref<10240x8xf32, #tpu.memory_space<vmem_shared>>
      tpu.wait_indirect_dma semaphore(%run_scoped3A_251 : memref<!tpu.dma_semaphore, #tpu.memory_space<semaphore_mem>>) src(%arg10 : memref<1000x8xf32, #tpu.memory_space<vmem>>) dst(%dma_wait3A_257 : memref<10240x8xf32, #tpu.memory_space<vmem_shared>>)
      tpu.yield
    }) : () -> ()
    %mul3A_46 = arith.constant 10000 : i32
    %mul3A_47 = arith.muli %add3A, %mul3A_46 : i32
    %add3A_48 = arith.constant 2000 : i32
    %add3A_49 = arith.addi %mul3A_47, %add3A_48 : i32
    %dma_start3A_50 = arith.constant 1 : i32
    %dma_start3A_51 = tpu.memref_slice %arg3[%dma_start3A_50, %add3A_49] : memref<2x320000xi32, #tpu.memory_space<hbm>> -> memref<1x1000xi32, #tpu.memory_space<hbm>>
    %dma_start3A_52 = tpu.memref_squeeze %dma_start3A_51 : memref<1x1000xi32, #tpu.memory_space<hbm>> -> memref<1000xi32, #tpu.memory_space<hbm>>
    %dma_start3A_53 = tpu.memref_slice %arg3[%dma_start3A_50, %add3A_49] : memref<2x320000xi32, #tpu.memory_space<hbm>> -> memref<1x1000xi32, #tpu.memory_space<hbm>>
    %dma_start3A_54 = tpu.memref_squeeze %dma_start3A_53 : memref<1x1000xi32, #tpu.memory_space<hbm>> -> memref<1000xi32, #tpu.memory_space<hbm>>
    tpu.enqueue_dma source(%dma_start3A_54 : memref<1000xi32, #tpu.memory_space<hbm>>) target(%arg8 : memref<1000xi32, #tpu.memory_space<vmem>>) target_semaphore(%arg16 : memref<!tpu.dma_semaphore, #tpu.memory_space<semaphore_mem>>)
    %dma_wait3A_55 = arith.constant 1 : i32
    %dma_wait3A_56 = tpu.memref_slice %arg3[%dma_wait3A_55, %add3A_26] : memref<2x320000xi32, #tpu.memory_space<hbm>> -> memref<1x1000xi32, #tpu.memory_space<hbm>>
    %dma_wait3A_57 = tpu.memref_squeeze %dma_wait3A_56 : memref<1x1000xi32, #tpu.memory_space<hbm>> -> memref<1000xi32, #tpu.memory_space<hbm>>
    %dma_wait3A_58 = tpu.memref_slice %arg3[%dma_wait3A_55, %add3A_26] : memref<2x320000xi32, #tpu.memory_space<hbm>> -> memref<1x1000xi32, #tpu.memory_space<hbm>>
    %dma_wait3A_59 = tpu.memref_squeeze %dma_wait3A_58 : memref<1x1000xi32, #tpu.memory_space<hbm>> -> memref<1000xi32, #tpu.memory_space<hbm>>
    tpu.wait_dma2 semaphore(%arg17 : memref<!tpu.dma_semaphore, #tpu.memory_space<semaphore_mem>>) src(%dma_wait3A_59 : memref<1000xi32, #tpu.memory_space<hbm>>) dst(%arg9 : memref<1000xi32, #tpu.memory_space<vmem>>)
    %dma_wait3A_60 = arith.constant 1000 : i32
    %dma_wait3A_61 = tpu.memref_slice %arg7[%dma_wait3A_60] : memref<10000xi32, #tpu.memory_space<vmem>> -> memref<1000xi32, #tpu.memory_space<vmem>>
    %dma_wait3A_62 = arith.constant 0 : i32
    %dma_wait3A_63 = arith.constant 0 : i32
    %dma_wait3A_64 = tpu.memref_slice %arg2[%dma_wait3A_62, %dma_wait3A_63] : memref<10240x8xf32, #tpu.memory_space<hbm>> -> memref<10240x8xf32, #tpu.memory_space<hbm>>
    tpu.wait_indirect_dma semaphore(%arg14 : memref<!tpu.dma_semaphore, #tpu.memory_space<semaphore_mem>>) src(%dma_wait3A_64 : memref<10240x8xf32, #tpu.memory_space<hbm>>) dst(%arg11 : memref<1000x8xf32, #tpu.memory_space<vmem>>)
    %dma_start3A_65 = arith.constant 3000 : i32
    %dma_start3A_66 = tpu.memref_slice %arg7[%dma_start3A_65] : memref<10000xi32, #tpu.memory_space<vmem>> -> memref<1000xi32, #tpu.memory_space<vmem>>
    %dma_start3A_67 = arith.constant 0 : i32
    %dma_start3A_68 = arith.constant 0 : i32
    %dma_start3A_69 = tpu.memref_slice %arg2[%dma_start3A_67, %dma_start3A_68] : memref<10240x8xf32, #tpu.memory_space<hbm>> -> memref<10240x8xf32, #tpu.memory_space<hbm>>
    tpu.enqueue_indirect_dma source(%dma_start3A_69 : memref<10240x8xf32, #tpu.memory_space<hbm>>) target(%arg10 : memref<1000x8xf32, #tpu.memory_space<vmem>>) offsets(%dma_start3A_66 : memref<1000xi32, #tpu.memory_space<vmem>>) semaphore(%arg13 : memref<!tpu.dma_semaphore, #tpu.memory_space<semaphore_mem>>)
    "tpu.region"() ({
      %run_scoped3A_251 = tpu.sem_alloc : memref<!tpu.dma_semaphore, #tpu.memory_space<semaphore_mem>>
      %dma_start3A_252 = arith.constant 0 : i32
      %dma_start3A_253 = arith.constant 0 : i32
      %dma_start3A_254 = tpu.memref_slice %arg6[%dma_start3A_252, %dma_start3A_253] : memref<10240x8xf32, #tpu.memory_space<vmem_shared>> -> memref<10240x8xf32, #tpu.memory_space<vmem_shared>>
      tpu.enqueue_indirect_dma source(%arg11 : memref<1000x8xf32, #tpu.memory_space<vmem>>) target(%dma_start3A_254 : memref<10240x8xf32, #tpu.memory_space<vmem_shared>>) offsets(%arg9 : memref<1000xi32, #tpu.memory_space<vmem>>) semaphore(%run_scoped3A_251 : memref<!tpu.dma_semaphore, #tpu.memory_space<semaphore_mem>>) {add = true}
      %dma_wait3A_255 = arith.constant 0 : i32
      %dma_wait3A_256 = arith.constant 0 : i32
      %dma_wait3A_257 = tpu.memref_slice %arg6[%dma_wait3A_255, %dma_wait3A_256] : memref<10240x8xf32, #tpu.memory_space<vmem_shared>> -> memref<10240x8xf32, #tpu.memory_space<vmem_shared>>
      tpu.wait_indirect_dma semaphore(%run_scoped3A_251 : memref<!tpu.dma_semaphore, #tpu.memory_space<semaphore_mem>>) src(%arg11 : memref<1000x8xf32, #tpu.memory_space<vmem>>) dst(%dma_wait3A_257 : memref<10240x8xf32, #tpu.memory_space<vmem_shared>>)
      tpu.yield
    }) : () -> ()
    %mul3A_70 = arith.constant 10000 : i32
    %mul3A_71 = arith.muli %add3A, %mul3A_70 : i32
    %add3A_72 = arith.constant 3000 : i32
    %add3A_73 = arith.addi %mul3A_71, %add3A_72 : i32
    %dma_start3A_74 = arith.constant 1 : i32
    %dma_start3A_75 = tpu.memref_slice %arg3[%dma_start3A_74, %add3A_73] : memref<2x320000xi32, #tpu.memory_space<hbm>> -> memref<1x1000xi32, #tpu.memory_space<hbm>>
    %dma_start3A_76 = tpu.memref_squeeze %dma_start3A_75 : memref<1x1000xi32, #tpu.memory_space<hbm>> -> memref<1000xi32, #tpu.memory_space<hbm>>
    %dma_start3A_77 = tpu.memref_slice %arg3[%dma_start3A_74, %add3A_73] : memref<2x320000xi32, #tpu.memory_space<hbm>> -> memref<1x1000xi32, #tpu.memory_space<hbm>>
    %dma_start3A_78 = tpu.memref_squeeze %dma_start3A_77 : memref<1x1000xi32, #tpu.memory_space<hbm>> -> memref<1000xi32, #tpu.memory_space<hbm>>
    tpu.enqueue_dma source(%dma_start3A_78 : memref<1000xi32, #tpu.memory_space<hbm>>) target(%arg9 : memref<1000xi32, #tpu.memory_space<vmem>>) target_semaphore(%arg17 : memref<!tpu.dma_semaphore, #tpu.memory_space<semaphore_mem>>)
    %dma_wait3A_79 = arith.constant 1 : i32
    %dma_wait3A_80 = tpu.memref_slice %arg3[%dma_wait3A_79, %add3A_49] : memref<2x320000xi32, #tpu.memory_space<hbm>> -> memref<1x1000xi32, #tpu.memory_space<hbm>>
    %dma_wait3A_81 = tpu.memref_squeeze %dma_wait3A_80 : memref<1x1000xi32, #tpu.memory_space<hbm>> -> memref<1000xi32, #tpu.memory_space<hbm>>
    %dma_wait3A_82 = tpu.memref_slice %arg3[%dma_wait3A_79, %add3A_49] : memref<2x320000xi32, #tpu.memory_space<hbm>> -> memref<1x1000xi32, #tpu.memory_space<hbm>>
    %dma_wait3A_83 = tpu.memref_squeeze %dma_wait3A_82 : memref<1x1000xi32, #tpu.memory_space<hbm>> -> memref<1000xi32, #tpu.memory_space<hbm>>
    tpu.wait_dma2 semaphore(%arg16 : memref<!tpu.dma_semaphore, #tpu.memory_space<semaphore_mem>>) src(%dma_wait3A_83 : memref<1000xi32, #tpu.memory_space<hbm>>) dst(%arg8 : memref<1000xi32, #tpu.memory_space<vmem>>)
    %dma_wait3A_84 = arith.constant 2000 : i32
    %dma_wait3A_85 = tpu.memref_slice %arg7[%dma_wait3A_84] : memref<10000xi32, #tpu.memory_space<vmem>> -> memref<1000xi32, #tpu.memory_space<vmem>>
    %dma_wait3A_86 = arith.constant 0 : i32
    %dma_wait3A_87 = arith.constant 0 : i32
    %dma_wait3A_88 = tpu.memref_slice %arg2[%dma_wait3A_86, %dma_wait3A_87] : memref<10240x8xf32, #tpu.memory_space<hbm>> -> memref<10240x8xf32, #tpu.memory_space<hbm>>
    tpu.wait_indirect_dma semaphore(%arg15 : memref<!tpu.dma_semaphore, #tpu.memory_space<semaphore_mem>>) src(%dma_wait3A_88 : memref<10240x8xf32, #tpu.memory_space<hbm>>) dst(%arg12 : memref<1000x8xf32, #tpu.memory_space<vmem>>)
    %dma_start3A_89 = arith.constant 4000 : i32
    %dma_start3A_90 = tpu.memref_slice %arg7[%dma_start3A_89] : memref<10000xi32, #tpu.memory_space<vmem>> -> memref<1000xi32, #tpu.memory_space<vmem>>
    %dma_start3A_91 = arith.constant 0 : i32
    %dma_start3A_92 = arith.constant 0 : i32
    %dma_start3A_93 = tpu.memref_slice %arg2[%dma_start3A_91, %dma_start3A_92] : memref<10240x8xf32, #tpu.memory_space<hbm>> -> memref<10240x8xf32, #tpu.memory_space<hbm>>
    tpu.enqueue_indirect_dma source(%dma_start3A_93 : memref<10240x8xf32, #tpu.memory_space<hbm>>) target(%arg11 : memref<1000x8xf32, #tpu.memory_space<vmem>>) offsets(%dma_start3A_90 : memref<1000xi32, #tpu.memory_space<vmem>>) semaphore(%arg14 : memref<!tpu.dma_semaphore, #tpu.memory_space<semaphore_mem>>)
    "tpu.region"() ({
      %run_scoped3A_251 = tpu.sem_alloc : memref<!tpu.dma_semaphore, #tpu.memory_space<semaphore_mem>>
      %dma_start3A_252 = arith.constant 0 : i32
      %dma_start3A_253 = arith.constant 0 : i32
      %dma_start3A_254 = tpu.memref_slice %arg6[%dma_start3A_252, %dma_start3A_253] : memref<10240x8xf32, #tpu.memory_space<vmem_shared>> -> memref<10240x8xf32, #tpu.memory_space<vmem_shared>>
      tpu.enqueue_indirect_dma source(%arg12 : memref<1000x8xf32, #tpu.memory_space<vmem>>) target(%dma_start3A_254 : memref<10240x8xf32, #tpu.memory_space<vmem_shared>>) offsets(%arg8 : memref<1000xi32, #tpu.memory_space<vmem>>) semaphore(%run_scoped3A_251 : memref<!tpu.dma_semaphore, #tpu.memory_space<semaphore_mem>>) {add = true}
      %dma_wait3A_255 = arith.constant 0 : i32
      %dma_wait3A_256 = arith.constant 0 : i32
      %dma_wait3A_257 = tpu.memref_slice %arg6[%dma_wait3A_255, %dma_wait3A_256] : memref<10240x8xf32, #tpu.memory_space<vmem_shared>> -> memref<10240x8xf32, #tpu.memory_space<vmem_shared>>
      tpu.wait_indirect_dma semaphore(%run_scoped3A_251 : memref<!tpu.dma_semaphore, #tpu.memory_space<semaphore_mem>>) src(%arg12 : memref<1000x8xf32, #tpu.memory_space<vmem>>) dst(%dma_wait3A_257 : memref<10240x8xf32, #tpu.memory_space<vmem_shared>>)
      tpu.yield
    }) : () -> ()
    %mul3A_94 = arith.constant 10000 : i32
    %mul3A_95 = arith.muli %add3A, %mul3A_94 : i32
    %add3A_96 = arith.constant 4000 : i32
    %add3A_97 = arith.addi %mul3A_95, %add3A_96 : i32
    %dma_start3A_98 = arith.constant 1 : i32
    %dma_start3A_99 = tpu.memref_slice %arg3[%dma_start3A_98, %add3A_97] : memref<2x320000xi32, #tpu.memory_space<hbm>> -> memref<1x1000xi32, #tpu.memory_space<hbm>>
    %dma_start3A_100 = tpu.memref_squeeze %dma_start3A_99 : memref<1x1000xi32, #tpu.memory_space<hbm>> -> memref<1000xi32, #tpu.memory_space<hbm>>
    %dma_start3A_101 = tpu.memref_slice %arg3[%dma_start3A_98, %add3A_97] : memref<2x320000xi32, #tpu.memory_space<hbm>> -> memref<1x1000xi32, #tpu.memory_space<hbm>>
    %dma_start3A_102 = tpu.memref_squeeze %dma_start3A_101 : memref<1x1000xi32, #tpu.memory_space<hbm>> -> memref<1000xi32, #tpu.memory_space<hbm>>
    tpu.enqueue_dma source(%dma_start3A_102 : memref<1000xi32, #tpu.memory_space<hbm>>) target(%arg8 : memref<1000xi32, #tpu.memory_space<vmem>>) target_semaphore(%arg16 : memref<!tpu.dma_semaphore, #tpu.memory_space<semaphore_mem>>)
    %dma_wait3A_103 = arith.constant 1 : i32
    %dma_wait3A_104 = tpu.memref_slice %arg3[%dma_wait3A_103, %add3A_73] : memref<2x320000xi32, #tpu.memory_space<hbm>> -> memref<1x1000xi32, #tpu.memory_space<hbm>>
    %dma_wait3A_105 = tpu.memref_squeeze %dma_wait3A_104 : memref<1x1000xi32, #tpu.memory_space<hbm>> -> memref<1000xi32, #tpu.memory_space<hbm>>
    %dma_wait3A_106 = tpu.memref_slice %arg3[%dma_wait3A_103, %add3A_73] : memref<2x320000xi32, #tpu.memory_space<hbm>> -> memref<1x1000xi32, #tpu.memory_space<hbm>>
    %dma_wait3A_107 = tpu.memref_squeeze %dma_wait3A_106 : memref<1x1000xi32, #tpu.memory_space<hbm>> -> memref<1000xi32, #tpu.memory_space<hbm>>
    tpu.wait_dma2 semaphore(%arg17 : memref<!tpu.dma_semaphore, #tpu.memory_space<semaphore_mem>>) src(%dma_wait3A_107 : memref<1000xi32, #tpu.memory_space<hbm>>) dst(%arg9 : memref<1000xi32, #tpu.memory_space<vmem>>)
    %dma_wait3A_108 = arith.constant 3000 : i32
    %dma_wait3A_109 = tpu.memref_slice %arg7[%dma_wait3A_108] : memref<10000xi32, #tpu.memory_space<vmem>> -> memref<1000xi32, #tpu.memory_space<vmem>>
    %dma_wait3A_110 = arith.constant 0 : i32
    %dma_wait3A_111 = arith.constant 0 : i32
    %dma_wait3A_112 = tpu.memref_slice %arg2[%dma_wait3A_110, %dma_wait3A_111] : memref<10240x8xf32, #tpu.memory_space<hbm>> -> memref<10240x8xf32, #tpu.memory_space<hbm>>
    tpu.wait_indirect_dma semaphore(%arg13 : memref<!tpu.dma_semaphore, #tpu.memory_space<semaphore_mem>>) src(%dma_wait3A_112 : memref<10240x8xf32, #tpu.memory_space<hbm>>) dst(%arg10 : memref<1000x8xf32, #tpu.memory_space<vmem>>)
    %dma_start3A_113 = arith.constant 5000 : i32
    %dma_start3A_114 = tpu.memref_slice %arg7[%dma_start3A_113] : memref<10000xi32, #tpu.memory_space<vmem>> -> memref<1000xi32, #tpu.memory_space<vmem>>
    %dma_start3A_115 = arith.constant 0 : i32
    %dma_start3A_116 = arith.constant 0 : i32
    %dma_start3A_117 = tpu.memref_slice %arg2[%dma_start3A_115, %dma_start3A_116] : memref<10240x8xf32, #tpu.memory_space<hbm>> -> memref<10240x8xf32, #tpu.memory_space<hbm>>
    tpu.enqueue_indirect_dma source(%dma_start3A_117 : memref<10240x8xf32, #tpu.memory_space<hbm>>) target(%arg12 : memref<1000x8xf32, #tpu.memory_space<vmem>>) offsets(%dma_start3A_114 : memref<1000xi32, #tpu.memory_space<vmem>>) semaphore(%arg15 : memref<!tpu.dma_semaphore, #tpu.memory_space<semaphore_mem>>)
    "tpu.region"() ({
      %run_scoped3A_251 = tpu.sem_alloc : memref<!tpu.dma_semaphore, #tpu.memory_space<semaphore_mem>>
      %dma_start3A_252 = arith.constant 0 : i32
      %dma_start3A_253 = arith.constant 0 : i32
      %dma_start3A_254 = tpu.memref_slice %arg6[%dma_start3A_252, %dma_start3A_253] : memref<10240x8xf32, #tpu.memory_space<vmem_shared>> -> memref<10240x8xf32, #tpu.memory_space<vmem_shared>>
      tpu.enqueue_indirect_dma source(%arg10 : memref<1000x8xf32, #tpu.memory_space<vmem>>) target(%dma_start3A_254 : memref<10240x8xf32, #tpu.memory_space<vmem_shared>>) offsets(%arg9 : memref<1000xi32, #tpu.memory_space<vmem>>) semaphore(%run_scoped3A_251 : memref<!tpu.dma_semaphore, #tpu.memory_space<semaphore_mem>>) {add = true}
      %dma_wait3A_255 = arith.constant 0 : i32
      %dma_wait3A_256 = arith.constant 0 : i32
      %dma_wait3A_257 = tpu.memref_slice %arg6[%dma_wait3A_255, %dma_wait3A_256] : memref<10240x8xf32, #tpu.memory_space<vmem_shared>> -> memref<10240x8xf32, #tpu.memory_space<vmem_shared>>
      tpu.wait_indirect_dma semaphore(%run_scoped3A_251 : memref<!tpu.dma_semaphore, #tpu.memory_space<semaphore_mem>>) src(%arg10 : memref<1000x8xf32, #tpu.memory_space<vmem>>) dst(%dma_wait3A_257 : memref<10240x8xf32, #tpu.memory_space<vmem_shared>>)
      tpu.yield
    }) : () -> ()
    %mul3A_118 = arith.constant 10000 : i32
    %mul3A_119 = arith.muli %add3A, %mul3A_118 : i32
    %add3A_120 = arith.constant 5000 : i32
    %add3A_121 = arith.addi %mul3A_119, %add3A_120 : i32
    %dma_start3A_122 = arith.constant 1 : i32
    %dma_start3A_123 = tpu.memref_slice %arg3[%dma_start3A_122, %add3A_121] : memref<2x320000xi32, #tpu.memory_space<hbm>> -> memref<1x1000xi32, #tpu.memory_space<hbm>>
    %dma_start3A_124 = tpu.memref_squeeze %dma_start3A_123 : memref<1x1000xi32, #tpu.memory_space<hbm>> -> memref<1000xi32, #tpu.memory_space<hbm>>
    %dma_start3A_125 = tpu.memref_slice %arg3[%dma_start3A_122, %add3A_121] : memref<2x320000xi32, #tpu.memory_space<hbm>> -> memref<1x1000xi32, #tpu.memory_space<hbm>>
    %dma_start3A_126 = tpu.memref_squeeze %dma_start3A_125 : memref<1x1000xi32, #tpu.memory_space<hbm>> -> memref<1000xi32, #tpu.memory_space<hbm>>
    tpu.enqueue_dma source(%dma_start3A_126 : memref<1000xi32, #tpu.memory_space<hbm>>) target(%arg9 : memref<1000xi32, #tpu.memory_space<vmem>>) target_semaphore(%arg17 : memref<!tpu.dma_semaphore, #tpu.memory_space<semaphore_mem>>)
    %dma_wait3A_127 = arith.constant 1 : i32
    %dma_wait3A_128 = tpu.memref_slice %arg3[%dma_wait3A_127, %add3A_97] : memref<2x320000xi32, #tpu.memory_space<hbm>> -> memref<1x1000xi32, #tpu.memory_space<hbm>>
    %dma_wait3A_129 = tpu.memref_squeeze %dma_wait3A_128 : memref<1x1000xi32, #tpu.memory_space<hbm>> -> memref<1000xi32, #tpu.memory_space<hbm>>
    %dma_wait3A_130 = tpu.memref_slice %arg3[%dma_wait3A_127, %add3A_97] : memref<2x320000xi32, #tpu.memory_space<hbm>> -> memref<1x1000xi32, #tpu.memory_space<hbm>>
    %dma_wait3A_131 = tpu.memref_squeeze %dma_wait3A_130 : memref<1x1000xi32, #tpu.memory_space<hbm>> -> memref<1000xi32, #tpu.memory_space<hbm>>
    tpu.wait_dma2 semaphore(%arg16 : memref<!tpu.dma_semaphore, #tpu.memory_space<semaphore_mem>>) src(%dma_wait3A_131 : memref<1000xi32, #tpu.memory_space<hbm>>) dst(%arg8 : memref<1000xi32, #tpu.memory_space<vmem>>)
    %dma_wait3A_132 = arith.constant 4000 : i32
    %dma_wait3A_133 = tpu.memref_slice %arg7[%dma_wait3A_132] : memref<10000xi32, #tpu.memory_space<vmem>> -> memref<1000xi32, #tpu.memory_space<vmem>>
    %dma_wait3A_134 = arith.constant 0 : i32
    %dma_wait3A_135 = arith.constant 0 : i32
    %dma_wait3A_136 = tpu.memref_slice %arg2[%dma_wait3A_134, %dma_wait3A_135] : memref<10240x8xf32, #tpu.memory_space<hbm>> -> memref<10240x8xf32, #tpu.memory_space<hbm>>
    tpu.wait_indirect_dma semaphore(%arg14 : memref<!tpu.dma_semaphore, #tpu.memory_space<semaphore_mem>>) src(%dma_wait3A_136 : memref<10240x8xf32, #tpu.memory_space<hbm>>) dst(%arg11 : memref<1000x8xf32, #tpu.memory_space<vmem>>)
    %dma_start3A_137 = arith.constant 6000 : i32
    %dma_start3A_138 = tpu.memref_slice %arg7[%dma_start3A_137] : memref<10000xi32, #tpu.memory_space<vmem>> -> memref<1000xi32, #tpu.memory_space<vmem>>
    %dma_start3A_139 = arith.constant 0 : i32
    %dma_start3A_140 = arith.constant 0 : i32
    %dma_start3A_141 = tpu.memref_slice %arg2[%dma_start3A_139, %dma_start3A_140] : memref<10240x8xf32, #tpu.memory_space<hbm>> -> memref<10240x8xf32, #tpu.memory_space<hbm>>
    tpu.enqueue_indirect_dma source(%dma_start3A_141 : memref<10240x8xf32, #tpu.memory_space<hbm>>) target(%arg10 : memref<1000x8xf32, #tpu.memory_space<vmem>>) offsets(%dma_start3A_138 : memref<1000xi32, #tpu.memory_space<vmem>>) semaphore(%arg13 : memref<!tpu.dma_semaphore, #tpu.memory_space<semaphore_mem>>)
    "tpu.region"() ({
      %run_scoped3A_251 = tpu.sem_alloc : memref<!tpu.dma_semaphore, #tpu.memory_space<semaphore_mem>>
      %dma_start3A_252 = arith.constant 0 : i32
      %dma_start3A_253 = arith.constant 0 : i32
      %dma_start3A_254 = tpu.memref_slice %arg6[%dma_start3A_252, %dma_start3A_253] : memref<10240x8xf32, #tpu.memory_space<vmem_shared>> -> memref<10240x8xf32, #tpu.memory_space<vmem_shared>>
      tpu.enqueue_indirect_dma source(%arg11 : memref<1000x8xf32, #tpu.memory_space<vmem>>) target(%dma_start3A_254 : memref<10240x8xf32, #tpu.memory_space<vmem_shared>>) offsets(%arg8 : memref<1000xi32, #tpu.memory_space<vmem>>) semaphore(%run_scoped3A_251 : memref<!tpu.dma_semaphore, #tpu.memory_space<semaphore_mem>>) {add = true}
      %dma_wait3A_255 = arith.constant 0 : i32
      %dma_wait3A_256 = arith.constant 0 : i32
      %dma_wait3A_257 = tpu.memref_slice %arg6[%dma_wait3A_255, %dma_wait3A_256] : memref<10240x8xf32, #tpu.memory_space<vmem_shared>> -> memref<10240x8xf32, #tpu.memory_space<vmem_shared>>
      tpu.wait_indirect_dma semaphore(%run_scoped3A_251 : memref<!tpu.dma_semaphore, #tpu.memory_space<semaphore_mem>>) src(%arg11 : memref<1000x8xf32, #tpu.memory_space<vmem>>) dst(%dma_wait3A_257 : memref<10240x8xf32, #tpu.memory_space<vmem_shared>>)
      tpu.yield
    }) : () -> ()
    %mul3A_142 = arith.constant 10000 : i32
    %mul3A_143 = arith.muli %add3A, %mul3A_142 : i32
    %add3A_144 = arith.constant 6000 : i32
    %add3A_145 = arith.addi %mul3A_143, %add3A_144 : i32
    %dma_start3A_146 = arith.constant 1 : i32
    %dma_start3A_147 = tpu.memref_slice %arg3[%dma_start3A_146, %add3A_145] : memref<2x320000xi32, #tpu.memory_space<hbm>> -> memref<1x1000xi32, #tpu.memory_space<hbm>>
    %dma_start3A_148 = tpu.memref_squeeze %dma_start3A_147 : memref<1x1000xi32, #tpu.memory_space<hbm>> -> memref<1000xi32, #tpu.memory_space<hbm>>
    %dma_start3A_149 = tpu.memref_slice %arg3[%dma_start3A_146, %add3A_145] : memref<2x320000xi32, #tpu.memory_space<hbm>> -> memref<1x1000xi32, #tpu.memory_space<hbm>>
    %dma_start3A_150 = tpu.memref_squeeze %dma_start3A_149 : memref<1x1000xi32, #tpu.memory_space<hbm>> -> memref<1000xi32, #tpu.memory_space<hbm>>
    tpu.enqueue_dma source(%dma_start3A_150 : memref<1000xi32, #tpu.memory_space<hbm>>) target(%arg8 : memref<1000xi32, #tpu.memory_space<vmem>>) target_semaphore(%arg16 : memref<!tpu.dma_semaphore, #tpu.memory_space<semaphore_mem>>)
    %dma_wait3A_151 = arith.constant 1 : i32
    %dma_wait3A_152 = tpu.memref_slice %arg3[%dma_wait3A_151, %add3A_121] : memref<2x320000xi32, #tpu.memory_space<hbm>> -> memref<1x1000xi32, #tpu.memory_space<hbm>>
    %dma_wait3A_153 = tpu.memref_squeeze %dma_wait3A_152 : memref<1x1000xi32, #tpu.memory_space<hbm>> -> memref<1000xi32, #tpu.memory_space<hbm>>
    %dma_wait3A_154 = tpu.memref_slice %arg3[%dma_wait3A_151, %add3A_121] : memref<2x320000xi32, #tpu.memory_space<hbm>> -> memref<1x1000xi32, #tpu.memory_space<hbm>>
    %dma_wait3A_155 = tpu.memref_squeeze %dma_wait3A_154 : memref<1x1000xi32, #tpu.memory_space<hbm>> -> memref<1000xi32, #tpu.memory_space<hbm>>
    tpu.wait_dma2 semaphore(%arg17 : memref<!tpu.dma_semaphore, #tpu.memory_space<semaphore_mem>>) src(%dma_wait3A_155 : memref<1000xi32, #tpu.memory_space<hbm>>) dst(%arg9 : memref<1000xi32, #tpu.memory_space<vmem>>)
    %dma_wait3A_156 = arith.constant 5000 : i32
    %dma_wait3A_157 = tpu.memref_slice %arg7[%dma_wait3A_156] : memref<10000xi32, #tpu.memory_space<vmem>> -> memref<1000xi32, #tpu.memory_space<vmem>>
    %dma_wait3A_158 = arith.constant 0 : i32
    %dma_wait3A_159 = arith.constant 0 : i32
    %dma_wait3A_160 = tpu.memref_slice %arg2[%dma_wait3A_158, %dma_wait3A_159] : memref<10240x8xf32, #tpu.memory_space<hbm>> -> memref<10240x8xf32, #tpu.memory_space<hbm>>
    tpu.wait_indirect_dma semaphore(%arg15 : memref<!tpu.dma_semaphore, #tpu.memory_space<semaphore_mem>>) src(%dma_wait3A_160 : memref<10240x8xf32, #tpu.memory_space<hbm>>) dst(%arg12 : memref<1000x8xf32, #tpu.memory_space<vmem>>)
    %dma_start3A_161 = arith.constant 7000 : i32
    %dma_start3A_162 = tpu.memref_slice %arg7[%dma_start3A_161] : memref<10000xi32, #tpu.memory_space<vmem>> -> memref<1000xi32, #tpu.memory_space<vmem>>
    %dma_start3A_163 = arith.constant 0 : i32
    %dma_start3A_164 = arith.constant 0 : i32
    %dma_start3A_165 = tpu.memref_slice %arg2[%dma_start3A_163, %dma_start3A_164] : memref<10240x8xf32, #tpu.memory_space<hbm>> -> memref<10240x8xf32, #tpu.memory_space<hbm>>
    tpu.enqueue_indirect_dma source(%dma_start3A_165 : memref<10240x8xf32, #tpu.memory_space<hbm>>) target(%arg11 : memref<1000x8xf32, #tpu.memory_space<vmem>>) offsets(%dma_start3A_162 : memref<1000xi32, #tpu.memory_space<vmem>>) semaphore(%arg14 : memref<!tpu.dma_semaphore, #tpu.memory_space<semaphore_mem>>)
    "tpu.region"() ({
      %run_scoped3A_251 = tpu.sem_alloc : memref<!tpu.dma_semaphore, #tpu.memory_space<semaphore_mem>>
      %dma_start3A_252 = arith.constant 0 : i32
      %dma_start3A_253 = arith.constant 0 : i32
      %dma_start3A_254 = tpu.memref_slice %arg6[%dma_start3A_252, %dma_start3A_253] : memref<10240x8xf32, #tpu.memory_space<vmem_shared>> -> memref<10240x8xf32, #tpu.memory_space<vmem_shared>>
      tpu.enqueue_indirect_dma source(%arg12 : memref<1000x8xf32, #tpu.memory_space<vmem>>) target(%dma_start3A_254 : memref<10240x8xf32, #tpu.memory_space<vmem_shared>>) offsets(%arg9 : memref<1000xi32, #tpu.memory_space<vmem>>) semaphore(%run_scoped3A_251 : memref<!tpu.dma_semaphore, #tpu.memory_space<semaphore_mem>>) {add = true}
      %dma_wait3A_255 = arith.constant 0 : i32
      %dma_wait3A_256 = arith.constant 0 : i32
      %dma_wait3A_257 = tpu.memref_slice %arg6[%dma_wait3A_255, %dma_wait3A_256] : memref<10240x8xf32, #tpu.memory_space<vmem_shared>> -> memref<10240x8xf32, #tpu.memory_space<vmem_shared>>
      tpu.wait_indirect_dma semaphore(%run_scoped3A_251 : memref<!tpu.dma_semaphore, #tpu.memory_space<semaphore_mem>>) src(%arg12 : memref<1000x8xf32, #tpu.memory_space<vmem>>) dst(%dma_wait3A_257 : memref<10240x8xf32, #tpu.memory_space<vmem_shared>>)
      tpu.yield
    }) : () -> ()
    %mul3A_166 = arith.constant 10000 : i32
    %mul3A_167 = arith.muli %add3A, %mul3A_166 : i32
    %add3A_168 = arith.constant 7000 : i32
    %add3A_169 = arith.addi %mul3A_167, %add3A_168 : i32
    %dma_start3A_170 = arith.constant 1 : i32
    %dma_start3A_171 = tpu.memref_slice %arg3[%dma_start3A_170, %add3A_169] : memref<2x320000xi32, #tpu.memory_space<hbm>> -> memref<1x1000xi32, #tpu.memory_space<hbm>>
    %dma_start3A_172 = tpu.memref_squeeze %dma_start3A_171 : memref<1x1000xi32, #tpu.memory_space<hbm>> -> memref<1000xi32, #tpu.memory_space<hbm>>
    %dma_start3A_173 = tpu.memref_slice %arg3[%dma_start3A_170, %add3A_169] : memref<2x320000xi32, #tpu.memory_space<hbm>> -> memref<1x1000xi32, #tpu.memory_space<hbm>>
    %dma_start3A_174 = tpu.memref_squeeze %dma_start3A_173 : memref<1x1000xi32, #tpu.memory_space<hbm>> -> memref<1000xi32, #tpu.memory_space<hbm>>
    tpu.enqueue_dma source(%dma_start3A_174 : memref<1000xi32, #tpu.memory_space<hbm>>) target(%arg9 : memref<1000xi32, #tpu.memory_space<vmem>>) target_semaphore(%arg17 : memref<!tpu.dma_semaphore, #tpu.memory_space<semaphore_mem>>)
    %dma_wait3A_175 = arith.constant 1 : i32
    %dma_wait3A_176 = tpu.memref_slice %arg3[%dma_wait3A_175, %add3A_145] : memref<2x320000xi32, #tpu.memory_space<hbm>> -> memref<1x1000xi32, #tpu.memory_space<hbm>>
    %dma_wait3A_177 = tpu.memref_squeeze %dma_wait3A_176 : memref<1x1000xi32, #tpu.memory_space<hbm>> -> memref<1000xi32, #tpu.memory_space<hbm>>
    %dma_wait3A_178 = tpu.memref_slice %arg3[%dma_wait3A_175, %add3A_145] : memref<2x320000xi32, #tpu.memory_space<hbm>> -> memref<1x1000xi32, #tpu.memory_space<hbm>>
    %dma_wait3A_179 = tpu.memref_squeeze %dma_wait3A_178 : memref<1x1000xi32, #tpu.memory_space<hbm>> -> memref<1000xi32, #tpu.memory_space<hbm>>
    tpu.wait_dma2 semaphore(%arg16 : memref<!tpu.dma_semaphore, #tpu.memory_space<semaphore_mem>>) src(%dma_wait3A_179 : memref<1000xi32, #tpu.memory_space<hbm>>) dst(%arg8 : memref<1000xi32, #tpu.memory_space<vmem>>)
    %dma_wait3A_180 = arith.constant 6000 : i32
    %dma_wait3A_181 = tpu.memref_slice %arg7[%dma_wait3A_180] : memref<10000xi32, #tpu.memory_space<vmem>> -> memref<1000xi32, #tpu.memory_space<vmem>>
    %dma_wait3A_182 = arith.constant 0 : i32
    %dma_wait3A_183 = arith.constant 0 : i32
    %dma_wait3A_184 = tpu.memref_slice %arg2[%dma_wait3A_182, %dma_wait3A_183] : memref<10240x8xf32, #tpu.memory_space<hbm>> -> memref<10240x8xf32, #tpu.memory_space<hbm>>
    tpu.wait_indirect_dma semaphore(%arg13 : memref<!tpu.dma_semaphore, #tpu.memory_space<semaphore_mem>>) src(%dma_wait3A_184 : memref<10240x8xf32, #tpu.memory_space<hbm>>) dst(%arg10 : memref<1000x8xf32, #tpu.memory_space<vmem>>)
    %dma_start3A_185 = arith.constant 8000 : i32
    %dma_start3A_186 = tpu.memref_slice %arg7[%dma_start3A_185] : memref<10000xi32, #tpu.memory_space<vmem>> -> memref<1000xi32, #tpu.memory_space<vmem>>
    %dma_start3A_187 = arith.constant 0 : i32
    %dma_start3A_188 = arith.constant 0 : i32
    %dma_start3A_189 = tpu.memref_slice %arg2[%dma_start3A_187, %dma_start3A_188] : memref<10240x8xf32, #tpu.memory_space<hbm>> -> memref<10240x8xf32, #tpu.memory_space<hbm>>
    tpu.enqueue_indirect_dma source(%dma_start3A_189 : memref<10240x8xf32, #tpu.memory_space<hbm>>) target(%arg12 : memref<1000x8xf32, #tpu.memory_space<vmem>>) offsets(%dma_start3A_186 : memref<1000xi32, #tpu.memory_space<vmem>>) semaphore(%arg15 : memref<!tpu.dma_semaphore, #tpu.memory_space<semaphore_mem>>)
    "tpu.region"() ({
      %run_scoped3A_251 = tpu.sem_alloc : memref<!tpu.dma_semaphore, #tpu.memory_space<semaphore_mem>>
      %dma_start3A_252 = arith.constant 0 : i32
      %dma_start3A_253 = arith.constant 0 : i32
      %dma_start3A_254 = tpu.memref_slice %arg6[%dma_start3A_252, %dma_start3A_253] : memref<10240x8xf32, #tpu.memory_space<vmem_shared>> -> memref<10240x8xf32, #tpu.memory_space<vmem_shared>>
      tpu.enqueue_indirect_dma source(%arg10 : memref<1000x8xf32, #tpu.memory_space<vmem>>) target(%dma_start3A_254 : memref<10240x8xf32, #tpu.memory_space<vmem_shared>>) offsets(%arg8 : memref<1000xi32, #tpu.memory_space<vmem>>) semaphore(%run_scoped3A_251 : memref<!tpu.dma_semaphore, #tpu.memory_space<semaphore_mem>>) {add = true}
      %dma_wait3A_255 = arith.constant 0 : i32
      %dma_wait3A_256 = arith.constant 0 : i32
      %dma_wait3A_257 = tpu.memref_slice %arg6[%dma_wait3A_255, %dma_wait3A_256] : memref<10240x8xf32, #tpu.memory_space<vmem_shared>> -> memref<10240x8xf32, #tpu.memory_space<vmem_shared>>
      tpu.wait_indirect_dma semaphore(%run_scoped3A_251 : memref<!tpu.dma_semaphore, #tpu.memory_space<semaphore_mem>>) src(%arg10 : memref<1000x8xf32, #tpu.memory_space<vmem>>) dst(%dma_wait3A_257 : memref<10240x8xf32, #tpu.memory_space<vmem_shared>>)
      tpu.yield
    }) : () -> ()
    %mul3A_190 = arith.constant 10000 : i32
    %mul3A_191 = arith.muli %add3A, %mul3A_190 : i32
    %add3A_192 = arith.constant 8000 : i32
    %add3A_193 = arith.addi %mul3A_191, %add3A_192 : i32
    %dma_start3A_194 = arith.constant 1 : i32
    %dma_start3A_195 = tpu.memref_slice %arg3[%dma_start3A_194, %add3A_193] : memref<2x320000xi32, #tpu.memory_space<hbm>> -> memref<1x1000xi32, #tpu.memory_space<hbm>>
    %dma_start3A_196 = tpu.memref_squeeze %dma_start3A_195 : memref<1x1000xi32, #tpu.memory_space<hbm>> -> memref<1000xi32, #tpu.memory_space<hbm>>
    %dma_start3A_197 = tpu.memref_slice %arg3[%dma_start3A_194, %add3A_193] : memref<2x320000xi32, #tpu.memory_space<hbm>> -> memref<1x1000xi32, #tpu.memory_space<hbm>>
    %dma_start3A_198 = tpu.memref_squeeze %dma_start3A_197 : memref<1x1000xi32, #tpu.memory_space<hbm>> -> memref<1000xi32, #tpu.memory_space<hbm>>
    tpu.enqueue_dma source(%dma_start3A_198 : memref<1000xi32, #tpu.memory_space<hbm>>) target(%arg8 : memref<1000xi32, #tpu.memory_space<vmem>>) target_semaphore(%arg16 : memref<!tpu.dma_semaphore, #tpu.memory_space<semaphore_mem>>)
    %dma_wait3A_199 = arith.constant 1 : i32
    %dma_wait3A_200 = tpu.memref_slice %arg3[%dma_wait3A_199, %add3A_169] : memref<2x320000xi32, #tpu.memory_space<hbm>> -> memref<1x1000xi32, #tpu.memory_space<hbm>>
    %dma_wait3A_201 = tpu.memref_squeeze %dma_wait3A_200 : memref<1x1000xi32, #tpu.memory_space<hbm>> -> memref<1000xi32, #tpu.memory_space<hbm>>
    %dma_wait3A_202 = tpu.memref_slice %arg3[%dma_wait3A_199, %add3A_169] : memref<2x320000xi32, #tpu.memory_space<hbm>> -> memref<1x1000xi32, #tpu.memory_space<hbm>>
    %dma_wait3A_203 = tpu.memref_squeeze %dma_wait3A_202 : memref<1x1000xi32, #tpu.memory_space<hbm>> -> memref<1000xi32, #tpu.memory_space<hbm>>
    tpu.wait_dma2 semaphore(%arg17 : memref<!tpu.dma_semaphore, #tpu.memory_space<semaphore_mem>>) src(%dma_wait3A_203 : memref<1000xi32, #tpu.memory_space<hbm>>) dst(%arg9 : memref<1000xi32, #tpu.memory_space<vmem>>)
    %dma_wait3A_204 = arith.constant 7000 : i32
    %dma_wait3A_205 = tpu.memref_slice %arg7[%dma_wait3A_204] : memref<10000xi32, #tpu.memory_space<vmem>> -> memref<1000xi32, #tpu.memory_space<vmem>>
    %dma_wait3A_206 = arith.constant 0 : i32
    %dma_wait3A_207 = arith.constant 0 : i32
    %dma_wait3A_208 = tpu.memref_slice %arg2[%dma_wait3A_206, %dma_wait3A_207] : memref<10240x8xf32, #tpu.memory_space<hbm>> -> memref<10240x8xf32, #tpu.memory_space<hbm>>
    tpu.wait_indirect_dma semaphore(%arg14 : memref<!tpu.dma_semaphore, #tpu.memory_space<semaphore_mem>>) src(%dma_wait3A_208 : memref<10240x8xf32, #tpu.memory_space<hbm>>) dst(%arg11 : memref<1000x8xf32, #tpu.memory_space<vmem>>)
    %dma_start3A_209 = arith.constant 9000 : i32
    %dma_start3A_210 = tpu.memref_slice %arg7[%dma_start3A_209] : memref<10000xi32, #tpu.memory_space<vmem>> -> memref<1000xi32, #tpu.memory_space<vmem>>
    %dma_start3A_211 = arith.constant 0 : i32
    %dma_start3A_212 = arith.constant 0 : i32
    %dma_start3A_213 = tpu.memref_slice %arg2[%dma_start3A_211, %dma_start3A_212] : memref<10240x8xf32, #tpu.memory_space<hbm>> -> memref<10240x8xf32, #tpu.memory_space<hbm>>
    tpu.enqueue_indirect_dma source(%dma_start3A_213 : memref<10240x8xf32, #tpu.memory_space<hbm>>) target(%arg10 : memref<1000x8xf32, #tpu.memory_space<vmem>>) offsets(%dma_start3A_210 : memref<1000xi32, #tpu.memory_space<vmem>>) semaphore(%arg13 : memref<!tpu.dma_semaphore, #tpu.memory_space<semaphore_mem>>)
    "tpu.region"() ({
      %run_scoped3A_251 = tpu.sem_alloc : memref<!tpu.dma_semaphore, #tpu.memory_space<semaphore_mem>>
      %dma_start3A_252 = arith.constant 0 : i32
      %dma_start3A_253 = arith.constant 0 : i32
      %dma_start3A_254 = tpu.memref_slice %arg6[%dma_start3A_252, %dma_start3A_253] : memref<10240x8xf32, #tpu.memory_space<vmem_shared>> -> memref<10240x8xf32, #tpu.memory_space<vmem_shared>>
      tpu.enqueue_indirect_dma source(%arg11 : memref<1000x8xf32, #tpu.memory_space<vmem>>) target(%dma_start3A_254 : memref<10240x8xf32, #tpu.memory_space<vmem_shared>>) offsets(%arg9 : memref<1000xi32, #tpu.memory_space<vmem>>) semaphore(%run_scoped3A_251 : memref<!tpu.dma_semaphore, #tpu.memory_space<semaphore_mem>>) {add = true}
      %dma_wait3A_255 = arith.constant 0 : i32
      %dma_wait3A_256 = arith.constant 0 : i32
      %dma_wait3A_257 = tpu.memref_slice %arg6[%dma_wait3A_255, %dma_wait3A_256] : memref<10240x8xf32, #tpu.memory_space<vmem_shared>> -> memref<10240x8xf32, #tpu.memory_space<vmem_shared>>
      tpu.wait_indirect_dma semaphore(%run_scoped3A_251 : memref<!tpu.dma_semaphore, #tpu.memory_space<semaphore_mem>>) src(%arg11 : memref<1000x8xf32, #tpu.memory_space<vmem>>) dst(%dma_wait3A_257 : memref<10240x8xf32, #tpu.memory_space<vmem_shared>>)
      tpu.yield
    }) : () -> ()
    %mul3A_214 = arith.constant 10000 : i32
    %mul3A_215 = arith.muli %add3A, %mul3A_214 : i32
    %add3A_216 = arith.constant 9000 : i32
    %add3A_217 = arith.addi %mul3A_215, %add3A_216 : i32
    %dma_start3A_218 = arith.constant 1 : i32
    %dma_start3A_219 = tpu.memref_slice %arg3[%dma_start3A_218, %add3A_217] : memref<2x320000xi32, #tpu.memory_space<hbm>> -> memref<1x1000xi32, #tpu.memory_space<hbm>>
    %dma_start3A_220 = tpu.memref_squeeze %dma_start3A_219 : memref<1x1000xi32, #tpu.memory_space<hbm>> -> memref<1000xi32, #tpu.memory_space<hbm>>
    %dma_start3A_221 = tpu.memref_slice %arg3[%dma_start3A_218, %add3A_217] : memref<2x320000xi32, #tpu.memory_space<hbm>> -> memref<1x1000xi32, #tpu.memory_space<hbm>>
    %dma_start3A_222 = tpu.memref_squeeze %dma_start3A_221 : memref<1x1000xi32, #tpu.memory_space<hbm>> -> memref<1000xi32, #tpu.memory_space<hbm>>
    tpu.enqueue_dma source(%dma_start3A_222 : memref<1000xi32, #tpu.memory_space<hbm>>) target(%arg9 : memref<1000xi32, #tpu.memory_space<vmem>>) target_semaphore(%arg17 : memref<!tpu.dma_semaphore, #tpu.memory_space<semaphore_mem>>)
    %dma_wait3A_223 = arith.constant 1 : i32
    %dma_wait3A_224 = tpu.memref_slice %arg3[%dma_wait3A_223, %add3A_193] : memref<2x320000xi32, #tpu.memory_space<hbm>> -> memref<1x1000xi32, #tpu.memory_space<hbm>>
    %dma_wait3A_225 = tpu.memref_squeeze %dma_wait3A_224 : memref<1x1000xi32, #tpu.memory_space<hbm>> -> memref<1000xi32, #tpu.memory_space<hbm>>
    %dma_wait3A_226 = tpu.memref_slice %arg3[%dma_wait3A_223, %add3A_193] : memref<2x320000xi32, #tpu.memory_space<hbm>> -> memref<1x1000xi32, #tpu.memory_space<hbm>>
    %dma_wait3A_227 = tpu.memref_squeeze %dma_wait3A_226 : memref<1x1000xi32, #tpu.memory_space<hbm>> -> memref<1000xi32, #tpu.memory_space<hbm>>
    tpu.wait_dma2 semaphore(%arg16 : memref<!tpu.dma_semaphore, #tpu.memory_space<semaphore_mem>>) src(%dma_wait3A_227 : memref<1000xi32, #tpu.memory_space<hbm>>) dst(%arg8 : memref<1000xi32, #tpu.memory_space<vmem>>)
    %dma_wait3A_228 = arith.constant 8000 : i32
    %dma_wait3A_229 = tpu.memref_slice %arg7[%dma_wait3A_228] : memref<10000xi32, #tpu.memory_space<vmem>> -> memref<1000xi32, #tpu.memory_space<vmem>>
    %dma_wait3A_230 = arith.constant 0 : i32
    %dma_wait3A_231 = arith.constant 0 : i32
    %dma_wait3A_232 = tpu.memref_slice %arg2[%dma_wait3A_230, %dma_wait3A_231] : memref<10240x8xf32, #tpu.memory_space<hbm>> -> memref<10240x8xf32, #tpu.memory_space<hbm>>
    tpu.wait_indirect_dma semaphore(%arg15 : memref<!tpu.dma_semaphore, #tpu.memory_space<semaphore_mem>>) src(%dma_wait3A_232 : memref<10240x8xf32, #tpu.memory_space<hbm>>) dst(%arg12 : memref<1000x8xf32, #tpu.memory_space<vmem>>)
    "tpu.region"() ({
      %run_scoped3A_251 = tpu.sem_alloc : memref<!tpu.dma_semaphore, #tpu.memory_space<semaphore_mem>>
      %dma_start3A_252 = arith.constant 0 : i32
      %dma_start3A_253 = arith.constant 0 : i32
      %dma_start3A_254 = tpu.memref_slice %arg6[%dma_start3A_252, %dma_start3A_253] : memref<10240x8xf32, #tpu.memory_space<vmem_shared>> -> memref<10240x8xf32, #tpu.memory_space<vmem_shared>>
      tpu.enqueue_indirect_dma source(%arg12 : memref<1000x8xf32, #tpu.memory_space<vmem>>) target(%dma_start3A_254 : memref<10240x8xf32, #tpu.memory_space<vmem_shared>>) offsets(%arg8 : memref<1000xi32, #tpu.memory_space<vmem>>) semaphore(%run_scoped3A_251 : memref<!tpu.dma_semaphore, #tpu.memory_space<semaphore_mem>>) {add = true}
      %dma_wait3A_255 = arith.constant 0 : i32
      %dma_wait3A_256 = arith.constant 0 : i32
      %dma_wait3A_257 = tpu.memref_slice %arg6[%dma_wait3A_255, %dma_wait3A_256] : memref<10240x8xf32, #tpu.memory_space<vmem_shared>> -> memref<10240x8xf32, #tpu.memory_space<vmem_shared>>
      tpu.wait_indirect_dma semaphore(%run_scoped3A_251 : memref<!tpu.dma_semaphore, #tpu.memory_space<semaphore_mem>>) src(%arg12 : memref<1000x8xf32, #tpu.memory_space<vmem>>) dst(%dma_wait3A_257 : memref<10240x8xf32, #tpu.memory_space<vmem_shared>>)
      tpu.yield
    }) : () -> ()
    %dma_wait3A_233 = arith.constant 1 : i32
    %dma_wait3A_234 = tpu.memref_slice %arg3[%dma_wait3A_233, %add3A_217] : memref<2x320000xi32, #tpu.memory_space<hbm>> -> memref<1x1000xi32, #tpu.memory_space<hbm>>
    %dma_wait3A_235 = tpu.memref_squeeze %dma_wait3A_234 : memref<1x1000xi32, #tpu.memory_space<hbm>> -> memref<1000xi32, #tpu.memory_space<hbm>>
    %dma_wait3A_236 = tpu.memref_slice %arg3[%dma_wait3A_233, %add3A_217] : memref<2x320000xi32, #tpu.memory_space<hbm>> -> memref<1x1000xi32, #tpu.memory_space<hbm>>
    %dma_wait3A_237 = tpu.memref_squeeze %dma_wait3A_236 : memref<1x1000xi32, #tpu.memory_space<hbm>> -> memref<1000xi32, #tpu.memory_space<hbm>>
    tpu.wait_dma2 semaphore(%arg17 : memref<!tpu.dma_semaphore, #tpu.memory_space<semaphore_mem>>) src(%dma_wait3A_237 : memref<1000xi32, #tpu.memory_space<hbm>>) dst(%arg9 : memref<1000xi32, #tpu.memory_space<vmem>>)
    %dma_wait3A_238 = arith.constant 9000 : i32
    %dma_wait3A_239 = tpu.memref_slice %arg7[%dma_wait3A_238] : memref<10000xi32, #tpu.memory_space<vmem>> -> memref<1000xi32, #tpu.memory_space<vmem>>
    %dma_wait3A_240 = arith.constant 0 : i32
    %dma_wait3A_241 = arith.constant 0 : i32
    %dma_wait3A_242 = tpu.memref_slice %arg2[%dma_wait3A_240, %dma_wait3A_241] : memref<10240x8xf32, #tpu.memory_space<hbm>> -> memref<10240x8xf32, #tpu.memory_space<hbm>>
    tpu.wait_indirect_dma semaphore(%arg13 : memref<!tpu.dma_semaphore, #tpu.memory_space<semaphore_mem>>) src(%dma_wait3A_242 : memref<10240x8xf32, #tpu.memory_space<hbm>>) dst(%arg10 : memref<1000x8xf32, #tpu.memory_space<vmem>>)
    "tpu.region"() ({
      %run_scoped3A_251 = tpu.sem_alloc : memref<!tpu.dma_semaphore, #tpu.memory_space<semaphore_mem>>
      %dma_start3A_252 = arith.constant 0 : i32
      %dma_start3A_253 = arith.constant 0 : i32
      %dma_start3A_254 = tpu.memref_slice %arg6[%dma_start3A_252, %dma_start3A_253] : memref<10240x8xf32, #tpu.memory_space<vmem_shared>> -> memref<10240x8xf32, #tpu.memory_space<vmem_shared>>
      tpu.enqueue_indirect_dma source(%arg10 : memref<1000x8xf32, #tpu.memory_space<vmem>>) target(%dma_start3A_254 : memref<10240x8xf32, #tpu.memory_space<vmem_shared>>) offsets(%arg9 : memref<1000xi32, #tpu.memory_space<vmem>>) semaphore(%run_scoped3A_251 : memref<!tpu.dma_semaphore, #tpu.memory_space<semaphore_mem>>) {add = true}
      %dma_wait3A_255 = arith.constant 0 : i32
      %dma_wait3A_256 = arith.constant 0 : i32
      %dma_wait3A_257 = tpu.memref_slice %arg6[%dma_wait3A_255, %dma_wait3A_256] : memref<10240x8xf32, #tpu.memory_space<vmem_shared>> -> memref<10240x8xf32, #tpu.memory_space<vmem_shared>>
      tpu.wait_indirect_dma semaphore(%run_scoped3A_251 : memref<!tpu.dma_semaphore, #tpu.memory_space<semaphore_mem>>) src(%arg10 : memref<1000x8xf32, #tpu.memory_space<vmem>>) dst(%dma_wait3A_257 : memref<10240x8xf32, #tpu.memory_space<vmem_shared>>)
      tpu.yield
    }) : () -> ()
    %barrier3A_243 = arith.constant 0 : index
    tpu.barrier barrier_id(%barrier3A_243)
    %eq3A = arith.constant 0 : i32
    %eq3A_244 = arith.cmpi eq, %arg0, %eq3A : i32
    %convert_element_type3A = arith.extui %eq3A_244 : i1 to i32
    %cond3A = arith.constant 0 : i32
    %cond3A_245 = arith.cmpi ne, %convert_element_type3A, %cond3A : i32
    scf.if %cond3A_245 {
      %run_scoped3A_251 = arith.constant 0 : i32
      "tpu.region"() ({
        %run_scoped3A_252 = tpu.sem_alloc : memref<!tpu.dma_semaphore, #tpu.memory_space<semaphore_mem>>
        %dma_start3A_253 = arith.constant 0 : i32
        %dma_start3A_254 = tpu.memref_slice %arg5[%run_scoped3A_251, %mul3A_2, %dma_start3A_253] : memref<2x10240x8xf32, #tpu.memory_space<hbm>> -> memref<1x640x8xf32, #tpu.memory_space<hbm>>
        %dma_start3A_255 = tpu.memref_squeeze %dma_start3A_254 : memref<1x640x8xf32, #tpu.memory_space<hbm>> -> memref<640x8xf32, #tpu.memory_space<hbm>>
        %dma_start3A_256 = arith.constant 0 : i32
        %dma_start3A_257 = tpu.memref_slice %arg6[%mul3A_2, %dma_start3A_256] : memref<10240x8xf32, #tpu.memory_space<vmem_shared>> -> memref<640x8xf32, #tpu.memory_space<vmem_shared>>
        tpu.enqueue_dma source(%dma_start3A_257 : memref<640x8xf32, #tpu.memory_space<vmem_shared>>) target(%dma_start3A_255 : memref<640x8xf32, #tpu.memory_space<hbm>>) target_semaphore(%run_scoped3A_252 : memref<!tpu.dma_semaphore, #tpu.memory_space<semaphore_mem>>)
        %dma_wait3A_258 = arith.constant 0 : i32
        %dma_wait3A_259 = tpu.memref_slice %arg5[%run_scoped3A_251, %mul3A_2, %dma_wait3A_258] : memref<2x10240x8xf32, #tpu.memory_space<hbm>> -> memref<1x640x8xf32, #tpu.memory_space<hbm>>
        %dma_wait3A_260 = tpu.memref_squeeze %dma_wait3A_259 : memref<1x640x8xf32, #tpu.memory_space<hbm>> -> memref<640x8xf32, #tpu.memory_space<hbm>>
        %dma_wait3A_261 = arith.constant 0 : i32
        %dma_wait3A_262 = tpu.memref_slice %arg6[%mul3A_2, %dma_wait3A_261] : memref<10240x8xf32, #tpu.memory_space<vmem_shared>> -> memref<640x8xf32, #tpu.memory_space<vmem_shared>>
        tpu.wait_dma2 semaphore(%run_scoped3A_252 : memref<!tpu.dma_semaphore, #tpu.memory_space<semaphore_mem>>) src(%dma_wait3A_262 : memref<640x8xf32, #tpu.memory_space<vmem_shared>>) dst(%dma_wait3A_260 : memref<640x8xf32, #tpu.memory_space<hbm>>)
        tpu.yield
      }) : () -> ()
    } else {
    }
    %eq3A_246 = arith.constant 1 : i32
    %eq3A_247 = arith.cmpi eq, %arg0, %eq3A_246 : i32
    %convert_element_type3A_248 = arith.extui %eq3A_247 : i1 to i32
    %cond3A_249 = arith.constant 0 : i32
    %cond3A_250 = arith.cmpi ne, %convert_element_type3A_248, %cond3A_249 : i32
    scf.if %cond3A_250 {
      %run_scoped3A_251 = arith.constant 1 : i32
      "tpu.region"() ({
        %run_scoped3A_252 = tpu.sem_alloc : memref<!tpu.dma_semaphore, #tpu.memory_space<semaphore_mem>>
        %dma_start3A_253 = arith.constant 0 : i32
        %dma_start3A_254 = tpu.memref_slice %arg5[%run_scoped3A_251, %mul3A_2, %dma_start3A_253] : memref<2x10240x8xf32, #tpu.memory_space<hbm>> -> memref<1x640x8xf32, #tpu.memory_space<hbm>>
        %dma_start3A_255 = tpu.memref_squeeze %dma_start3A_254 : memref<1x640x8xf32, #tpu.memory_space<hbm>> -> memref<640x8xf32, #tpu.memory_space<hbm>>
        %dma_start3A_256 = arith.constant 0 : i32
        %dma_start3A_257 = tpu.memref_slice %arg6[%mul3A_2, %dma_start3A_256] : memref<10240x8xf32, #tpu.memory_space<vmem_shared>> -> memref<640x8xf32, #tpu.memory_space<vmem_shared>>
        tpu.enqueue_dma source(%dma_start3A_257 : memref<640x8xf32, #tpu.memory_space<vmem_shared>>) target(%dma_start3A_255 : memref<640x8xf32, #tpu.memory_space<hbm>>) target_semaphore(%run_scoped3A_252 : memref<!tpu.dma_semaphore, #tpu.memory_space<semaphore_mem>>)
        %dma_wait3A_258 = arith.constant 0 : i32
        %dma_wait3A_259 = tpu.memref_slice %arg5[%run_scoped3A_251, %mul3A_2, %dma_wait3A_258] : memref<2x10240x8xf32, #tpu.memory_space<hbm>> -> memref<1x640x8xf32, #tpu.memory_space<hbm>>
        %dma_wait3A_260 = tpu.memref_squeeze %dma_wait3A_259 : memref<1x640x8xf32, #tpu.memory_space<hbm>> -> memref<640x8xf32, #tpu.memory_space<hbm>>
        %dma_wait3A_261 = arith.constant 0 : i32
        %dma_wait3A_262 = tpu.memref_slice %arg6[%mul3A_2, %dma_wait3A_261] : memref<10240x8xf32, #tpu.memory_space<vmem_shared>> -> memref<640x8xf32, #tpu.memory_space<vmem_shared>>
        tpu.wait_dma2 semaphore(%run_scoped3A_252 : memref<!tpu.dma_semaphore, #tpu.memory_space<semaphore_mem>>) src(%dma_wait3A_262 : memref<640x8xf32, #tpu.memory_space<vmem_shared>>) dst(%dma_wait3A_260 : memref<640x8xf32, #tpu.memory_space<hbm>>)
        tpu.yield
      }) : () -> ()
    } else {
    }
    return
  }
}

#map = affine_map<(d0, d1) -> (0, 0)>
#map1 = affine_map<(d0, d1) -> (0)>
module attributes {stable_mosaic.version = 14 : i64} {
  func.func @k(%arg0: i32, %arg1: i32, %arg2: memref<2x320000xi32, #tpu.memory_space<hbm>>, %arg3: memref<10240xf32, #tpu.memory_space<hbm>>, %arg4: memref<1000xf32, #tpu.memory_space<hbm>>, %arg5: memref<10240xf32, #tpu.memory_space<hbm>>, %arg6: memref<10240xf32, #tpu.memory_space<hbm>>, %arg7: memref<10240xf32, #tpu.memory_space<vmem_shared>>, %arg8: memref<10000xi32, #tpu.memory_space<vmem>>, %arg9: memref<1000xf32, #tpu.memory_space<vmem>>) attributes {dimension_semantics = [#tpu.dimension_semantics<core_parallel>, #tpu.dimension_semantics<subcore_parallel>], iteration_bounds = array<i64: 2, 16>, scalar_prefetch = 0 : i64, scratch_operands = 3 : i64, tpu.core_type = #tpu.core_type<sc_vector_subcore>, window_params = [{transform_indices = #map}, {transform_indices = #map1}, {transform_indices = #map1}, {transform_indices = #map1}, {transform_indices = #map1}]} {
    %mul3A = arith.constant 2 : i32
    %mul3A_0 = arith.muli %arg1, %mul3A : i32
    %add3A = arith.addi %mul3A_0, %arg0 : i32
    %mul3A_1 = arith.constant 640 : i32
    %mul3A_2 = arith.muli %arg1, %mul3A_1 : i32
    "tpu.region"() ({
      %run_scoped3A_18 = tpu.sem_alloc : memref<!tpu.dma_semaphore, #tpu.memory_space<semaphore_mem>>
      %dma_start3A = tpu.memref_slice %arg7[%mul3A_2] : memref<10240xf32, #tpu.memory_space<vmem_shared>> -> memref<640xf32, #tpu.memory_space<vmem_shared>>
      %dma_start3A_19 = tpu.memref_slice %arg3[%mul3A_2] : memref<10240xf32, #tpu.memory_space<hbm>> -> memref<640xf32, #tpu.memory_space<hbm>>
      tpu.enqueue_dma source(%dma_start3A_19 : memref<640xf32, #tpu.memory_space<hbm>>) target(%dma_start3A : memref<640xf32, #tpu.memory_space<vmem_shared>>) target_semaphore(%run_scoped3A_18 : memref<!tpu.dma_semaphore, #tpu.memory_space<semaphore_mem>>)
      %dma_wait3A = tpu.memref_slice %arg7[%mul3A_2] : memref<10240xf32, #tpu.memory_space<vmem_shared>> -> memref<640xf32, #tpu.memory_space<vmem_shared>>
      %dma_wait3A_20 = tpu.memref_slice %arg3[%mul3A_2] : memref<10240xf32, #tpu.memory_space<hbm>> -> memref<640xf32, #tpu.memory_space<hbm>>
      tpu.wait_dma2 semaphore(%run_scoped3A_18 : memref<!tpu.dma_semaphore, #tpu.memory_space<semaphore_mem>>) src(%dma_wait3A_20 : memref<640xf32, #tpu.memory_space<hbm>>) dst(%dma_wait3A : memref<640xf32, #tpu.memory_space<vmem_shared>>)
      tpu.yield
    }) : () -> ()
    "tpu.region"() ({
      %run_scoped3A_18 = tpu.sem_alloc : memref<!tpu.dma_semaphore, #tpu.memory_space<semaphore_mem>>
      tpu.enqueue_dma source(%arg4 : memref<1000xf32, #tpu.memory_space<hbm>>) target(%arg9 : memref<1000xf32, #tpu.memory_space<vmem>>) target_semaphore(%run_scoped3A_18 : memref<!tpu.dma_semaphore, #tpu.memory_space<semaphore_mem>>)
      tpu.wait_dma2 semaphore(%run_scoped3A_18 : memref<!tpu.dma_semaphore, #tpu.memory_space<semaphore_mem>>) src(%arg4 : memref<1000xf32, #tpu.memory_space<hbm>>) dst(%arg9 : memref<1000xf32, #tpu.memory_space<vmem>>)
      tpu.yield
    }) : () -> ()
    %mul3A_3 = arith.constant 10000 : i32
    %mul3A_4 = arith.muli %add3A, %mul3A_3 : i32
    %run_scoped3A = arith.constant 1 : i32
    "tpu.region"() ({
      %run_scoped3A_18 = tpu.sem_alloc : memref<!tpu.dma_semaphore, #tpu.memory_space<semaphore_mem>>
      %dma_start3A = tpu.memref_slice %arg2[%run_scoped3A, %mul3A_4] : memref<2x320000xi32, #tpu.memory_space<hbm>> -> memref<1x10000xi32, #tpu.memory_space<hbm>>
      %dma_start3A_19 = tpu.memref_squeeze %dma_start3A : memref<1x10000xi32, #tpu.memory_space<hbm>> -> memref<10000xi32, #tpu.memory_space<hbm>>
      %dma_start3A_20 = tpu.memref_slice %arg2[%run_scoped3A, %mul3A_4] : memref<2x320000xi32, #tpu.memory_space<hbm>> -> memref<1x10000xi32, #tpu.memory_space<hbm>>
      %dma_start3A_21 = tpu.memref_squeeze %dma_start3A_20 : memref<1x10000xi32, #tpu.memory_space<hbm>> -> memref<10000xi32, #tpu.memory_space<hbm>>
      tpu.enqueue_dma source(%dma_start3A_21 : memref<10000xi32, #tpu.memory_space<hbm>>) target(%arg8 : memref<10000xi32, #tpu.memory_space<vmem>>) target_semaphore(%run_scoped3A_18 : memref<!tpu.dma_semaphore, #tpu.memory_space<semaphore_mem>>)
      %dma_wait3A = tpu.memref_slice %arg2[%run_scoped3A, %mul3A_4] : memref<2x320000xi32, #tpu.memory_space<hbm>> -> memref<1x10000xi32, #tpu.memory_space<hbm>>
      %dma_wait3A_22 = tpu.memref_squeeze %dma_wait3A : memref<1x10000xi32, #tpu.memory_space<hbm>> -> memref<10000xi32, #tpu.memory_space<hbm>>
      %dma_wait3A_23 = tpu.memref_slice %arg2[%run_scoped3A, %mul3A_4] : memref<2x320000xi32, #tpu.memory_space<hbm>> -> memref<1x10000xi32, #tpu.memory_space<hbm>>
      %dma_wait3A_24 = tpu.memref_squeeze %dma_wait3A_23 : memref<1x10000xi32, #tpu.memory_space<hbm>> -> memref<10000xi32, #tpu.memory_space<hbm>>
      tpu.wait_dma2 semaphore(%run_scoped3A_18 : memref<!tpu.dma_semaphore, #tpu.memory_space<semaphore_mem>>) src(%dma_wait3A_24 : memref<10000xi32, #tpu.memory_space<hbm>>) dst(%arg8 : memref<10000xi32, #tpu.memory_space<vmem>>)
      tpu.yield
    }) : () -> ()
    %barrier3A = arith.constant 0 : index
    tpu.barrier barrier_id(%barrier3A)
    %scan3A = arith.constant 0 : i32
    %scan3A_5 = arith.constant 0 : i32
    %scan3A_6 = arith.constant 10 : i32
    %scan3A_7 = arith.addi %scan3A_5, %scan3A_6 : i32
    %scan3A_8 = arith.constant 1 : i32
    scf.for %scan3A_18 = %scan3A_5 to %scan3A_7 step %scan3A_8  : i32 {
      %mul3A_19 = arith.constant 1000 : i32
      %mul3A_20 = arith.muli %scan3A_18, %mul3A_19 : i32
      "tpu.region"() ({
        %run_scoped3A_21 = tpu.sem_alloc : memref<!tpu.dma_semaphore, #tpu.memory_space<semaphore_mem>>
        %dma_start3A = tpu.memref_slice %arg8[%mul3A_20] : memref<10000xi32, #tpu.memory_space<vmem>> -> memref<1000xi32, #tpu.memory_space<vmem>>
        %dma_start3A_22 = arith.constant 0 : i32
        %dma_start3A_23 = tpu.memref_slice %arg7[%dma_start3A_22] : memref<10240xf32, #tpu.memory_space<vmem_shared>> -> memref<10240xf32, #tpu.memory_space<vmem_shared>>
        tpu.enqueue_indirect_dma source(%arg9 : memref<1000xf32, #tpu.memory_space<vmem>>) target(%dma_start3A_23 : memref<10240xf32, #tpu.memory_space<vmem_shared>>) offsets(%dma_start3A : memref<1000xi32, #tpu.memory_space<vmem>>) semaphore(%run_scoped3A_21 : memref<!tpu.dma_semaphore, #tpu.memory_space<semaphore_mem>>) {add = true}
        %dma_wait3A = tpu.memref_slice %arg8[%mul3A_20] : memref<10000xi32, #tpu.memory_space<vmem>> -> memref<1000xi32, #tpu.memory_space<vmem>>
        %dma_wait3A_24 = arith.constant 0 : i32
        %dma_wait3A_25 = tpu.memref_slice %arg7[%dma_wait3A_24] : memref<10240xf32, #tpu.memory_space<vmem_shared>> -> memref<10240xf32, #tpu.memory_space<vmem_shared>>
        tpu.wait_indirect_dma semaphore(%run_scoped3A_21 : memref<!tpu.dma_semaphore, #tpu.memory_space<semaphore_mem>>) src(%arg9 : memref<1000xf32, #tpu.memory_space<vmem>>) dst(%dma_wait3A_25 : memref<10240xf32, #tpu.memory_space<vmem_shared>>)
        tpu.yield
      }) : () -> ()
    }
    %scan3A_9 = arith.constant 10 : i32
    %barrier3A_10 = arith.constant 0 : index
    tpu.barrier barrier_id(%barrier3A_10)
    %eq3A = arith.constant 0 : i32
    %eq3A_11 = arith.cmpi eq, %arg0, %eq3A : i32
    %convert_element_type3A = arith.extui %eq3A_11 : i1 to i32
    %cond3A = arith.constant 0 : i32
    %cond3A_12 = arith.cmpi ne, %convert_element_type3A, %cond3A : i32
    scf.if %cond3A_12 {
      "tpu.region"() ({
        %run_scoped3A_18 = tpu.sem_alloc : memref<!tpu.dma_semaphore, #tpu.memory_space<semaphore_mem>>
        %dma_start3A = tpu.memref_slice %arg5[%mul3A_2] : memref<10240xf32, #tpu.memory_space<hbm>> -> memref<640xf32, #tpu.memory_space<hbm>>
        %dma_start3A_19 = tpu.memref_slice %arg7[%mul3A_2] : memref<10240xf32, #tpu.memory_space<vmem_shared>> -> memref<640xf32, #tpu.memory_space<vmem_shared>>
        tpu.enqueue_dma source(%dma_start3A_19 : memref<640xf32, #tpu.memory_space<vmem_shared>>) target(%dma_start3A : memref<640xf32, #tpu.memory_space<hbm>>) target_semaphore(%run_scoped3A_18 : memref<!tpu.dma_semaphore, #tpu.memory_space<semaphore_mem>>)
        %dma_wait3A = tpu.memref_slice %arg5[%mul3A_2] : memref<10240xf32, #tpu.memory_space<hbm>> -> memref<640xf32, #tpu.memory_space<hbm>>
        %dma_wait3A_20 = tpu.memref_slice %arg7[%mul3A_2] : memref<10240xf32, #tpu.memory_space<vmem_shared>> -> memref<640xf32, #tpu.memory_space<vmem_shared>>
        tpu.wait_dma2 semaphore(%run_scoped3A_18 : memref<!tpu.dma_semaphore, #tpu.memory_space<semaphore_mem>>) src(%dma_wait3A_20 : memref<640xf32, #tpu.memory_space<vmem_shared>>) dst(%dma_wait3A : memref<640xf32, #tpu.memory_space<hbm>>)
        tpu.yield
      }) : () -> ()
    } else {
    }
    %eq3A_13 = arith.constant 1 : i32
    %eq3A_14 = arith.cmpi eq, %arg0, %eq3A_13 : i32
    %convert_element_type3A_15 = arith.extui %eq3A_14 : i1 to i32
    %cond3A_16 = arith.constant 0 : i32
    %cond3A_17 = arith.cmpi ne, %convert_element_type3A_15, %cond3A_16 : i32
    scf.if %cond3A_17 {
      "tpu.region"() ({
        %run_scoped3A_18 = tpu.sem_alloc : memref<!tpu.dma_semaphore, #tpu.memory_space<semaphore_mem>>
        %dma_start3A = tpu.memref_slice %arg6[%mul3A_2] : memref<10240xf32, #tpu.memory_space<hbm>> -> memref<640xf32, #tpu.memory_space<hbm>>
        %dma_start3A_19 = tpu.memref_slice %arg7[%mul3A_2] : memref<10240xf32, #tpu.memory_space<vmem_shared>> -> memref<640xf32, #tpu.memory_space<vmem_shared>>
        tpu.enqueue_dma source(%dma_start3A_19 : memref<640xf32, #tpu.memory_space<vmem_shared>>) target(%dma_start3A : memref<640xf32, #tpu.memory_space<hbm>>) target_semaphore(%run_scoped3A_18 : memref<!tpu.dma_semaphore, #tpu.memory_space<semaphore_mem>>)
        %dma_wait3A = tpu.memref_slice %arg6[%mul3A_2] : memref<10240xf32, #tpu.memory_space<hbm>> -> memref<640xf32, #tpu.memory_space<hbm>>
        %dma_wait3A_20 = tpu.memref_slice %arg7[%mul3A_2] : memref<10240xf32, #tpu.memory_space<vmem_shared>> -> memref<640xf32, #tpu.memory_space<vmem_shared>>
        tpu.wait_dma2 semaphore(%run_scoped3A_18 : memref<!tpu.dma_semaphore, #tpu.memory_space<semaphore_mem>>) src(%dma_wait3A_20 : memref<640xf32, #tpu.memory_space<vmem_shared>>) dst(%dma_wait3A : memref<640xf32, #tpu.memory_space<hbm>>)
        tpu.yield
      }) : () -> ()
    } else {
    }
    return
  }
}

#map = affine_map<(d0, d1) -> (0, 0)>
#map1 = affine_map<(d0, d1) -> (0, 0, 0)>
module attributes {stable_mosaic.version = 14 : i64} {
  func.func @k(%arg0: i32, %arg1: i32, %arg2: memref<10240x32xf32, #tpu.memory_space<hbm>>, %arg3: memref<2x320000xi32, #tpu.memory_space<hbm>>, %arg4: memref<10240x32xf32, #tpu.memory_space<hbm>>, %arg5: memref<2x10240x32xf32, #tpu.memory_space<hbm>>, %arg6: memref<10240x32xf32, #tpu.memory_space<vmem_shared>>, %arg7: memref<10000xi32, #tpu.memory_space<vmem>>, %arg8: memref<1000xi32, #tpu.memory_space<vmem>>, %arg9: memref<1000xi32, #tpu.memory_space<vmem>>, %arg10: memref<1000x32xf32, #tpu.memory_space<vmem>>, %arg11: memref<1000x32xf32, #tpu.memory_space<vmem>>, %arg12: memref<1000x32xf32, #tpu.memory_space<vmem>>, %arg13: memref<!tpu.dma_semaphore, #tpu.memory_space<semaphore_mem>>, %arg14: memref<!tpu.dma_semaphore, #tpu.memory_space<semaphore_mem>>, %arg15: memref<!tpu.dma_semaphore, #tpu.memory_space<semaphore_mem>>, %arg16: memref<!tpu.dma_semaphore, #tpu.memory_space<semaphore_mem>>, %arg17: memref<!tpu.dma_semaphore, #tpu.memory_space<semaphore_mem>>) attributes {dimension_semantics = [#tpu.dimension_semantics<core_parallel>, #tpu.dimension_semantics<subcore_parallel>], iteration_bounds = array<i64: 2, 16>, scalar_prefetch = 0 : i64, scratch_operands = 12 : i64, tpu.core_type = #tpu.core_type<sc_vector_subcore>, window_params = [{transform_indices = #map}, {transform_indices = #map}, {transform_indices = #map}, {transform_indices = #map1}]} {
    %mul3A = arith.constant 2 : i32
    %mul3A_0 = arith.muli %arg1, %mul3A : i32
    %add3A = arith.addi %mul3A_0, %arg0 : i32
    %mul3A_1 = arith.constant 640 : i32
    %mul3A_2 = arith.muli %arg1, %mul3A_1 : i32
    "tpu.region"() ({
      %run_scoped3A_251 = tpu.sem_alloc : memref<!tpu.dma_semaphore, #tpu.memory_space<semaphore_mem>>
      %dma_start3A_252 = arith.constant 0 : i32
      %dma_start3A_253 = tpu.memref_slice %arg6[%mul3A_2, %dma_start3A_252] : memref<10240x32xf32, #tpu.memory_space<vmem_shared>> -> memref<640x32xf32, #tpu.memory_space<vmem_shared>>
      %dma_start3A_254 = arith.constant 0 : i32
      %dma_start3A_255 = tpu.memref_slice %arg4[%mul3A_2, %dma_start3A_254] : memref<10240x32xf32, #tpu.memory_space<hbm>> -> memref<640x32xf32, #tpu.memory_space<hbm>>
      tpu.enqueue_dma source(%dma_start3A_255 : memref<640x32xf32, #tpu.memory_space<hbm>>) target(%dma_start3A_253 : memref<640x32xf32, #tpu.memory_space<vmem_shared>>) target_semaphore(%run_scoped3A_251 : memref<!tpu.dma_semaphore, #tpu.memory_space<semaphore_mem>>)
      %dma_wait3A_256 = arith.constant 0 : i32
      %dma_wait3A_257 = tpu.memref_slice %arg6[%mul3A_2, %dma_wait3A_256] : memref<10240x32xf32, #tpu.memory_space<vmem_shared>> -> memref<640x32xf32, #tpu.memory_space<vmem_shared>>
      %dma_wait3A_258 = arith.constant 0 : i32
      %dma_wait3A_259 = tpu.memref_slice %arg4[%mul3A_2, %dma_wait3A_258] : memref<10240x32xf32, #tpu.memory_space<hbm>> -> memref<640x32xf32, #tpu.memory_space<hbm>>
      tpu.wait_dma2 semaphore(%run_scoped3A_251 : memref<!tpu.dma_semaphore, #tpu.memory_space<semaphore_mem>>) src(%dma_wait3A_259 : memref<640x32xf32, #tpu.memory_space<hbm>>) dst(%dma_wait3A_257 : memref<640x32xf32, #tpu.memory_space<vmem_shared>>)
      tpu.yield
    }) : () -> ()
    %mul3A_3 = arith.constant 10000 : i32
    %mul3A_4 = arith.muli %add3A, %mul3A_3 : i32
    %run_scoped3A = arith.constant 0 : i32
    "tpu.region"() ({
      %run_scoped3A_251 = tpu.sem_alloc : memref<!tpu.dma_semaphore, #tpu.memory_space<semaphore_mem>>
      %dma_start3A_252 = tpu.memref_slice %arg3[%run_scoped3A, %mul3A_4] : memref<2x320000xi32, #tpu.memory_space<hbm>> -> memref<1x10000xi32, #tpu.memory_space<hbm>>
      %dma_start3A_253 = tpu.memref_squeeze %dma_start3A_252 : memref<1x10000xi32, #tpu.memory_space<hbm>> -> memref<10000xi32, #tpu.memory_space<hbm>>
      %dma_start3A_254 = tpu.memref_slice %arg3[%run_scoped3A, %mul3A_4] : memref<2x320000xi32, #tpu.memory_space<hbm>> -> memref<1x10000xi32, #tpu.memory_space<hbm>>
      %dma_start3A_255 = tpu.memref_squeeze %dma_start3A_254 : memref<1x10000xi32, #tpu.memory_space<hbm>> -> memref<10000xi32, #tpu.memory_space<hbm>>
      tpu.enqueue_dma source(%dma_start3A_255 : memref<10000xi32, #tpu.memory_space<hbm>>) target(%arg7 : memref<10000xi32, #tpu.memory_space<vmem>>) target_semaphore(%run_scoped3A_251 : memref<!tpu.dma_semaphore, #tpu.memory_space<semaphore_mem>>)
      %dma_wait3A_256 = tpu.memref_slice %arg3[%run_scoped3A, %mul3A_4] : memref<2x320000xi32, #tpu.memory_space<hbm>> -> memref<1x10000xi32, #tpu.memory_space<hbm>>
      %dma_wait3A_257 = tpu.memref_squeeze %dma_wait3A_256 : memref<1x10000xi32, #tpu.memory_space<hbm>> -> memref<10000xi32, #tpu.memory_space<hbm>>
      %dma_wait3A_258 = tpu.memref_slice %arg3[%run_scoped3A, %mul3A_4] : memref<2x320000xi32, #tpu.memory_space<hbm>> -> memref<1x10000xi32, #tpu.memory_space<hbm>>
      %dma_wait3A_259 = tpu.memref_squeeze %dma_wait3A_258 : memref<1x10000xi32, #tpu.memory_space<hbm>> -> memref<10000xi32, #tpu.memory_space<hbm>>
      tpu.wait_dma2 semaphore(%run_scoped3A_251 : memref<!tpu.dma_semaphore, #tpu.memory_space<semaphore_mem>>) src(%dma_wait3A_259 : memref<10000xi32, #tpu.memory_space<hbm>>) dst(%arg7 : memref<10000xi32, #tpu.memory_space<vmem>>)
      tpu.yield
    }) : () -> ()
    %barrier3A = arith.constant 0 : index
    tpu.barrier barrier_id(%barrier3A)
    %dma_start3A = arith.constant 0 : i32
    %dma_start3A_5 = tpu.memref_slice %arg7[%dma_start3A] : memref<10000xi32, #tpu.memory_space<vmem>> -> memref<1000xi32, #tpu.memory_space<vmem>>
    %dma_start3A_6 = arith.constant 0 : i32
    %dma_start3A_7 = arith.constant 0 : i32
    %dma_start3A_8 = tpu.memref_slice %arg2[%dma_start3A_6, %dma_start3A_7] : memref<10240x32xf32, #tpu.memory_space<hbm>> -> memref<10240x32xf32, #tpu.memory_space<hbm>>
    tpu.enqueue_indirect_dma source(%dma_start3A_8 : memref<10240x32xf32, #tpu.memory_space<hbm>>) target(%arg10 : memref<1000x32xf32, #tpu.memory_space<vmem>>) offsets(%dma_start3A_5 : memref<1000xi32, #tpu.memory_space<vmem>>) semaphore(%arg13 : memref<!tpu.dma_semaphore, #tpu.memory_space<semaphore_mem>>)
    %dma_start3A_9 = arith.constant 1000 : i32
    %dma_start3A_10 = tpu.memref_slice %arg7[%dma_start3A_9] : memref<10000xi32, #tpu.memory_space<vmem>> -> memref<1000xi32, #tpu.memory_space<vmem>>
    %dma_start3A_11 = arith.constant 0 : i32
    %dma_start3A_12 = arith.constant 0 : i32
    %dma_start3A_13 = tpu.memref_slice %arg2[%dma_start3A_11, %dma_start3A_12] : memref<10240x32xf32, #tpu.memory_space<hbm>> -> memref<10240x32xf32, #tpu.memory_space<hbm>>
    tpu.enqueue_indirect_dma source(%dma_start3A_13 : memref<10240x32xf32, #tpu.memory_space<hbm>>) target(%arg11 : memref<1000x32xf32, #tpu.memory_space<vmem>>) offsets(%dma_start3A_10 : memref<1000xi32, #tpu.memory_space<vmem>>) semaphore(%arg14 : memref<!tpu.dma_semaphore, #tpu.memory_space<semaphore_mem>>)
    %mul3A_14 = arith.constant 10000 : i32
    %mul3A_15 = arith.muli %add3A, %mul3A_14 : i32
    %add3A_16 = arith.constant 0 : i32
    %add3A_17 = arith.addi %mul3A_15, %add3A_16 : i32
    %dma_start3A_18 = arith.constant 1 : i32
    %dma_start3A_19 = tpu.memref_slice %arg3[%dma_start3A_18, %add3A_17] : memref<2x320000xi32, #tpu.memory_space<hbm>> -> memref<1x1000xi32, #tpu.memory_space<hbm>>
    %dma_start3A_20 = tpu.memref_squeeze %dma_start3A_19 : memref<1x1000xi32, #tpu.memory_space<hbm>> -> memref<1000xi32, #tpu.memory_space<hbm>>
    %dma_start3A_21 = tpu.memref_slice %arg3[%dma_start3A_18, %add3A_17] : memref<2x320000xi32, #tpu.memory_space<hbm>> -> memref<1x1000xi32, #tpu.memory_space<hbm>>
    %dma_start3A_22 = tpu.memref_squeeze %dma_start3A_21 : memref<1x1000xi32, #tpu.memory_space<hbm>> -> memref<1000xi32, #tpu.memory_space<hbm>>
    tpu.enqueue_dma source(%dma_start3A_22 : memref<1000xi32, #tpu.memory_space<hbm>>) target(%arg8 : memref<1000xi32, #tpu.memory_space<vmem>>) target_semaphore(%arg16 : memref<!tpu.dma_semaphore, #tpu.memory_space<semaphore_mem>>)
    %mul3A_23 = arith.constant 10000 : i32
    %mul3A_24 = arith.muli %add3A, %mul3A_23 : i32
    %add3A_25 = arith.constant 1000 : i32
    %add3A_26 = arith.addi %mul3A_24, %add3A_25 : i32
    %dma_start3A_27 = arith.constant 1 : i32
    %dma_start3A_28 = tpu.memref_slice %arg3[%dma_start3A_27, %add3A_26] : memref<2x320000xi32, #tpu.memory_space<hbm>> -> memref<1x1000xi32, #tpu.memory_space<hbm>>
    %dma_start3A_29 = tpu.memref_squeeze %dma_start3A_28 : memref<1x1000xi32, #tpu.memory_space<hbm>> -> memref<1000xi32, #tpu.memory_space<hbm>>
    %dma_start3A_30 = tpu.memref_slice %arg3[%dma_start3A_27, %add3A_26] : memref<2x320000xi32, #tpu.memory_space<hbm>> -> memref<1x1000xi32, #tpu.memory_space<hbm>>
    %dma_start3A_31 = tpu.memref_squeeze %dma_start3A_30 : memref<1x1000xi32, #tpu.memory_space<hbm>> -> memref<1000xi32, #tpu.memory_space<hbm>>
    tpu.enqueue_dma source(%dma_start3A_31 : memref<1000xi32, #tpu.memory_space<hbm>>) target(%arg9 : memref<1000xi32, #tpu.memory_space<vmem>>) target_semaphore(%arg17 : memref<!tpu.dma_semaphore, #tpu.memory_space<semaphore_mem>>)
    %dma_wait3A = arith.constant 1 : i32
    %dma_wait3A_32 = tpu.memref_slice %arg3[%dma_wait3A, %add3A_17] : memref<2x320000xi32, #tpu.memory_space<hbm>> -> memref<1x1000xi32, #tpu.memory_space<hbm>>
    %dma_wait3A_33 = tpu.memref_squeeze %dma_wait3A_32 : memref<1x1000xi32, #tpu.memory_space<hbm>> -> memref<1000xi32, #tpu.memory_space<hbm>>
    %dma_wait3A_34 = tpu.memref_slice %arg3[%dma_wait3A, %add3A_17] : memref<2x320000xi32, #tpu.memory_space<hbm>> -> memref<1x1000xi32, #tpu.memory_space<hbm>>
    %dma_wait3A_35 = tpu.memref_squeeze %dma_wait3A_34 : memref<1x1000xi32, #tpu.memory_space<hbm>> -> memref<1000xi32, #tpu.memory_space<hbm>>
    tpu.wait_dma2 semaphore(%arg16 : memref<!tpu.dma_semaphore, #tpu.memory_space<semaphore_mem>>) src(%dma_wait3A_35 : memref<1000xi32, #tpu.memory_space<hbm>>) dst(%arg8 : memref<1000xi32, #tpu.memory_space<vmem>>)
    %dma_wait3A_36 = arith.constant 0 : i32
    %dma_wait3A_37 = tpu.memref_slice %arg7[%dma_wait3A_36] : memref<10000xi32, #tpu.memory_space<vmem>> -> memref<1000xi32, #tpu.memory_space<vmem>>
    %dma_wait3A_38 = arith.constant 0 : i32
    %dma_wait3A_39 = arith.constant 0 : i32
    %dma_wait3A_40 = tpu.memref_slice %arg2[%dma_wait3A_38, %dma_wait3A_39] : memref<10240x32xf32, #tpu.memory_space<hbm>> -> memref<10240x32xf32, #tpu.memory_space<hbm>>
    tpu.wait_indirect_dma semaphore(%arg13 : memref<!tpu.dma_semaphore, #tpu.memory_space<semaphore_mem>>) src(%dma_wait3A_40 : memref<10240x32xf32, #tpu.memory_space<hbm>>) dst(%arg10 : memref<1000x32xf32, #tpu.memory_space<vmem>>)
    %dma_start3A_41 = arith.constant 2000 : i32
    %dma_start3A_42 = tpu.memref_slice %arg7[%dma_start3A_41] : memref<10000xi32, #tpu.memory_space<vmem>> -> memref<1000xi32, #tpu.memory_space<vmem>>
    %dma_start3A_43 = arith.constant 0 : i32
    %dma_start3A_44 = arith.constant 0 : i32
    %dma_start3A_45 = tpu.memref_slice %arg2[%dma_start3A_43, %dma_start3A_44] : memref<10240x32xf32, #tpu.memory_space<hbm>> -> memref<10240x32xf32, #tpu.memory_space<hbm>>
    tpu.enqueue_indirect_dma source(%dma_start3A_45 : memref<10240x32xf32, #tpu.memory_space<hbm>>) target(%arg12 : memref<1000x32xf32, #tpu.memory_space<vmem>>) offsets(%dma_start3A_42 : memref<1000xi32, #tpu.memory_space<vmem>>) semaphore(%arg15 : memref<!tpu.dma_semaphore, #tpu.memory_space<semaphore_mem>>)
    "tpu.region"() ({
      %run_scoped3A_251 = tpu.sem_alloc : memref<!tpu.dma_semaphore, #tpu.memory_space<semaphore_mem>>
      %dma_start3A_252 = arith.constant 0 : i32
      %dma_start3A_253 = arith.constant 0 : i32
      %dma_start3A_254 = tpu.memref_slice %arg6[%dma_start3A_252, %dma_start3A_253] : memref<10240x32xf32, #tpu.memory_space<vmem_shared>> -> memref<10240x32xf32, #tpu.memory_space<vmem_shared>>
      tpu.enqueue_indirect_dma source(%arg10 : memref<1000x32xf32, #tpu.memory_space<vmem>>) target(%dma_start3A_254 : memref<10240x32xf32, #tpu.memory_space<vmem_shared>>) offsets(%arg8 : memref<1000xi32, #tpu.memory_space<vmem>>) semaphore(%run_scoped3A_251 : memref<!tpu.dma_semaphore, #tpu.memory_space<semaphore_mem>>) {add = true}
      %dma_wait3A_255 = arith.constant 0 : i32
      %dma_wait3A_256 = arith.constant 0 : i32
      %dma_wait3A_257 = tpu.memref_slice %arg6[%dma_wait3A_255, %dma_wait3A_256] : memref<10240x32xf32, #tpu.memory_space<vmem_shared>> -> memref<10240x32xf32, #tpu.memory_space<vmem_shared>>
      tpu.wait_indirect_dma semaphore(%run_scoped3A_251 : memref<!tpu.dma_semaphore, #tpu.memory_space<semaphore_mem>>) src(%arg10 : memref<1000x32xf32, #tpu.memory_space<vmem>>) dst(%dma_wait3A_257 : memref<10240x32xf32, #tpu.memory_space<vmem_shared>>)
      tpu.yield
    }) : () -> ()
    %mul3A_46 = arith.constant 10000 : i32
    %mul3A_47 = arith.muli %add3A, %mul3A_46 : i32
    %add3A_48 = arith.constant 2000 : i32
    %add3A_49 = arith.addi %mul3A_47, %add3A_48 : i32
    %dma_start3A_50 = arith.constant 1 : i32
    %dma_start3A_51 = tpu.memref_slice %arg3[%dma_start3A_50, %add3A_49] : memref<2x320000xi32, #tpu.memory_space<hbm>> -> memref<1x1000xi32, #tpu.memory_space<hbm>>
    %dma_start3A_52 = tpu.memref_squeeze %dma_start3A_51 : memref<1x1000xi32, #tpu.memory_space<hbm>> -> memref<1000xi32, #tpu.memory_space<hbm>>
    %dma_start3A_53 = tpu.memref_slice %arg3[%dma_start3A_50, %add3A_49] : memref<2x320000xi32, #tpu.memory_space<hbm>> -> memref<1x1000xi32, #tpu.memory_space<hbm>>
    %dma_start3A_54 = tpu.memref_squeeze %dma_start3A_53 : memref<1x1000xi32, #tpu.memory_space<hbm>> -> memref<1000xi32, #tpu.memory_space<hbm>>
    tpu.enqueue_dma source(%dma_start3A_54 : memref<1000xi32, #tpu.memory_space<hbm>>) target(%arg8 : memref<1000xi32, #tpu.memory_space<vmem>>) target_semaphore(%arg16 : memref<!tpu.dma_semaphore, #tpu.memory_space<semaphore_mem>>)
    %dma_wait3A_55 = arith.constant 1 : i32
    %dma_wait3A_56 = tpu.memref_slice %arg3[%dma_wait3A_55, %add3A_26] : memref<2x320000xi32, #tpu.memory_space<hbm>> -> memref<1x1000xi32, #tpu.memory_space<hbm>>
    %dma_wait3A_57 = tpu.memref_squeeze %dma_wait3A_56 : memref<1x1000xi32, #tpu.memory_space<hbm>> -> memref<1000xi32, #tpu.memory_space<hbm>>
    %dma_wait3A_58 = tpu.memref_slice %arg3[%dma_wait3A_55, %add3A_26] : memref<2x320000xi32, #tpu.memory_space<hbm>> -> memref<1x1000xi32, #tpu.memory_space<hbm>>
    %dma_wait3A_59 = tpu.memref_squeeze %dma_wait3A_58 : memref<1x1000xi32, #tpu.memory_space<hbm>> -> memref<1000xi32, #tpu.memory_space<hbm>>
    tpu.wait_dma2 semaphore(%arg17 : memref<!tpu.dma_semaphore, #tpu.memory_space<semaphore_mem>>) src(%dma_wait3A_59 : memref<1000xi32, #tpu.memory_space<hbm>>) dst(%arg9 : memref<1000xi32, #tpu.memory_space<vmem>>)
    %dma_wait3A_60 = arith.constant 1000 : i32
    %dma_wait3A_61 = tpu.memref_slice %arg7[%dma_wait3A_60] : memref<10000xi32, #tpu.memory_space<vmem>> -> memref<1000xi32, #tpu.memory_space<vmem>>
    %dma_wait3A_62 = arith.constant 0 : i32
    %dma_wait3A_63 = arith.constant 0 : i32
    %dma_wait3A_64 = tpu.memref_slice %arg2[%dma_wait3A_62, %dma_wait3A_63] : memref<10240x32xf32, #tpu.memory_space<hbm>> -> memref<10240x32xf32, #tpu.memory_space<hbm>>
    tpu.wait_indirect_dma semaphore(%arg14 : memref<!tpu.dma_semaphore, #tpu.memory_space<semaphore_mem>>) src(%dma_wait3A_64 : memref<10240x32xf32, #tpu.memory_space<hbm>>) dst(%arg11 : memref<1000x32xf32, #tpu.memory_space<vmem>>)
    %dma_start3A_65 = arith.constant 3000 : i32
    %dma_start3A_66 = tpu.memref_slice %arg7[%dma_start3A_65] : memref<10000xi32, #tpu.memory_space<vmem>> -> memref<1000xi32, #tpu.memory_space<vmem>>
    %dma_start3A_67 = arith.constant 0 : i32
    %dma_start3A_68 = arith.constant 0 : i32
    %dma_start3A_69 = tpu.memref_slice %arg2[%dma_start3A_67, %dma_start3A_68] : memref<10240x32xf32, #tpu.memory_space<hbm>> -> memref<10240x32xf32, #tpu.memory_space<hbm>>
    tpu.enqueue_indirect_dma source(%dma_start3A_69 : memref<10240x32xf32, #tpu.memory_space<hbm>>) target(%arg10 : memref<1000x32xf32, #tpu.memory_space<vmem>>) offsets(%dma_start3A_66 : memref<1000xi32, #tpu.memory_space<vmem>>) semaphore(%arg13 : memref<!tpu.dma_semaphore, #tpu.memory_space<semaphore_mem>>)
    "tpu.region"() ({
      %run_scoped3A_251 = tpu.sem_alloc : memref<!tpu.dma_semaphore, #tpu.memory_space<semaphore_mem>>
      %dma_start3A_252 = arith.constant 0 : i32
      %dma_start3A_253 = arith.constant 0 : i32
      %dma_start3A_254 = tpu.memref_slice %arg6[%dma_start3A_252, %dma_start3A_253] : memref<10240x32xf32, #tpu.memory_space<vmem_shared>> -> memref<10240x32xf32, #tpu.memory_space<vmem_shared>>
      tpu.enqueue_indirect_dma source(%arg11 : memref<1000x32xf32, #tpu.memory_space<vmem>>) target(%dma_start3A_254 : memref<10240x32xf32, #tpu.memory_space<vmem_shared>>) offsets(%arg9 : memref<1000xi32, #tpu.memory_space<vmem>>) semaphore(%run_scoped3A_251 : memref<!tpu.dma_semaphore, #tpu.memory_space<semaphore_mem>>) {add = true}
      %dma_wait3A_255 = arith.constant 0 : i32
      %dma_wait3A_256 = arith.constant 0 : i32
      %dma_wait3A_257 = tpu.memref_slice %arg6[%dma_wait3A_255, %dma_wait3A_256] : memref<10240x32xf32, #tpu.memory_space<vmem_shared>> -> memref<10240x32xf32, #tpu.memory_space<vmem_shared>>
      tpu.wait_indirect_dma semaphore(%run_scoped3A_251 : memref<!tpu.dma_semaphore, #tpu.memory_space<semaphore_mem>>) src(%arg11 : memref<1000x32xf32, #tpu.memory_space<vmem>>) dst(%dma_wait3A_257 : memref<10240x32xf32, #tpu.memory_space<vmem_shared>>)
      tpu.yield
    }) : () -> ()
    %mul3A_70 = arith.constant 10000 : i32
    %mul3A_71 = arith.muli %add3A, %mul3A_70 : i32
    %add3A_72 = arith.constant 3000 : i32
    %add3A_73 = arith.addi %mul3A_71, %add3A_72 : i32
    %dma_start3A_74 = arith.constant 1 : i32
    %dma_start3A_75 = tpu.memref_slice %arg3[%dma_start3A_74, %add3A_73] : memref<2x320000xi32, #tpu.memory_space<hbm>> -> memref<1x1000xi32, #tpu.memory_space<hbm>>
    %dma_start3A_76 = tpu.memref_squeeze %dma_start3A_75 : memref<1x1000xi32, #tpu.memory_space<hbm>> -> memref<1000xi32, #tpu.memory_space<hbm>>
    %dma_start3A_77 = tpu.memref_slice %arg3[%dma_start3A_74, %add3A_73] : memref<2x320000xi32, #tpu.memory_space<hbm>> -> memref<1x1000xi32, #tpu.memory_space<hbm>>
    %dma_start3A_78 = tpu.memref_squeeze %dma_start3A_77 : memref<1x1000xi32, #tpu.memory_space<hbm>> -> memref<1000xi32, #tpu.memory_space<hbm>>
    tpu.enqueue_dma source(%dma_start3A_78 : memref<1000xi32, #tpu.memory_space<hbm>>) target(%arg9 : memref<1000xi32, #tpu.memory_space<vmem>>) target_semaphore(%arg17 : memref<!tpu.dma_semaphore, #tpu.memory_space<semaphore_mem>>)
    %dma_wait3A_79 = arith.constant 1 : i32
    %dma_wait3A_80 = tpu.memref_slice %arg3[%dma_wait3A_79, %add3A_49] : memref<2x320000xi32, #tpu.memory_space<hbm>> -> memref<1x1000xi32, #tpu.memory_space<hbm>>
    %dma_wait3A_81 = tpu.memref_squeeze %dma_wait3A_80 : memref<1x1000xi32, #tpu.memory_space<hbm>> -> memref<1000xi32, #tpu.memory_space<hbm>>
    %dma_wait3A_82 = tpu.memref_slice %arg3[%dma_wait3A_79, %add3A_49] : memref<2x320000xi32, #tpu.memory_space<hbm>> -> memref<1x1000xi32, #tpu.memory_space<hbm>>
    %dma_wait3A_83 = tpu.memref_squeeze %dma_wait3A_82 : memref<1x1000xi32, #tpu.memory_space<hbm>> -> memref<1000xi32, #tpu.memory_space<hbm>>
    tpu.wait_dma2 semaphore(%arg16 : memref<!tpu.dma_semaphore, #tpu.memory_space<semaphore_mem>>) src(%dma_wait3A_83 : memref<1000xi32, #tpu.memory_space<hbm>>) dst(%arg8 : memref<1000xi32, #tpu.memory_space<vmem>>)
    %dma_wait3A_84 = arith.constant 2000 : i32
    %dma_wait3A_85 = tpu.memref_slice %arg7[%dma_wait3A_84] : memref<10000xi32, #tpu.memory_space<vmem>> -> memref<1000xi32, #tpu.memory_space<vmem>>
    %dma_wait3A_86 = arith.constant 0 : i32
    %dma_wait3A_87 = arith.constant 0 : i32
    %dma_wait3A_88 = tpu.memref_slice %arg2[%dma_wait3A_86, %dma_wait3A_87] : memref<10240x32xf32, #tpu.memory_space<hbm>> -> memref<10240x32xf32, #tpu.memory_space<hbm>>
    tpu.wait_indirect_dma semaphore(%arg15 : memref<!tpu.dma_semaphore, #tpu.memory_space<semaphore_mem>>) src(%dma_wait3A_88 : memref<10240x32xf32, #tpu.memory_space<hbm>>) dst(%arg12 : memref<1000x32xf32, #tpu.memory_space<vmem>>)
    %dma_start3A_89 = arith.constant 4000 : i32
    %dma_start3A_90 = tpu.memref_slice %arg7[%dma_start3A_89] : memref<10000xi32, #tpu.memory_space<vmem>> -> memref<1000xi32, #tpu.memory_space<vmem>>
    %dma_start3A_91 = arith.constant 0 : i32
    %dma_start3A_92 = arith.constant 0 : i32
    %dma_start3A_93 = tpu.memref_slice %arg2[%dma_start3A_91, %dma_start3A_92] : memref<10240x32xf32, #tpu.memory_space<hbm>> -> memref<10240x32xf32, #tpu.memory_space<hbm>>
    tpu.enqueue_indirect_dma source(%dma_start3A_93 : memref<10240x32xf32, #tpu.memory_space<hbm>>) target(%arg11 : memref<1000x32xf32, #tpu.memory_space<vmem>>) offsets(%dma_start3A_90 : memref<1000xi32, #tpu.memory_space<vmem>>) semaphore(%arg14 : memref<!tpu.dma_semaphore, #tpu.memory_space<semaphore_mem>>)
    "tpu.region"() ({
      %run_scoped3A_251 = tpu.sem_alloc : memref<!tpu.dma_semaphore, #tpu.memory_space<semaphore_mem>>
      %dma_start3A_252 = arith.constant 0 : i32
      %dma_start3A_253 = arith.constant 0 : i32
      %dma_start3A_254 = tpu.memref_slice %arg6[%dma_start3A_252, %dma_start3A_253] : memref<10240x32xf32, #tpu.memory_space<vmem_shared>> -> memref<10240x32xf32, #tpu.memory_space<vmem_shared>>
      tpu.enqueue_indirect_dma source(%arg12 : memref<1000x32xf32, #tpu.memory_space<vmem>>) target(%dma_start3A_254 : memref<10240x32xf32, #tpu.memory_space<vmem_shared>>) offsets(%arg8 : memref<1000xi32, #tpu.memory_space<vmem>>) semaphore(%run_scoped3A_251 : memref<!tpu.dma_semaphore, #tpu.memory_space<semaphore_mem>>) {add = true}
      %dma_wait3A_255 = arith.constant 0 : i32
      %dma_wait3A_256 = arith.constant 0 : i32
      %dma_wait3A_257 = tpu.memref_slice %arg6[%dma_wait3A_255, %dma_wait3A_256] : memref<10240x32xf32, #tpu.memory_space<vmem_shared>> -> memref<10240x32xf32, #tpu.memory_space<vmem_shared>>
      tpu.wait_indirect_dma semaphore(%run_scoped3A_251 : memref<!tpu.dma_semaphore, #tpu.memory_space<semaphore_mem>>) src(%arg12 : memref<1000x32xf32, #tpu.memory_space<vmem>>) dst(%dma_wait3A_257 : memref<10240x32xf32, #tpu.memory_space<vmem_shared>>)
      tpu.yield
    }) : () -> ()
    %mul3A_94 = arith.constant 10000 : i32
    %mul3A_95 = arith.muli %add3A, %mul3A_94 : i32
    %add3A_96 = arith.constant 4000 : i32
    %add3A_97 = arith.addi %mul3A_95, %add3A_96 : i32
    %dma_start3A_98 = arith.constant 1 : i32
    %dma_start3A_99 = tpu.memref_slice %arg3[%dma_start3A_98, %add3A_97] : memref<2x320000xi32, #tpu.memory_space<hbm>> -> memref<1x1000xi32, #tpu.memory_space<hbm>>
    %dma_start3A_100 = tpu.memref_squeeze %dma_start3A_99 : memref<1x1000xi32, #tpu.memory_space<hbm>> -> memref<1000xi32, #tpu.memory_space<hbm>>
    %dma_start3A_101 = tpu.memref_slice %arg3[%dma_start3A_98, %add3A_97] : memref<2x320000xi32, #tpu.memory_space<hbm>> -> memref<1x1000xi32, #tpu.memory_space<hbm>>
    %dma_start3A_102 = tpu.memref_squeeze %dma_start3A_101 : memref<1x1000xi32, #tpu.memory_space<hbm>> -> memref<1000xi32, #tpu.memory_space<hbm>>
    tpu.enqueue_dma source(%dma_start3A_102 : memref<1000xi32, #tpu.memory_space<hbm>>) target(%arg8 : memref<1000xi32, #tpu.memory_space<vmem>>) target_semaphore(%arg16 : memref<!tpu.dma_semaphore, #tpu.memory_space<semaphore_mem>>)
    %dma_wait3A_103 = arith.constant 1 : i32
    %dma_wait3A_104 = tpu.memref_slice %arg3[%dma_wait3A_103, %add3A_73] : memref<2x320000xi32, #tpu.memory_space<hbm>> -> memref<1x1000xi32, #tpu.memory_space<hbm>>
    %dma_wait3A_105 = tpu.memref_squeeze %dma_wait3A_104 : memref<1x1000xi32, #tpu.memory_space<hbm>> -> memref<1000xi32, #tpu.memory_space<hbm>>
    %dma_wait3A_106 = tpu.memref_slice %arg3[%dma_wait3A_103, %add3A_73] : memref<2x320000xi32, #tpu.memory_space<hbm>> -> memref<1x1000xi32, #tpu.memory_space<hbm>>
    %dma_wait3A_107 = tpu.memref_squeeze %dma_wait3A_106 : memref<1x1000xi32, #tpu.memory_space<hbm>> -> memref<1000xi32, #tpu.memory_space<hbm>>
    tpu.wait_dma2 semaphore(%arg17 : memref<!tpu.dma_semaphore, #tpu.memory_space<semaphore_mem>>) src(%dma_wait3A_107 : memref<1000xi32, #tpu.memory_space<hbm>>) dst(%arg9 : memref<1000xi32, #tpu.memory_space<vmem>>)
    %dma_wait3A_108 = arith.constant 3000 : i32
    %dma_wait3A_109 = tpu.memref_slice %arg7[%dma_wait3A_108] : memref<10000xi32, #tpu.memory_space<vmem>> -> memref<1000xi32, #tpu.memory_space<vmem>>
    %dma_wait3A_110 = arith.constant 0 : i32
    %dma_wait3A_111 = arith.constant 0 : i32
    %dma_wait3A_112 = tpu.memref_slice %arg2[%dma_wait3A_110, %dma_wait3A_111] : memref<10240x32xf32, #tpu.memory_space<hbm>> -> memref<10240x32xf32, #tpu.memory_space<hbm>>
    tpu.wait_indirect_dma semaphore(%arg13 : memref<!tpu.dma_semaphore, #tpu.memory_space<semaphore_mem>>) src(%dma_wait3A_112 : memref<10240x32xf32, #tpu.memory_space<hbm>>) dst(%arg10 : memref<1000x32xf32, #tpu.memory_space<vmem>>)
    %dma_start3A_113 = arith.constant 5000 : i32
    %dma_start3A_114 = tpu.memref_slice %arg7[%dma_start3A_113] : memref<10000xi32, #tpu.memory_space<vmem>> -> memref<1000xi32, #tpu.memory_space<vmem>>
    %dma_start3A_115 = arith.constant 0 : i32
    %dma_start3A_116 = arith.constant 0 : i32
    %dma_start3A_117 = tpu.memref_slice %arg2[%dma_start3A_115, %dma_start3A_116] : memref<10240x32xf32, #tpu.memory_space<hbm>> -> memref<10240x32xf32, #tpu.memory_space<hbm>>
    tpu.enqueue_indirect_dma source(%dma_start3A_117 : memref<10240x32xf32, #tpu.memory_space<hbm>>) target(%arg12 : memref<1000x32xf32, #tpu.memory_space<vmem>>) offsets(%dma_start3A_114 : memref<1000xi32, #tpu.memory_space<vmem>>) semaphore(%arg15 : memref<!tpu.dma_semaphore, #tpu.memory_space<semaphore_mem>>)
    "tpu.region"() ({
      %run_scoped3A_251 = tpu.sem_alloc : memref<!tpu.dma_semaphore, #tpu.memory_space<semaphore_mem>>
      %dma_start3A_252 = arith.constant 0 : i32
      %dma_start3A_253 = arith.constant 0 : i32
      %dma_start3A_254 = tpu.memref_slice %arg6[%dma_start3A_252, %dma_start3A_253] : memref<10240x32xf32, #tpu.memory_space<vmem_shared>> -> memref<10240x32xf32, #tpu.memory_space<vmem_shared>>
      tpu.enqueue_indirect_dma source(%arg10 : memref<1000x32xf32, #tpu.memory_space<vmem>>) target(%dma_start3A_254 : memref<10240x32xf32, #tpu.memory_space<vmem_shared>>) offsets(%arg9 : memref<1000xi32, #tpu.memory_space<vmem>>) semaphore(%run_scoped3A_251 : memref<!tpu.dma_semaphore, #tpu.memory_space<semaphore_mem>>) {add = true}
      %dma_wait3A_255 = arith.constant 0 : i32
      %dma_wait3A_256 = arith.constant 0 : i32
      %dma_wait3A_257 = tpu.memref_slice %arg6[%dma_wait3A_255, %dma_wait3A_256] : memref<10240x32xf32, #tpu.memory_space<vmem_shared>> -> memref<10240x32xf32, #tpu.memory_space<vmem_shared>>
      tpu.wait_indirect_dma semaphore(%run_scoped3A_251 : memref<!tpu.dma_semaphore, #tpu.memory_space<semaphore_mem>>) src(%arg10 : memref<1000x32xf32, #tpu.memory_space<vmem>>) dst(%dma_wait3A_257 : memref<10240x32xf32, #tpu.memory_space<vmem_shared>>)
      tpu.yield
    }) : () -> ()
    %mul3A_118 = arith.constant 10000 : i32
    %mul3A_119 = arith.muli %add3A, %mul3A_118 : i32
    %add3A_120 = arith.constant 5000 : i32
    %add3A_121 = arith.addi %mul3A_119, %add3A_120 : i32
    %dma_start3A_122 = arith.constant 1 : i32
    %dma_start3A_123 = tpu.memref_slice %arg3[%dma_start3A_122, %add3A_121] : memref<2x320000xi32, #tpu.memory_space<hbm>> -> memref<1x1000xi32, #tpu.memory_space<hbm>>
    %dma_start3A_124 = tpu.memref_squeeze %dma_start3A_123 : memref<1x1000xi32, #tpu.memory_space<hbm>> -> memref<1000xi32, #tpu.memory_space<hbm>>
    %dma_start3A_125 = tpu.memref_slice %arg3[%dma_start3A_122, %add3A_121] : memref<2x320000xi32, #tpu.memory_space<hbm>> -> memref<1x1000xi32, #tpu.memory_space<hbm>>
    %dma_start3A_126 = tpu.memref_squeeze %dma_start3A_125 : memref<1x1000xi32, #tpu.memory_space<hbm>> -> memref<1000xi32, #tpu.memory_space<hbm>>
    tpu.enqueue_dma source(%dma_start3A_126 : memref<1000xi32, #tpu.memory_space<hbm>>) target(%arg9 : memref<1000xi32, #tpu.memory_space<vmem>>) target_semaphore(%arg17 : memref<!tpu.dma_semaphore, #tpu.memory_space<semaphore_mem>>)
    %dma_wait3A_127 = arith.constant 1 : i32
    %dma_wait3A_128 = tpu.memref_slice %arg3[%dma_wait3A_127, %add3A_97] : memref<2x320000xi32, #tpu.memory_space<hbm>> -> memref<1x1000xi32, #tpu.memory_space<hbm>>
    %dma_wait3A_129 = tpu.memref_squeeze %dma_wait3A_128 : memref<1x1000xi32, #tpu.memory_space<hbm>> -> memref<1000xi32, #tpu.memory_space<hbm>>
    %dma_wait3A_130 = tpu.memref_slice %arg3[%dma_wait3A_127, %add3A_97] : memref<2x320000xi32, #tpu.memory_space<hbm>> -> memref<1x1000xi32, #tpu.memory_space<hbm>>
    %dma_wait3A_131 = tpu.memref_squeeze %dma_wait3A_130 : memref<1x1000xi32, #tpu.memory_space<hbm>> -> memref<1000xi32, #tpu.memory_space<hbm>>
    tpu.wait_dma2 semaphore(%arg16 : memref<!tpu.dma_semaphore, #tpu.memory_space<semaphore_mem>>) src(%dma_wait3A_131 : memref<1000xi32, #tpu.memory_space<hbm>>) dst(%arg8 : memref<1000xi32, #tpu.memory_space<vmem>>)
    %dma_wait3A_132 = arith.constant 4000 : i32
    %dma_wait3A_133 = tpu.memref_slice %arg7[%dma_wait3A_132] : memref<10000xi32, #tpu.memory_space<vmem>> -> memref<1000xi32, #tpu.memory_space<vmem>>
    %dma_wait3A_134 = arith.constant 0 : i32
    %dma_wait3A_135 = arith.constant 0 : i32
    %dma_wait3A_136 = tpu.memref_slice %arg2[%dma_wait3A_134, %dma_wait3A_135] : memref<10240x32xf32, #tpu.memory_space<hbm>> -> memref<10240x32xf32, #tpu.memory_space<hbm>>
    tpu.wait_indirect_dma semaphore(%arg14 : memref<!tpu.dma_semaphore, #tpu.memory_space<semaphore_mem>>) src(%dma_wait3A_136 : memref<10240x32xf32, #tpu.memory_space<hbm>>) dst(%arg11 : memref<1000x32xf32, #tpu.memory_space<vmem>>)
    %dma_start3A_137 = arith.constant 6000 : i32
    %dma_start3A_138 = tpu.memref_slice %arg7[%dma_start3A_137] : memref<10000xi32, #tpu.memory_space<vmem>> -> memref<1000xi32, #tpu.memory_space<vmem>>
    %dma_start3A_139 = arith.constant 0 : i32
    %dma_start3A_140 = arith.constant 0 : i32
    %dma_start3A_141 = tpu.memref_slice %arg2[%dma_start3A_139, %dma_start3A_140] : memref<10240x32xf32, #tpu.memory_space<hbm>> -> memref<10240x32xf32, #tpu.memory_space<hbm>>
    tpu.enqueue_indirect_dma source(%dma_start3A_141 : memref<10240x32xf32, #tpu.memory_space<hbm>>) target(%arg10 : memref<1000x32xf32, #tpu.memory_space<vmem>>) offsets(%dma_start3A_138 : memref<1000xi32, #tpu.memory_space<vmem>>) semaphore(%arg13 : memref<!tpu.dma_semaphore, #tpu.memory_space<semaphore_mem>>)
    "tpu.region"() ({
      %run_scoped3A_251 = tpu.sem_alloc : memref<!tpu.dma_semaphore, #tpu.memory_space<semaphore_mem>>
      %dma_start3A_252 = arith.constant 0 : i32
      %dma_start3A_253 = arith.constant 0 : i32
      %dma_start3A_254 = tpu.memref_slice %arg6[%dma_start3A_252, %dma_start3A_253] : memref<10240x32xf32, #tpu.memory_space<vmem_shared>> -> memref<10240x32xf32, #tpu.memory_space<vmem_shared>>
      tpu.enqueue_indirect_dma source(%arg11 : memref<1000x32xf32, #tpu.memory_space<vmem>>) target(%dma_start3A_254 : memref<10240x32xf32, #tpu.memory_space<vmem_shared>>) offsets(%arg8 : memref<1000xi32, #tpu.memory_space<vmem>>) semaphore(%run_scoped3A_251 : memref<!tpu.dma_semaphore, #tpu.memory_space<semaphore_mem>>) {add = true}
      %dma_wait3A_255 = arith.constant 0 : i32
      %dma_wait3A_256 = arith.constant 0 : i32
      %dma_wait3A_257 = tpu.memref_slice %arg6[%dma_wait3A_255, %dma_wait3A_256] : memref<10240x32xf32, #tpu.memory_space<vmem_shared>> -> memref<10240x32xf32, #tpu.memory_space<vmem_shared>>
      tpu.wait_indirect_dma semaphore(%run_scoped3A_251 : memref<!tpu.dma_semaphore, #tpu.memory_space<semaphore_mem>>) src(%arg11 : memref<1000x32xf32, #tpu.memory_space<vmem>>) dst(%dma_wait3A_257 : memref<10240x32xf32, #tpu.memory_space<vmem_shared>>)
      tpu.yield
    }) : () -> ()
    %mul3A_142 = arith.constant 10000 : i32
    %mul3A_143 = arith.muli %add3A, %mul3A_142 : i32
    %add3A_144 = arith.constant 6000 : i32
    %add3A_145 = arith.addi %mul3A_143, %add3A_144 : i32
    %dma_start3A_146 = arith.constant 1 : i32
    %dma_start3A_147 = tpu.memref_slice %arg3[%dma_start3A_146, %add3A_145] : memref<2x320000xi32, #tpu.memory_space<hbm>> -> memref<1x1000xi32, #tpu.memory_space<hbm>>
    %dma_start3A_148 = tpu.memref_squeeze %dma_start3A_147 : memref<1x1000xi32, #tpu.memory_space<hbm>> -> memref<1000xi32, #tpu.memory_space<hbm>>
    %dma_start3A_149 = tpu.memref_slice %arg3[%dma_start3A_146, %add3A_145] : memref<2x320000xi32, #tpu.memory_space<hbm>> -> memref<1x1000xi32, #tpu.memory_space<hbm>>
    %dma_start3A_150 = tpu.memref_squeeze %dma_start3A_149 : memref<1x1000xi32, #tpu.memory_space<hbm>> -> memref<1000xi32, #tpu.memory_space<hbm>>
    tpu.enqueue_dma source(%dma_start3A_150 : memref<1000xi32, #tpu.memory_space<hbm>>) target(%arg8 : memref<1000xi32, #tpu.memory_space<vmem>>) target_semaphore(%arg16 : memref<!tpu.dma_semaphore, #tpu.memory_space<semaphore_mem>>)
    %dma_wait3A_151 = arith.constant 1 : i32
    %dma_wait3A_152 = tpu.memref_slice %arg3[%dma_wait3A_151, %add3A_121] : memref<2x320000xi32, #tpu.memory_space<hbm>> -> memref<1x1000xi32, #tpu.memory_space<hbm>>
    %dma_wait3A_153 = tpu.memref_squeeze %dma_wait3A_152 : memref<1x1000xi32, #tpu.memory_space<hbm>> -> memref<1000xi32, #tpu.memory_space<hbm>>
    %dma_wait3A_154 = tpu.memref_slice %arg3[%dma_wait3A_151, %add3A_121] : memref<2x320000xi32, #tpu.memory_space<hbm>> -> memref<1x1000xi32, #tpu.memory_space<hbm>>
    %dma_wait3A_155 = tpu.memref_squeeze %dma_wait3A_154 : memref<1x1000xi32, #tpu.memory_space<hbm>> -> memref<1000xi32, #tpu.memory_space<hbm>>
    tpu.wait_dma2 semaphore(%arg17 : memref<!tpu.dma_semaphore, #tpu.memory_space<semaphore_mem>>) src(%dma_wait3A_155 : memref<1000xi32, #tpu.memory_space<hbm>>) dst(%arg9 : memref<1000xi32, #tpu.memory_space<vmem>>)
    %dma_wait3A_156 = arith.constant 5000 : i32
    %dma_wait3A_157 = tpu.memref_slice %arg7[%dma_wait3A_156] : memref<10000xi32, #tpu.memory_space<vmem>> -> memref<1000xi32, #tpu.memory_space<vmem>>
    %dma_wait3A_158 = arith.constant 0 : i32
    %dma_wait3A_159 = arith.constant 0 : i32
    %dma_wait3A_160 = tpu.memref_slice %arg2[%dma_wait3A_158, %dma_wait3A_159] : memref<10240x32xf32, #tpu.memory_space<hbm>> -> memref<10240x32xf32, #tpu.memory_space<hbm>>
    tpu.wait_indirect_dma semaphore(%arg15 : memref<!tpu.dma_semaphore, #tpu.memory_space<semaphore_mem>>) src(%dma_wait3A_160 : memref<10240x32xf32, #tpu.memory_space<hbm>>) dst(%arg12 : memref<1000x32xf32, #tpu.memory_space<vmem>>)
    %dma_start3A_161 = arith.constant 7000 : i32
    %dma_start3A_162 = tpu.memref_slice %arg7[%dma_start3A_161] : memref<10000xi32, #tpu.memory_space<vmem>> -> memref<1000xi32, #tpu.memory_space<vmem>>
    %dma_start3A_163 = arith.constant 0 : i32
    %dma_start3A_164 = arith.constant 0 : i32
    %dma_start3A_165 = tpu.memref_slice %arg2[%dma_start3A_163, %dma_start3A_164] : memref<10240x32xf32, #tpu.memory_space<hbm>> -> memref<10240x32xf32, #tpu.memory_space<hbm>>
    tpu.enqueue_indirect_dma source(%dma_start3A_165 : memref<10240x32xf32, #tpu.memory_space<hbm>>) target(%arg11 : memref<1000x32xf32, #tpu.memory_space<vmem>>) offsets(%dma_start3A_162 : memref<1000xi32, #tpu.memory_space<vmem>>) semaphore(%arg14 : memref<!tpu.dma_semaphore, #tpu.memory_space<semaphore_mem>>)
    "tpu.region"() ({
      %run_scoped3A_251 = tpu.sem_alloc : memref<!tpu.dma_semaphore, #tpu.memory_space<semaphore_mem>>
      %dma_start3A_252 = arith.constant 0 : i32
      %dma_start3A_253 = arith.constant 0 : i32
      %dma_start3A_254 = tpu.memref_slice %arg6[%dma_start3A_252, %dma_start3A_253] : memref<10240x32xf32, #tpu.memory_space<vmem_shared>> -> memref<10240x32xf32, #tpu.memory_space<vmem_shared>>
      tpu.enqueue_indirect_dma source(%arg12 : memref<1000x32xf32, #tpu.memory_space<vmem>>) target(%dma_start3A_254 : memref<10240x32xf32, #tpu.memory_space<vmem_shared>>) offsets(%arg9 : memref<1000xi32, #tpu.memory_space<vmem>>) semaphore(%run_scoped3A_251 : memref<!tpu.dma_semaphore, #tpu.memory_space<semaphore_mem>>) {add = true}
      %dma_wait3A_255 = arith.constant 0 : i32
      %dma_wait3A_256 = arith.constant 0 : i32
      %dma_wait3A_257 = tpu.memref_slice %arg6[%dma_wait3A_255, %dma_wait3A_256] : memref<10240x32xf32, #tpu.memory_space<vmem_shared>> -> memref<10240x32xf32, #tpu.memory_space<vmem_shared>>
      tpu.wait_indirect_dma semaphore(%run_scoped3A_251 : memref<!tpu.dma_semaphore, #tpu.memory_space<semaphore_mem>>) src(%arg12 : memref<1000x32xf32, #tpu.memory_space<vmem>>) dst(%dma_wait3A_257 : memref<10240x32xf32, #tpu.memory_space<vmem_shared>>)
      tpu.yield
    }) : () -> ()
    %mul3A_166 = arith.constant 10000 : i32
    %mul3A_167 = arith.muli %add3A, %mul3A_166 : i32
    %add3A_168 = arith.constant 7000 : i32
    %add3A_169 = arith.addi %mul3A_167, %add3A_168 : i32
    %dma_start3A_170 = arith.constant 1 : i32
    %dma_start3A_171 = tpu.memref_slice %arg3[%dma_start3A_170, %add3A_169] : memref<2x320000xi32, #tpu.memory_space<hbm>> -> memref<1x1000xi32, #tpu.memory_space<hbm>>
    %dma_start3A_172 = tpu.memref_squeeze %dma_start3A_171 : memref<1x1000xi32, #tpu.memory_space<hbm>> -> memref<1000xi32, #tpu.memory_space<hbm>>
    %dma_start3A_173 = tpu.memref_slice %arg3[%dma_start3A_170, %add3A_169] : memref<2x320000xi32, #tpu.memory_space<hbm>> -> memref<1x1000xi32, #tpu.memory_space<hbm>>
    %dma_start3A_174 = tpu.memref_squeeze %dma_start3A_173 : memref<1x1000xi32, #tpu.memory_space<hbm>> -> memref<1000xi32, #tpu.memory_space<hbm>>
    tpu.enqueue_dma source(%dma_start3A_174 : memref<1000xi32, #tpu.memory_space<hbm>>) target(%arg9 : memref<1000xi32, #tpu.memory_space<vmem>>) target_semaphore(%arg17 : memref<!tpu.dma_semaphore, #tpu.memory_space<semaphore_mem>>)
    %dma_wait3A_175 = arith.constant 1 : i32
    %dma_wait3A_176 = tpu.memref_slice %arg3[%dma_wait3A_175, %add3A_145] : memref<2x320000xi32, #tpu.memory_space<hbm>> -> memref<1x1000xi32, #tpu.memory_space<hbm>>
    %dma_wait3A_177 = tpu.memref_squeeze %dma_wait3A_176 : memref<1x1000xi32, #tpu.memory_space<hbm>> -> memref<1000xi32, #tpu.memory_space<hbm>>
    %dma_wait3A_178 = tpu.memref_slice %arg3[%dma_wait3A_175, %add3A_145] : memref<2x320000xi32, #tpu.memory_space<hbm>> -> memref<1x1000xi32, #tpu.memory_space<hbm>>
    %dma_wait3A_179 = tpu.memref_squeeze %dma_wait3A_178 : memref<1x1000xi32, #tpu.memory_space<hbm>> -> memref<1000xi32, #tpu.memory_space<hbm>>
    tpu.wait_dma2 semaphore(%arg16 : memref<!tpu.dma_semaphore, #tpu.memory_space<semaphore_mem>>) src(%dma_wait3A_179 : memref<1000xi32, #tpu.memory_space<hbm>>) dst(%arg8 : memref<1000xi32, #tpu.memory_space<vmem>>)
    %dma_wait3A_180 = arith.constant 6000 : i32
    %dma_wait3A_181 = tpu.memref_slice %arg7[%dma_wait3A_180] : memref<10000xi32, #tpu.memory_space<vmem>> -> memref<1000xi32, #tpu.memory_space<vmem>>
    %dma_wait3A_182 = arith.constant 0 : i32
    %dma_wait3A_183 = arith.constant 0 : i32
    %dma_wait3A_184 = tpu.memref_slice %arg2[%dma_wait3A_182, %dma_wait3A_183] : memref<10240x32xf32, #tpu.memory_space<hbm>> -> memref<10240x32xf32, #tpu.memory_space<hbm>>
    tpu.wait_indirect_dma semaphore(%arg13 : memref<!tpu.dma_semaphore, #tpu.memory_space<semaphore_mem>>) src(%dma_wait3A_184 : memref<10240x32xf32, #tpu.memory_space<hbm>>) dst(%arg10 : memref<1000x32xf32, #tpu.memory_space<vmem>>)
    %dma_start3A_185 = arith.constant 8000 : i32
    %dma_start3A_186 = tpu.memref_slice %arg7[%dma_start3A_185] : memref<10000xi32, #tpu.memory_space<vmem>> -> memref<1000xi32, #tpu.memory_space<vmem>>
    %dma_start3A_187 = arith.constant 0 : i32
    %dma_start3A_188 = arith.constant 0 : i32
    %dma_start3A_189 = tpu.memref_slice %arg2[%dma_start3A_187, %dma_start3A_188] : memref<10240x32xf32, #tpu.memory_space<hbm>> -> memref<10240x32xf32, #tpu.memory_space<hbm>>
    tpu.enqueue_indirect_dma source(%dma_start3A_189 : memref<10240x32xf32, #tpu.memory_space<hbm>>) target(%arg12 : memref<1000x32xf32, #tpu.memory_space<vmem>>) offsets(%dma_start3A_186 : memref<1000xi32, #tpu.memory_space<vmem>>) semaphore(%arg15 : memref<!tpu.dma_semaphore, #tpu.memory_space<semaphore_mem>>)
    "tpu.region"() ({
      %run_scoped3A_251 = tpu.sem_alloc : memref<!tpu.dma_semaphore, #tpu.memory_space<semaphore_mem>>
      %dma_start3A_252 = arith.constant 0 : i32
      %dma_start3A_253 = arith.constant 0 : i32
      %dma_start3A_254 = tpu.memref_slice %arg6[%dma_start3A_252, %dma_start3A_253] : memref<10240x32xf32, #tpu.memory_space<vmem_shared>> -> memref<10240x32xf32, #tpu.memory_space<vmem_shared>>
      tpu.enqueue_indirect_dma source(%arg10 : memref<1000x32xf32, #tpu.memory_space<vmem>>) target(%dma_start3A_254 : memref<10240x32xf32, #tpu.memory_space<vmem_shared>>) offsets(%arg8 : memref<1000xi32, #tpu.memory_space<vmem>>) semaphore(%run_scoped3A_251 : memref<!tpu.dma_semaphore, #tpu.memory_space<semaphore_mem>>) {add = true}
      %dma_wait3A_255 = arith.constant 0 : i32
      %dma_wait3A_256 = arith.constant 0 : i32
      %dma_wait3A_257 = tpu.memref_slice %arg6[%dma_wait3A_255, %dma_wait3A_256] : memref<10240x32xf32, #tpu.memory_space<vmem_shared>> -> memref<10240x32xf32, #tpu.memory_space<vmem_shared>>
      tpu.wait_indirect_dma semaphore(%run_scoped3A_251 : memref<!tpu.dma_semaphore, #tpu.memory_space<semaphore_mem>>) src(%arg10 : memref<1000x32xf32, #tpu.memory_space<vmem>>) dst(%dma_wait3A_257 : memref<10240x32xf32, #tpu.memory_space<vmem_shared>>)
      tpu.yield
    }) : () -> ()
    %mul3A_190 = arith.constant 10000 : i32
    %mul3A_191 = arith.muli %add3A, %mul3A_190 : i32
    %add3A_192 = arith.constant 8000 : i32
    %add3A_193 = arith.addi %mul3A_191, %add3A_192 : i32
    %dma_start3A_194 = arith.constant 1 : i32
    %dma_start3A_195 = tpu.memref_slice %arg3[%dma_start3A_194, %add3A_193] : memref<2x320000xi32, #tpu.memory_space<hbm>> -> memref<1x1000xi32, #tpu.memory_space<hbm>>
    %dma_start3A_196 = tpu.memref_squeeze %dma_start3A_195 : memref<1x1000xi32, #tpu.memory_space<hbm>> -> memref<1000xi32, #tpu.memory_space<hbm>>
    %dma_start3A_197 = tpu.memref_slice %arg3[%dma_start3A_194, %add3A_193] : memref<2x320000xi32, #tpu.memory_space<hbm>> -> memref<1x1000xi32, #tpu.memory_space<hbm>>
    %dma_start3A_198 = tpu.memref_squeeze %dma_start3A_197 : memref<1x1000xi32, #tpu.memory_space<hbm>> -> memref<1000xi32, #tpu.memory_space<hbm>>
    tpu.enqueue_dma source(%dma_start3A_198 : memref<1000xi32, #tpu.memory_space<hbm>>) target(%arg8 : memref<1000xi32, #tpu.memory_space<vmem>>) target_semaphore(%arg16 : memref<!tpu.dma_semaphore, #tpu.memory_space<semaphore_mem>>)
    %dma_wait3A_199 = arith.constant 1 : i32
    %dma_wait3A_200 = tpu.memref_slice %arg3[%dma_wait3A_199, %add3A_169] : memref<2x320000xi32, #tpu.memory_space<hbm>> -> memref<1x1000xi32, #tpu.memory_space<hbm>>
    %dma_wait3A_201 = tpu.memref_squeeze %dma_wait3A_200 : memref<1x1000xi32, #tpu.memory_space<hbm>> -> memref<1000xi32, #tpu.memory_space<hbm>>
    %dma_wait3A_202 = tpu.memref_slice %arg3[%dma_wait3A_199, %add3A_169] : memref<2x320000xi32, #tpu.memory_space<hbm>> -> memref<1x1000xi32, #tpu.memory_space<hbm>>
    %dma_wait3A_203 = tpu.memref_squeeze %dma_wait3A_202 : memref<1x1000xi32, #tpu.memory_space<hbm>> -> memref<1000xi32, #tpu.memory_space<hbm>>
    tpu.wait_dma2 semaphore(%arg17 : memref<!tpu.dma_semaphore, #tpu.memory_space<semaphore_mem>>) src(%dma_wait3A_203 : memref<1000xi32, #tpu.memory_space<hbm>>) dst(%arg9 : memref<1000xi32, #tpu.memory_space<vmem>>)
    %dma_wait3A_204 = arith.constant 7000 : i32
    %dma_wait3A_205 = tpu.memref_slice %arg7[%dma_wait3A_204] : memref<10000xi32, #tpu.memory_space<vmem>> -> memref<1000xi32, #tpu.memory_space<vmem>>
    %dma_wait3A_206 = arith.constant 0 : i32
    %dma_wait3A_207 = arith.constant 0 : i32
    %dma_wait3A_208 = tpu.memref_slice %arg2[%dma_wait3A_206, %dma_wait3A_207] : memref<10240x32xf32, #tpu.memory_space<hbm>> -> memref<10240x32xf32, #tpu.memory_space<hbm>>
    tpu.wait_indirect_dma semaphore(%arg14 : memref<!tpu.dma_semaphore, #tpu.memory_space<semaphore_mem>>) src(%dma_wait3A_208 : memref<10240x32xf32, #tpu.memory_space<hbm>>) dst(%arg11 : memref<1000x32xf32, #tpu.memory_space<vmem>>)
    %dma_start3A_209 = arith.constant 9000 : i32
    %dma_start3A_210 = tpu.memref_slice %arg7[%dma_start3A_209] : memref<10000xi32, #tpu.memory_space<vmem>> -> memref<1000xi32, #tpu.memory_space<vmem>>
    %dma_start3A_211 = arith.constant 0 : i32
    %dma_start3A_212 = arith.constant 0 : i32
    %dma_start3A_213 = tpu.memref_slice %arg2[%dma_start3A_211, %dma_start3A_212] : memref<10240x32xf32, #tpu.memory_space<hbm>> -> memref<10240x32xf32, #tpu.memory_space<hbm>>
    tpu.enqueue_indirect_dma source(%dma_start3A_213 : memref<10240x32xf32, #tpu.memory_space<hbm>>) target(%arg10 : memref<1000x32xf32, #tpu.memory_space<vmem>>) offsets(%dma_start3A_210 : memref<1000xi32, #tpu.memory_space<vmem>>) semaphore(%arg13 : memref<!tpu.dma_semaphore, #tpu.memory_space<semaphore_mem>>)
    "tpu.region"() ({
      %run_scoped3A_251 = tpu.sem_alloc : memref<!tpu.dma_semaphore, #tpu.memory_space<semaphore_mem>>
      %dma_start3A_252 = arith.constant 0 : i32
      %dma_start3A_253 = arith.constant 0 : i32
      %dma_start3A_254 = tpu.memref_slice %arg6[%dma_start3A_252, %dma_start3A_253] : memref<10240x32xf32, #tpu.memory_space<vmem_shared>> -> memref<10240x32xf32, #tpu.memory_space<vmem_shared>>
      tpu.enqueue_indirect_dma source(%arg11 : memref<1000x32xf32, #tpu.memory_space<vmem>>) target(%dma_start3A_254 : memref<10240x32xf32, #tpu.memory_space<vmem_shared>>) offsets(%arg9 : memref<1000xi32, #tpu.memory_space<vmem>>) semaphore(%run_scoped3A_251 : memref<!tpu.dma_semaphore, #tpu.memory_space<semaphore_mem>>) {add = true}
      %dma_wait3A_255 = arith.constant 0 : i32
      %dma_wait3A_256 = arith.constant 0 : i32
      %dma_wait3A_257 = tpu.memref_slice %arg6[%dma_wait3A_255, %dma_wait3A_256] : memref<10240x32xf32, #tpu.memory_space<vmem_shared>> -> memref<10240x32xf32, #tpu.memory_space<vmem_shared>>
      tpu.wait_indirect_dma semaphore(%run_scoped3A_251 : memref<!tpu.dma_semaphore, #tpu.memory_space<semaphore_mem>>) src(%arg11 : memref<1000x32xf32, #tpu.memory_space<vmem>>) dst(%dma_wait3A_257 : memref<10240x32xf32, #tpu.memory_space<vmem_shared>>)
      tpu.yield
    }) : () -> ()
    %mul3A_214 = arith.constant 10000 : i32
    %mul3A_215 = arith.muli %add3A, %mul3A_214 : i32
    %add3A_216 = arith.constant 9000 : i32
    %add3A_217 = arith.addi %mul3A_215, %add3A_216 : i32
    %dma_start3A_218 = arith.constant 1 : i32
    %dma_start3A_219 = tpu.memref_slice %arg3[%dma_start3A_218, %add3A_217] : memref<2x320000xi32, #tpu.memory_space<hbm>> -> memref<1x1000xi32, #tpu.memory_space<hbm>>
    %dma_start3A_220 = tpu.memref_squeeze %dma_start3A_219 : memref<1x1000xi32, #tpu.memory_space<hbm>> -> memref<1000xi32, #tpu.memory_space<hbm>>
    %dma_start3A_221 = tpu.memref_slice %arg3[%dma_start3A_218, %add3A_217] : memref<2x320000xi32, #tpu.memory_space<hbm>> -> memref<1x1000xi32, #tpu.memory_space<hbm>>
    %dma_start3A_222 = tpu.memref_squeeze %dma_start3A_221 : memref<1x1000xi32, #tpu.memory_space<hbm>> -> memref<1000xi32, #tpu.memory_space<hbm>>
    tpu.enqueue_dma source(%dma_start3A_222 : memref<1000xi32, #tpu.memory_space<hbm>>) target(%arg9 : memref<1000xi32, #tpu.memory_space<vmem>>) target_semaphore(%arg17 : memref<!tpu.dma_semaphore, #tpu.memory_space<semaphore_mem>>)
    %dma_wait3A_223 = arith.constant 1 : i32
    %dma_wait3A_224 = tpu.memref_slice %arg3[%dma_wait3A_223, %add3A_193] : memref<2x320000xi32, #tpu.memory_space<hbm>> -> memref<1x1000xi32, #tpu.memory_space<hbm>>
    %dma_wait3A_225 = tpu.memref_squeeze %dma_wait3A_224 : memref<1x1000xi32, #tpu.memory_space<hbm>> -> memref<1000xi32, #tpu.memory_space<hbm>>
    %dma_wait3A_226 = tpu.memref_slice %arg3[%dma_wait3A_223, %add3A_193] : memref<2x320000xi32, #tpu.memory_space<hbm>> -> memref<1x1000xi32, #tpu.memory_space<hbm>>
    %dma_wait3A_227 = tpu.memref_squeeze %dma_wait3A_226 : memref<1x1000xi32, #tpu.memory_space<hbm>> -> memref<1000xi32, #tpu.memory_space<hbm>>
    tpu.wait_dma2 semaphore(%arg16 : memref<!tpu.dma_semaphore, #tpu.memory_space<semaphore_mem>>) src(%dma_wait3A_227 : memref<1000xi32, #tpu.memory_space<hbm>>) dst(%arg8 : memref<1000xi32, #tpu.memory_space<vmem>>)
    %dma_wait3A_228 = arith.constant 8000 : i32
    %dma_wait3A_229 = tpu.memref_slice %arg7[%dma_wait3A_228] : memref<10000xi32, #tpu.memory_space<vmem>> -> memref<1000xi32, #tpu.memory_space<vmem>>
    %dma_wait3A_230 = arith.constant 0 : i32
    %dma_wait3A_231 = arith.constant 0 : i32
    %dma_wait3A_232 = tpu.memref_slice %arg2[%dma_wait3A_230, %dma_wait3A_231] : memref<10240x32xf32, #tpu.memory_space<hbm>> -> memref<10240x32xf32, #tpu.memory_space<hbm>>
    tpu.wait_indirect_dma semaphore(%arg15 : memref<!tpu.dma_semaphore, #tpu.memory_space<semaphore_mem>>) src(%dma_wait3A_232 : memref<10240x32xf32, #tpu.memory_space<hbm>>) dst(%arg12 : memref<1000x32xf32, #tpu.memory_space<vmem>>)
    "tpu.region"() ({
      %run_scoped3A_251 = tpu.sem_alloc : memref<!tpu.dma_semaphore, #tpu.memory_space<semaphore_mem>>
      %dma_start3A_252 = arith.constant 0 : i32
      %dma_start3A_253 = arith.constant 0 : i32
      %dma_start3A_254 = tpu.memref_slice %arg6[%dma_start3A_252, %dma_start3A_253] : memref<10240x32xf32, #tpu.memory_space<vmem_shared>> -> memref<10240x32xf32, #tpu.memory_space<vmem_shared>>
      tpu.enqueue_indirect_dma source(%arg12 : memref<1000x32xf32, #tpu.memory_space<vmem>>) target(%dma_start3A_254 : memref<10240x32xf32, #tpu.memory_space<vmem_shared>>) offsets(%arg8 : memref<1000xi32, #tpu.memory_space<vmem>>) semaphore(%run_scoped3A_251 : memref<!tpu.dma_semaphore, #tpu.memory_space<semaphore_mem>>) {add = true}
      %dma_wait3A_255 = arith.constant 0 : i32
      %dma_wait3A_256 = arith.constant 0 : i32
      %dma_wait3A_257 = tpu.memref_slice %arg6[%dma_wait3A_255, %dma_wait3A_256] : memref<10240x32xf32, #tpu.memory_space<vmem_shared>> -> memref<10240x32xf32, #tpu.memory_space<vmem_shared>>
      tpu.wait_indirect_dma semaphore(%run_scoped3A_251 : memref<!tpu.dma_semaphore, #tpu.memory_space<semaphore_mem>>) src(%arg12 : memref<1000x32xf32, #tpu.memory_space<vmem>>) dst(%dma_wait3A_257 : memref<10240x32xf32, #tpu.memory_space<vmem_shared>>)
      tpu.yield
    }) : () -> ()
    %dma_wait3A_233 = arith.constant 1 : i32
    %dma_wait3A_234 = tpu.memref_slice %arg3[%dma_wait3A_233, %add3A_217] : memref<2x320000xi32, #tpu.memory_space<hbm>> -> memref<1x1000xi32, #tpu.memory_space<hbm>>
    %dma_wait3A_235 = tpu.memref_squeeze %dma_wait3A_234 : memref<1x1000xi32, #tpu.memory_space<hbm>> -> memref<1000xi32, #tpu.memory_space<hbm>>
    %dma_wait3A_236 = tpu.memref_slice %arg3[%dma_wait3A_233, %add3A_217] : memref<2x320000xi32, #tpu.memory_space<hbm>> -> memref<1x1000xi32, #tpu.memory_space<hbm>>
    %dma_wait3A_237 = tpu.memref_squeeze %dma_wait3A_236 : memref<1x1000xi32, #tpu.memory_space<hbm>> -> memref<1000xi32, #tpu.memory_space<hbm>>
    tpu.wait_dma2 semaphore(%arg17 : memref<!tpu.dma_semaphore, #tpu.memory_space<semaphore_mem>>) src(%dma_wait3A_237 : memref<1000xi32, #tpu.memory_space<hbm>>) dst(%arg9 : memref<1000xi32, #tpu.memory_space<vmem>>)
    %dma_wait3A_238 = arith.constant 9000 : i32
    %dma_wait3A_239 = tpu.memref_slice %arg7[%dma_wait3A_238] : memref<10000xi32, #tpu.memory_space<vmem>> -> memref<1000xi32, #tpu.memory_space<vmem>>
    %dma_wait3A_240 = arith.constant 0 : i32
    %dma_wait3A_241 = arith.constant 0 : i32
    %dma_wait3A_242 = tpu.memref_slice %arg2[%dma_wait3A_240, %dma_wait3A_241] : memref<10240x32xf32, #tpu.memory_space<hbm>> -> memref<10240x32xf32, #tpu.memory_space<hbm>>
    tpu.wait_indirect_dma semaphore(%arg13 : memref<!tpu.dma_semaphore, #tpu.memory_space<semaphore_mem>>) src(%dma_wait3A_242 : memref<10240x32xf32, #tpu.memory_space<hbm>>) dst(%arg10 : memref<1000x32xf32, #tpu.memory_space<vmem>>)
    "tpu.region"() ({
      %run_scoped3A_251 = tpu.sem_alloc : memref<!tpu.dma_semaphore, #tpu.memory_space<semaphore_mem>>
      %dma_start3A_252 = arith.constant 0 : i32
      %dma_start3A_253 = arith.constant 0 : i32
      %dma_start3A_254 = tpu.memref_slice %arg6[%dma_start3A_252, %dma_start3A_253] : memref<10240x32xf32, #tpu.memory_space<vmem_shared>> -> memref<10240x32xf32, #tpu.memory_space<vmem_shared>>
      tpu.enqueue_indirect_dma source(%arg10 : memref<1000x32xf32, #tpu.memory_space<vmem>>) target(%dma_start3A_254 : memref<10240x32xf32, #tpu.memory_space<vmem_shared>>) offsets(%arg9 : memref<1000xi32, #tpu.memory_space<vmem>>) semaphore(%run_scoped3A_251 : memref<!tpu.dma_semaphore, #tpu.memory_space<semaphore_mem>>) {add = true}
      %dma_wait3A_255 = arith.constant 0 : i32
      %dma_wait3A_256 = arith.constant 0 : i32
      %dma_wait3A_257 = tpu.memref_slice %arg6[%dma_wait3A_255, %dma_wait3A_256] : memref<10240x32xf32, #tpu.memory_space<vmem_shared>> -> memref<10240x32xf32, #tpu.memory_space<vmem_shared>>
      tpu.wait_indirect_dma semaphore(%run_scoped3A_251 : memref<!tpu.dma_semaphore, #tpu.memory_space<semaphore_mem>>) src(%arg10 : memref<1000x32xf32, #tpu.memory_space<vmem>>) dst(%dma_wait3A_257 : memref<10240x32xf32, #tpu.memory_space<vmem_shared>>)
      tpu.yield
    }) : () -> ()
    %barrier3A_243 = arith.constant 0 : index
    tpu.barrier barrier_id(%barrier3A_243)
    %eq3A = arith.constant 0 : i32
    %eq3A_244 = arith.cmpi eq, %arg0, %eq3A : i32
    %convert_element_type3A = arith.extui %eq3A_244 : i1 to i32
    %cond3A = arith.constant 0 : i32
    %cond3A_245 = arith.cmpi ne, %convert_element_type3A, %cond3A : i32
    scf.if %cond3A_245 {
      %run_scoped3A_251 = arith.constant 0 : i32
      "tpu.region"() ({
        %run_scoped3A_252 = tpu.sem_alloc : memref<!tpu.dma_semaphore, #tpu.memory_space<semaphore_mem>>
        %dma_start3A_253 = arith.constant 0 : i32
        %dma_start3A_254 = tpu.memref_slice %arg5[%run_scoped3A_251, %mul3A_2, %dma_start3A_253] : memref<2x10240x32xf32, #tpu.memory_space<hbm>> -> memref<1x640x32xf32, #tpu.memory_space<hbm>>
        %dma_start3A_255 = tpu.memref_squeeze %dma_start3A_254 : memref<1x640x32xf32, #tpu.memory_space<hbm>> -> memref<640x32xf32, #tpu.memory_space<hbm>>
        %dma_start3A_256 = arith.constant 0 : i32
        %dma_start3A_257 = tpu.memref_slice %arg6[%mul3A_2, %dma_start3A_256] : memref<10240x32xf32, #tpu.memory_space<vmem_shared>> -> memref<640x32xf32, #tpu.memory_space<vmem_shared>>
        tpu.enqueue_dma source(%dma_start3A_257 : memref<640x32xf32, #tpu.memory_space<vmem_shared>>) target(%dma_start3A_255 : memref<640x32xf32, #tpu.memory_space<hbm>>) target_semaphore(%run_scoped3A_252 : memref<!tpu.dma_semaphore, #tpu.memory_space<semaphore_mem>>)
        %dma_wait3A_258 = arith.constant 0 : i32
        %dma_wait3A_259 = tpu.memref_slice %arg5[%run_scoped3A_251, %mul3A_2, %dma_wait3A_258] : memref<2x10240x32xf32, #tpu.memory_space<hbm>> -> memref<1x640x32xf32, #tpu.memory_space<hbm>>
        %dma_wait3A_260 = tpu.memref_squeeze %dma_wait3A_259 : memref<1x640x32xf32, #tpu.memory_space<hbm>> -> memref<640x32xf32, #tpu.memory_space<hbm>>
        %dma_wait3A_261 = arith.constant 0 : i32
        %dma_wait3A_262 = tpu.memref_slice %arg6[%mul3A_2, %dma_wait3A_261] : memref<10240x32xf32, #tpu.memory_space<vmem_shared>> -> memref<640x32xf32, #tpu.memory_space<vmem_shared>>
        tpu.wait_dma2 semaphore(%run_scoped3A_252 : memref<!tpu.dma_semaphore, #tpu.memory_space<semaphore_mem>>) src(%dma_wait3A_262 : memref<640x32xf32, #tpu.memory_space<vmem_shared>>) dst(%dma_wait3A_260 : memref<640x32xf32, #tpu.memory_space<hbm>>)
        tpu.yield
      }) : () -> ()
    } else {
    }
    %eq3A_246 = arith.constant 1 : i32
    %eq3A_247 = arith.cmpi eq, %arg0, %eq3A_246 : i32
    %convert_element_type3A_248 = arith.extui %eq3A_247 : i1 to i32
    %cond3A_249 = arith.constant 0 : i32
    %cond3A_250 = arith.cmpi ne, %convert_element_type3A_248, %cond3A_249 : i32
    scf.if %cond3A_250 {
      %run_scoped3A_251 = arith.constant 1 : i32
      "tpu.region"() ({
        %run_scoped3A_252 = tpu.sem_alloc : memref<!tpu.dma_semaphore, #tpu.memory_space<semaphore_mem>>
        %dma_start3A_253 = arith.constant 0 : i32
        %dma_start3A_254 = tpu.memref_slice %arg5[%run_scoped3A_251, %mul3A_2, %dma_start3A_253] : memref<2x10240x32xf32, #tpu.memory_space<hbm>> -> memref<1x640x32xf32, #tpu.memory_space<hbm>>
        %dma_start3A_255 = tpu.memref_squeeze %dma_start3A_254 : memref<1x640x32xf32, #tpu.memory_space<hbm>> -> memref<640x32xf32, #tpu.memory_space<hbm>>
        %dma_start3A_256 = arith.constant 0 : i32
        %dma_start3A_257 = tpu.memref_slice %arg6[%mul3A_2, %dma_start3A_256] : memref<10240x32xf32, #tpu.memory_space<vmem_shared>> -> memref<640x32xf32, #tpu.memory_space<vmem_shared>>
        tpu.enqueue_dma source(%dma_start3A_257 : memref<640x32xf32, #tpu.memory_space<vmem_shared>>) target(%dma_start3A_255 : memref<640x32xf32, #tpu.memory_space<hbm>>) target_semaphore(%run_scoped3A_252 : memref<!tpu.dma_semaphore, #tpu.memory_space<semaphore_mem>>)
        %dma_wait3A_258 = arith.constant 0 : i32
        %dma_wait3A_259 = tpu.memref_slice %arg5[%run_scoped3A_251, %mul3A_2, %dma_wait3A_258] : memref<2x10240x32xf32, #tpu.memory_space<hbm>> -> memref<1x640x32xf32, #tpu.memory_space<hbm>>
        %dma_wait3A_260 = tpu.memref_squeeze %dma_wait3A_259 : memref<1x640x32xf32, #tpu.memory_space<hbm>> -> memref<640x32xf32, #tpu.memory_space<hbm>>
        %dma_wait3A_261 = arith.constant 0 : i32
        %dma_wait3A_262 = tpu.memref_slice %arg6[%mul3A_2, %dma_wait3A_261] : memref<10240x32xf32, #tpu.memory_space<vmem_shared>> -> memref<640x32xf32, #tpu.memory_space<vmem_shared>>
        tpu.wait_dma2 semaphore(%run_scoped3A_252 : memref<!tpu.dma_semaphore, #tpu.memory_space<semaphore_mem>>) src(%dma_wait3A_262 : memref<640x32xf32, #tpu.memory_space<vmem_shared>>) dst(%dma_wait3A_260 : memref<640x32xf32, #tpu.memory_space<hbm>>)
        tpu.yield
      }) : () -> ()
    } else {
    }
    return
  }
}

module attributes {stable_mosaic.version = 14 : i64} {
  func.func @body(%arg0: memref<10240x1xf32, #tpu.memory_space<vmem>>, %arg1: memref<10240x1xf32, #tpu.memory_space<vmem>>, %arg2: memref<10000x128xf32, #tpu.memory_space<vmem>>, %arg3: memref<128x32xf32, #tpu.memory_space<vmem>>, %arg4: memref<10240x32xf32, #tpu.memory_space<vmem>>) attributes {dimension_semantics = [], scalar_prefetch = 0 : i64, scratch_operands = 0 : i64, tpu.core_type = #tpu.core_type<tc>} {
    %get3A = arith.constant 0 : index
    %get3A_0 = arith.constant 0 : index
    %get3A_1 = vector.load %arg0[%get3A, %get3A_0] : memref<10240x1xf32, #tpu.memory_space<vmem>>, vector<10240x1xf32>
    %get3A_2 = arith.constant 0 : index
    %get3A_3 = arith.constant 0 : index
    %get3A_4 = vector.load %arg1[%get3A_2, %get3A_3] : memref<10240x1xf32, #tpu.memory_space<vmem>>, vector<10240x1xf32>
    %add3A = arith.addf %get3A_1, %get3A_4 : vector<10240x1xf32>
    %add3A_5 = arith.constant 1.000000e+00 : f32
    %add3A_6 = vector.broadcast %add3A_5 : f32 to vector<10240x1xf32>
    %add3A_7 = arith.addf %add3A, %add3A_6 : vector<10240x1xf32>
    %rsqrt3A = math.rsqrt %add3A_7 : vector<10240x1xf32>
    %get3A_8 = arith.constant 0 : index
    %get3A_9 = arith.constant 0 : index
    %get3A_10 = vector.load %arg2[%get3A_8, %get3A_9] : memref<10000x128xf32, #tpu.memory_space<vmem>>, vector<10000x128xf32>
    %get3A_11 = arith.constant 0 : index
    %get3A_12 = arith.constant 0 : index
    %get3A_13 = vector.load %arg3[%get3A_11, %get3A_12] : memref<128x32xf32, #tpu.memory_space<vmem>>, vector<128x32xf32>
    %dot_general3A = arith.constant dense<0.000000e+00> : vector<10000x32xf32>
    %dot_general3A_14 = tpu.matmul %get3A_10, %get3A_13, %dot_general3A {dimension_numbers = #tpu.dot_dimension_numbers<[1], [0], [0], [1], [0, 0, 1, 1], [], []>, transpose_lhs_hint = false} : vector<10000x128xf32>, vector<128x32xf32>, vector<10000x32xf32> -> vector<10000x32xf32>
    %slice3A = vector.extract_strided_slice %rsqrt3A {offsets = [0, 0], sizes = [10000, 1], strides = [1, 1]} : vector<10240x1xf32> to vector<10000x1xf32>
    %mul3A = vector.broadcast %slice3A : vector<10000x1xf32> to vector<10000x32xf32>
    %mul3A_15 = arith.mulf %dot_general3A_14, %mul3A : vector<10000x32xf32>
    %swap3A = arith.constant 0 : index
    %swap3A_16 = arith.constant 0 : index
    %swap3A_17 = vector.load %arg4[%swap3A, %swap3A_16] : memref<10240x32xf32, #tpu.memory_space<vmem>>, vector<10000x32xf32>
    tpu.vector_store %arg4[%swap3A, %swap3A_16], %mul3A_15 {strides = array<i32>} : memref<10240x32xf32, #tpu.memory_space<vmem>>, vector<10000x32xf32>,
    %broadcast_in_dim3A = arith.constant 0.000000e+00 : f32
    %broadcast_in_dim3A_18 = vector.broadcast %broadcast_in_dim3A : f32 to vector<240x32xf32>
    %swap3A_19 = arith.constant 10000 : index
    %swap3A_20 = arith.constant 0 : index
    %swap3A_21 = vector.load %arg4[%swap3A_19, %swap3A_20] : memref<10240x32xf32, #tpu.memory_space<vmem>>, vector<240x32xf32>
    tpu.vector_store %arg4[%swap3A_19, %swap3A_20], %broadcast_in_dim3A_18 {strides = array<i32>} : memref<10240x32xf32, #tpu.memory_space<vmem>>, vector<240x32xf32>,
    return
  }
}

module attributes {stable_mosaic.version = 14 : i64} {
  func.func @body(%arg0: memref<10240x1xf32, #tpu.memory_space<vmem>>, %arg1: memref<10240x1xf32, #tpu.memory_space<vmem>>, %arg2: memref<2x10240x32xf32, #tpu.memory_space<vmem>>, %arg3: memref<10240x32xf32, #tpu.memory_space<vmem>>, %arg4: memref<1x32xf32, #tpu.memory_space<vmem>>, %arg5: memref<32x8xf32, #tpu.memory_space<vmem>>, %arg6: memref<10240x8xf32, #tpu.memory_space<vmem>>) attributes {dimension_semantics = [], scalar_prefetch = 0 : i64, scratch_operands = 0 : i64, tpu.core_type = #tpu.core_type<tc>} {
    %get3A = arith.constant 0 : index
    %get3A_0 = arith.constant 0 : index
    %get3A_1 = vector.load %arg0[%get3A, %get3A_0] : memref<10240x1xf32, #tpu.memory_space<vmem>>, vector<10240x1xf32>
    %get3A_2 = arith.constant 0 : index
    %get3A_3 = arith.constant 0 : index
    %get3A_4 = vector.load %arg1[%get3A_2, %get3A_3] : memref<10240x1xf32, #tpu.memory_space<vmem>>, vector<10240x1xf32>
    %add3A = arith.addf %get3A_1, %get3A_4 : vector<10240x1xf32>
    %add3A_5 = arith.constant 1.000000e+00 : f32
    %add3A_6 = vector.broadcast %add3A_5 : f32 to vector<10240x1xf32>
    %add3A_7 = arith.addf %add3A, %add3A_6 : vector<10240x1xf32>
    %rsqrt3A = math.rsqrt %add3A_7 : vector<10240x1xf32>
    %get3A_8 = arith.constant 0 : index
    %get3A_9 = arith.constant 0 : index
    %get3A_10 = arith.constant 0 : index
    %get3A_11 = vector.load %arg2[%get3A_8, %get3A_9, %get3A_10] : memref<2x10240x32xf32, #tpu.memory_space<vmem>>, vector<2x10240x32xf32>
    %slice3A = vector.extract_strided_slice %get3A_11 {offsets = [0, 0, 0], sizes = [1, 10240, 32], strides = [1, 1, 1]} : vector<2x10240x32xf32> to vector<1x10240x32xf32>
    %squeeze3A = vector.shape_cast %slice3A : vector<1x10240x32xf32> to vector<10240x32xf32>
    %slice3A_12 = vector.extract_strided_slice %get3A_11 {offsets = [1, 0, 0], sizes = [1, 10240, 32], strides = [1, 1, 1]} : vector<2x10240x32xf32> to vector<1x10240x32xf32>
    %squeeze3A_13 = vector.shape_cast %slice3A_12 : vector<1x10240x32xf32> to vector<10240x32xf32>
    %add3A_14 = arith.addf %squeeze3A, %squeeze3A_13 : vector<10240x32xf32>
    %get3A_15 = arith.constant 0 : index
    %get3A_16 = arith.constant 0 : index
    %get3A_17 = vector.load %arg3[%get3A_15, %get3A_16] : memref<10240x32xf32, #tpu.memory_space<vmem>>, vector<10240x32xf32>
    %add3A_18 = arith.addf %add3A_14, %get3A_17 : vector<10240x32xf32>
    %mul3A = vector.broadcast %rsqrt3A : vector<10240x1xf32> to vector<10240x32xf32>
    %mul3A_19 = arith.mulf %add3A_18, %mul3A : vector<10240x32xf32>
    %get3A_20 = arith.constant 0 : index
    %get3A_21 = arith.constant 0 : index
    %get3A_22 = vector.load %arg4[%get3A_20, %get3A_21] : memref<1x32xf32, #tpu.memory_space<vmem>>, vector<1x32xf32>
    %add3A_23 = vector.broadcast %get3A_22 : vector<1x32xf32> to vector<10240x32xf32>
    %add3A_24 = arith.addf %mul3A_19, %add3A_23 : vector<10240x32xf32>
    %max3A = arith.constant 0.000000e+00 : f32
    %max3A_25 = vector.broadcast %max3A : f32 to vector<10240x32xf32>
    %max3A_26 = arith.maximumf %add3A_24, %max3A_25 : vector<10240x32xf32>
    %get3A_27 = arith.constant 0 : index
    %get3A_28 = arith.constant 0 : index
    %get3A_29 = vector.load %arg5[%get3A_27, %get3A_28] : memref<32x8xf32, #tpu.memory_space<vmem>>, vector<32x8xf32>
    %dot_general3A = arith.constant dense<0.000000e+00> : vector<10240x8xf32>
    %dot_general3A_30 = tpu.matmul %max3A_26, %get3A_29, %dot_general3A {dimension_numbers = #tpu.dot_dimension_numbers<[1], [0], [0], [1], [0, 0, 1, 1], [], []>, transpose_lhs_hint = false} : vector<10240x32xf32>, vector<32x8xf32>, vector<10240x8xf32> -> vector<10240x8xf32>
    %mul3A_31 = vector.broadcast %rsqrt3A : vector<10240x1xf32> to vector<10240x8xf32>
    %mul3A_32 = arith.mulf %dot_general3A_30, %mul3A_31 : vector<10240x8xf32>
    %slice3A_33 = vector.extract_strided_slice %mul3A_32 {offsets = [0, 0], sizes = [10000, 8], strides = [1, 1]} : vector<10240x8xf32> to vector<10000x8xf32>
    %swap3A = arith.constant 0 : index
    %swap3A_34 = arith.constant 0 : index
    %swap3A_35 = vector.load %arg6[%swap3A, %swap3A_34] : memref<10240x8xf32, #tpu.memory_space<vmem>>, vector<10000x8xf32>
    tpu.vector_store %arg6[%swap3A, %swap3A_34], %slice3A_33 {strides = array<i32>} : memref<10240x8xf32, #tpu.memory_space<vmem>>, vector<10000x8xf32>,
    %broadcast_in_dim3A = arith.constant 0.000000e+00 : f32
    %broadcast_in_dim3A_36 = vector.broadcast %broadcast_in_dim3A : f32 to vector<240x8xf32>
    %swap3A_37 = arith.constant 10000 : index
    %swap3A_38 = arith.constant 0 : index
    %swap3A_39 = vector.load %arg6[%swap3A_37, %swap3A_38] : memref<10240x8xf32, #tpu.memory_space<vmem>>, vector<240x8xf32>
    tpu.vector_store %arg6[%swap3A_37, %swap3A_38], %broadcast_in_dim3A_36 {strides = array<i32>} : memref<10240x8xf32, #tpu.memory_space<vmem>>, vector<240x8xf32>,
    return
  }
}

module attributes {stable_mosaic.version = 14 : i64} {
  func.func @body(%arg0: memref<10240x1xf32, #tpu.memory_space<vmem>>, %arg1: memref<10240x1xf32, #tpu.memory_space<vmem>>, %arg2: memref<2x10240x8xf32, #tpu.memory_space<vmem>>, %arg3: memref<10240x8xf32, #tpu.memory_space<vmem>>, %arg4: memref<1x8xf32, #tpu.memory_space<vmem>>, %arg5: memref<10240x8xf32, #tpu.memory_space<vmem>>) attributes {dimension_semantics = [], scalar_prefetch = 0 : i64, scratch_operands = 0 : i64, tpu.core_type = #tpu.core_type<tc>} {
    %get3A = arith.constant 0 : index
    %get3A_0 = arith.constant 0 : index
    %get3A_1 = vector.load %arg0[%get3A, %get3A_0] : memref<10240x1xf32, #tpu.memory_space<vmem>>, vector<10240x1xf32>
    %get3A_2 = arith.constant 0 : index
    %get3A_3 = arith.constant 0 : index
    %get3A_4 = vector.load %arg1[%get3A_2, %get3A_3] : memref<10240x1xf32, #tpu.memory_space<vmem>>, vector<10240x1xf32>
    %add3A = arith.addf %get3A_1, %get3A_4 : vector<10240x1xf32>
    %add3A_5 = arith.constant 1.000000e+00 : f32
    %add3A_6 = vector.broadcast %add3A_5 : f32 to vector<10240x1xf32>
    %add3A_7 = arith.addf %add3A, %add3A_6 : vector<10240x1xf32>
    %rsqrt3A = math.rsqrt %add3A_7 : vector<10240x1xf32>
    %get3A_8 = arith.constant 0 : index
    %get3A_9 = arith.constant 0 : index
    %get3A_10 = arith.constant 0 : index
    %get3A_11 = vector.load %arg2[%get3A_8, %get3A_9, %get3A_10] : memref<2x10240x8xf32, #tpu.memory_space<vmem>>, vector<2x10240x8xf32>
    %slice3A = vector.extract_strided_slice %get3A_11 {offsets = [0, 0, 0], sizes = [1, 10240, 8], strides = [1, 1, 1]} : vector<2x10240x8xf32> to vector<1x10240x8xf32>
    %squeeze3A = vector.shape_cast %slice3A : vector<1x10240x8xf32> to vector<10240x8xf32>
    %slice3A_12 = vector.extract_strided_slice %get3A_11 {offsets = [1, 0, 0], sizes = [1, 10240, 8], strides = [1, 1, 1]} : vector<2x10240x8xf32> to vector<1x10240x8xf32>
    %squeeze3A_13 = vector.shape_cast %slice3A_12 : vector<1x10240x8xf32> to vector<10240x8xf32>
    %add3A_14 = arith.addf %squeeze3A, %squeeze3A_13 : vector<10240x8xf32>
    %get3A_15 = arith.constant 0 : index
    %get3A_16 = arith.constant 0 : index
    %get3A_17 = vector.load %arg3[%get3A_15, %get3A_16] : memref<10240x8xf32, #tpu.memory_space<vmem>>, vector<10240x8xf32>
    %add3A_18 = arith.addf %add3A_14, %get3A_17 : vector<10240x8xf32>
    %mul3A = vector.broadcast %rsqrt3A : vector<10240x1xf32> to vector<10240x8xf32>
    %mul3A_19 = arith.mulf %add3A_18, %mul3A : vector<10240x8xf32>
    %get3A_20 = arith.constant 0 : index
    %get3A_21 = arith.constant 0 : index
    %get3A_22 = vector.load %arg4[%get3A_20, %get3A_21] : memref<1x8xf32, #tpu.memory_space<vmem>>, vector<1x8xf32>
    %add3A_23 = vector.broadcast %get3A_22 : vector<1x8xf32> to vector<10240x8xf32>
    %add3A_24 = arith.addf %mul3A_19, %add3A_23 : vector<10240x8xf32>
    %swap3A = arith.constant 0 : index
    %swap3A_25 = arith.constant 0 : index
    %swap3A_26 = vector.load %arg5[%swap3A, %swap3A_25] : memref<10240x8xf32, #tpu.memory_space<vmem>>, vector<10240x8xf32>
    tpu.vector_store %arg5[%swap3A, %swap3A_25], %add3A_24 {strides = array<i32>} : memref<10240x8xf32, #tpu.memory_space<vmem>>, vector<10240x8xf32>,
    return
  }
}

</mosaic_0001>

<sc_bundles>
// kernel: kernel.11.cloned.1.call-start
scs
__scs_entry_jumppad:
0x0: {  	(pc) =	sbr.rel $0x88, $3  }
0x1: {  	(tag) =	ssettag $0x0;
	lr =	simm.s32 $0x1  }
0x2: {  	[smem:$0x3F9B] =	sst lr;
	_ =	strace $0xD0000000  }
0x3: {  	_ = 	snop  }
0x4: {  	_ = 	snop  }
0x5: {  	_ = 	snop  }
0x6: {  	_ = 	snop  }
0x7: {  	_ = 	snop  }
__scs_overlays_trampoline_lowered:
0x8: {  	[smem:$0x3FAA] =	sst s0  }
0x9: {  	[smem:$0x3FAB] =	sst s1  }
0xa: {  	[smem:$0x3FAC] =	sst s2  }
0xb: {  	[smem:$0x3FAD] =	sst s3  }
0xc: {  	[smem:$0x3FAE] =	sst s4  }
0xd: {  	[smem:$0x3FAF] =	sst s5  }
0xe: {  	[smem:$0x3FB0] =	sst s6  }
0xf: {  	[smem:$0x3FB1] =	sst s7  }
0x10: {  	[smem:$0x3FB2] =	sst s8  }
0x11: {  	[smem:$0x3FB3] =	sst s9;
	s0 =	simm.s32 @!p0 $0x0  }
0x12: {  	s1 =	sld [smem:$0x3F99];
	s0 =	simm.s32 @p0 $0x1  }
0x13: {  	[smem:$0x3FB4] =	sst s0;
	s0 =	simm.s32 @!p1 $0x0  }
0x14: {  	s2 =	sld [smem:$0x3F98];
	s0 =	simm.s32 @p1 $0x1  }
0x15: {  	[smem:$0x3FB5] =	sst s0;
	s0 =	simm.s32 @!p2 $0x0  }
0x16: {  	s3 =	sld [smem:$0x3FDB];
	s0 =	simm.s32 @p2 $0x1  }
0x17: {  	s4 =	simm.s32 $0x1BF5;
	[smem:$0x3FB7] =	sst s0  }
0x18: {  	s0 =	sld [smem:$0x3F9A];
	_ =	swait.ge [sflag:s4], $0x0  }
0x19: {  	s7 =	sld [smem:$0x3F9B]  }
0x1a: {  	s8 =	sadd.s32 $0xFFFFE003, lr  }
0x1b: {  	s9 =	sadd.s32 $0xFFFFFEF7, lr;
	s5 =	simm.s32 $0xFFFFFFFF;
	p2 =	slt.u32 s8, $0xFFFFF086  }
0x1c: {  	p1 =	slt.u32 s9, $0xF7A;
	s5 =	simm.s32 @!p2 $0x0  }
0x1d: {  	s5 =	simm.s32 @p1 $0x1;
	p0 =	seq.s32 s7, s2  }
0x1e: {  	s7 =	smul.u32 @!p0 $0xF7A, s2;
	p2 =	seq.s32 @!p0 s5, $0x0  }
0x1f: {  	s9 =	smul.u32 $0xF7A, s1;
	s8 =	simm.s32 @!p0 $0x1BF5;
	p2 =	por !p2, p0  }
0x20: {  	[sflag:s8] =	ssyncset.s32 @!p0 $0xFFFFF086;
	s6 =	sadd.s32 @!p0 s3, s7;
	s7 =	simm.s32 @!p0 $0x108  }
0x21: {  	s3 =	sadd.s32 s3, s9;
	s6 =	sadd.s32 @!p0 $0x88, s6;
	s7 =	simm.s32 @p2 $0x1082  }
0x22: {  	[simem:s7], [sflag:s8] =	dma.local @!p0 [hbm:s6], $0xF7A  }
0x23: {  	s9 =	sor.u32 $0xD0000000, s2;
	s6 =	simm.s32 $0x108;
	_ =	swait.ge @!p0 [sflag:s8], $0x0  }
0x24: {  	s3 =	sadd.s32 $0x88, s3;
	s6 =	simm.s32 @!p1 $0x1082;
	[sflag:s4] =	ssyncset.s32 $0xFFFFF086  }
0x25: {  	[simem:s6], [sflag:s4] =	dma.local [hbm:s3], $0xF7A  }
0x26: {  	[smem:$0x3F9B] =	sst s1;
	(tag) =	ssettag s2;
	_ =	strace s9  }
0x27: {  	s1 =	sld [smem:$0x3FAB]  }
0x28: {  	s2 =	sld [smem:$0x3FAC]  }
0x29: {  	s4 =	sld [smem:$0x3FAE]  }
0x2a: {  	p0 =	seq.s32 s5, $0x0;
	s5 =	sld [smem:$0x3FAF]  }
0x2b: {  	s6 =	sld [smem:$0x3FB0]  }
0x2c: {  	s7 =	sld [smem:$0x3FB1]  }
0x2d: {  	s3 =	simm.s32 $0x108;
	s8 =	sld [smem:$0x3FB2]  }
0x2e: {  	s3 =	simm.s32 @!p0 $0x1082;
	s9 =	sld [smem:$0x3FB3]  }
0x2f: {  	lr =	sadd.s32 s0, s3;
	s0 =	sld [smem:$0x3FAA]  }
0x30: {  	s3 =	sld [smem:$0x3FAD]  }
0x31: {  	[smem:$0x3FB6] =	sst s10  }
0x32: {  	s10 =	sld [smem:$0x3FB4];
	_ =	sdelay $0x3  }
0x33: {  	p0 =	seq.s32 s10, $0x1;
	s10 =	sld [smem:$0x3FB6];
	_ =	sdelay $0x3  }
0x34: {  	[smem:$0x3FB6] =	sst s10  }
0x35: {  	s10 =	sld [smem:$0x3FB5];
	_ =	sdelay $0x3  }
0x36: {  	p1 =	seq.s32 s10, $0x1;
	s10 =	sld [smem:$0x3FB6];
	_ =	sdelay $0x3  }
0x37: {  	[smem:$0x3FB6] =	sst s10  }
0x38: {  	s10 =	sld [smem:$0x3FB7]  }
0x39: {  	_ = 	snop;
	(pc) =	sbr.ind lr, $3  }
0x3a: {  	_ = 	snop  }
0x3b: {  	_ = 	snop  }
0x3c: {  	p2 =	seq.s32 s10, $0x1;
	s10 =	sld [smem:$0x3FB6]  }
0x3d: {  	_ =	shalt  }
0x3e: {  	_ =	shalt  }
0x3f: {  	_ =	shalt  }
0x40: {  	_ =	shalt  }
0x41: {  	_ =	shalt  }
0x42: {  	_ =	shalt  }
0x43: {  	_ =	shalt  }
0x44: {  	_ =	shalt  }
0x45: {  	_ =	shalt  }
0x46: {  	_ =	shalt  }
0x47: {  	_ =	shalt  }
0x48: {  	_ =	shalt  }
0x49: {  	_ =	shalt  }
0x4a: {  	_ =	shalt  }
0x4b: {  	_ =	shalt  }
0x4c: {  	_ =	shalt  }
0x4d: {  	_ =	shalt  }
0x4e: {  	_ =	shalt  }
0x4f: {  	_ =	shalt  }
0x50: {  	_ =	shalt  }
0x51: {  	_ =	shalt  }
0x52: {  	_ =	shalt  }
0x53: {  	_ =	shalt  }
0x54: {  	_ =	shalt  }
0x55: {  	_ =	shalt  }
0x56: {  	_ =	shalt  }
0x57: {  	_ =	shalt  }
0x58: {  	_ =	shalt  }
0x59: {  	_ =	shalt  }
0x5a: {  	_ =	shalt  }
0x5b: {  	_ =	shalt  }
0x5c: {  	_ =	shalt  }
0x5d: {  	_ =	shalt  }
0x5e: {  	_ =	shalt  }
0x5f: {  	_ =	shalt  }
0x60: {  	_ =	shalt  }
0x61: {  	_ =	shalt  }
0x62: {  	_ =	shalt  }
0x63: {  	_ =	shalt  }
0x64: {  	_ =	shalt  }
0x65: {  	_ =	shalt  }
0x66: {  	_ =	shalt  }
0x67: {  	_ =	shalt  }
0x68: {  	_ =	shalt  }
0x69: {  	_ =	shalt  }
0x6a: {  	_ =	shalt  }
0x6b: {  	_ =	shalt  }
0x6c: {  	_ =	shalt  }
0x6d: {  	_ =	shalt  }
0x6e: {  	_ =	shalt  }
0x6f: {  	_ =	shalt  }
0x70: {  	_ =	shalt  }
0x71: {  	_ =	shalt  }
0x72: {  	_ =	shalt  }
0x73: {  	_ =	shalt  }
0x74: {  	_ =	shalt  }
0x75: {  	_ =	shalt  }
0x76: {  	_ =	shalt  }
0x77: {  	_ =	shalt  }
0x78: {  	_ =	shalt  }
0x79: {  	_ =	shalt  }
0x7a: {  	_ =	shalt  }
0x7b: {  	_ =	shalt  }
0x7c: {  	_ =	shalt  }
0x7d: {  	_ =	shalt  }
0x7e: {  	_ =	shalt  }
0x7f: {  	_ =	shalt  }
0x80: {  	_ =	shalt  }
0x81: {  	_ =	shalt  }
0x82: {  	_ =	shalt  }
0x83: {  	_ =	shalt  }
0x84: {  	_ =	shalt  }
0x85: {  	_ =	shalt  }
0x86: {  	_ =	shalt  }
0x87: {  	_ =	shalt  }
.Lfunc_end0:
.L_simem_size_0:
called_computation.1_lowered:
.L_overlay_start_0:
0x88: {  	s2 =	sld [smem:$0x3FD9]  }
0x89: {  	s3 =	sld [smem:$0x3FFE];
	_ =	sdelay $0x1  }
0x8a: {  	s1 =	srdreg.scid  }
0x8b: {  	s0 =	sand.u32 $0x1, s1  }
0x8c: {  	s16 =	sshll.u32 s0, $0xA;
	s2 =	sadd.s32 s3, s2  }
0x8d: {  	s2 =	sadd.s32 s2, s16  }
0x8e: {  	[smem:$0x3FC2] =	sst s2  }
0x8f: {  	_ = 	snop  }
0x90: {  	(tm) =	ssettm $0x1  }
0x91: {  	s17 =	sld [smem:$0x3FFB];
	_ =	sdelay $0x3  }
0x92: {  	_ =	strace s17  }
0x93: {  	s2 =	sld [smem:$0x3FFC];
	_ =	sdelay $0x3  }
0x94: {  	_ =	strace s2  }
0x95: {  	s2 =	sld [smem:$0x3FFD];
	_ =	sdelay $0x3  }
0x96: {  	_ =	strace s2  }
0x97: {  	_ =	strace $0x8FFFFFFF  }
0x98: {  	s18 =	sld [smem:$0x3FDB];
	_ =	sdelay $0x1  }
0x99: {  	s19 =	simm.s32 $_scs_section_size  }
0x9a: {  	s4 =	simm.s32 $_size__tile_overlayer_lowered;
	s5 =	simm.s32 $_tile_overlayer_lowered  }
0x9b: {  	s22 =	simm.s32 $0x1BFF;
	s21 =	sshll.u32 s5, $0x1;
	s2 =	sadd.s32 s19, s18  }
0x9c: {  	s6 =	simm.s32 $0x0;
	s20 =	sshll.u32 s4, $0x1;
	s4 =	sadd.s32 s21, s2  }
0x9d: {  	[timem:s6], [sflag:s22] =	dma.local [hbm:s4], s20  }
0x9e: {  	_ =	swait.ge [sflag:s22], s20  }
0x9f: {  	s3 =	ssub.s32 $0x0, s20;
	[sflag:s22] =	ssyncset.done $0x0  }
0xa0: {  	[sflag:s22] =	ssyncadd.s32 s3;
	_ =	sdelay $0x1  }
0xa1: {  	s23 =	simm.s32 $0x1B8B  }
0xa2: {  	_ =	swait.ge [sflag:s23], $0x1  }
0xa3: {  	[sflag:s23] =	ssyncset.done $0x0  }
0xa4: {  	s25 =	simm.s32 $0x1B8E;
	s24 =	sld [smem:$0x3FFE];
	[sflag:s23] =	ssyncadd.s32 $0xFFFFFFFF  }
0xa5: {  	s26 =	simm.s32 $execute0_lowered;
	[smem:$0x3FD2] =	sst s25  }
0xa6: {  	s4 =	sshll.u32 s26, $0x1;
	_ =	strace $0x80000049;
	[dreg:$0x1] =	wrdreg $0xFFFFFFFF  }
0xa7: {  	s28 =	simm.s32 $_size_execute0_lowered;
	s2 =	sadd.s32 s2, s4;
	[dreg:$0x0] =	wrdreg $0x0  }
0xa8: {  	s4 =	sshll.u32 s28, $0x1;
	[dreg:$0x2] =	wrdreg s2  }
0xa9: {  	[dreg:$0x3] =	wrdreg s4  }
0xaa: {  	[dreg:$0x4] =	wrdreg $0xC0  }
0xab: {  	_ =	task [dreg:s6], $0x5FFFF  }
0xac: {  	[dreg:$0x1] =	wrdreg $0xFFFFFFFF  }
0xad: {  	[dreg:$0x0] =	wrdreg $0x60  }
0xae: {  	[dreg:$0x2] =	wrdreg s24  }
0xaf: {  	[dreg:$0x3] =	wrdreg $0x0  }
0xb0: {  	[dreg:$0x4] =	wrdreg $0x9  }
0xb1: {  	_ =	task.clear_ibuf [dreg:s6], $0x5FFFF;
	_ =	strace $0x90000049  }
0xb2: {  	s29 =	simm.s32 $0x9;
	_ =	strace $0x8000004B  }
0xb3: {  	_ =	swait.ge [sflag:s29], $0x1  }
0xb4: {  	[sflag:s29] =	ssyncadd.s32 $0xFFFFFFFF  }
0xb5: {  	_ =	strace $0x9000004B  }
0xb6: {  	_ =	sfence  }
0xb7: {  	s30 =	sld [smem:$0x0];
	_ =	sdelay $0x2  }
0xb8: {  	s31 =	sshll.u32 s1, $0xD;
	s1 =	sshrl.u32 s1, $0x2  }
0xb9: {  	s3 =	sand.u32 $0x4000, s31;
	s1 =	sadd.s32 s1, s30  }
0xba: {  	s0 =	sor.u32 s3, s0;
	s1 =	sshll.u32 s1, $0x11  }
0xbb: {  	s0 =	sor.u32 s1, s0  }
0xbc: {  	s0 =	sadd.s32 $0x8F2B, s0  }
0xbd: {  	[sflag:s0] =	ssyncadd.remote.s32 $0x1  }
0xbe: {  	_ =	sfence.sel $0xFFFF  }
0xbf: {  	[dreg:$0x0] =	wrdreg $0xFFFFFFFF;
	(pc) =	sbr.abs _section_cstart, $3  }
0xc0: {  	[dreg:$0x1] =	wrdreg $0xFFFFFFFF  }
0xc1: {  	_ =	task.clear_ibuf [dreg:s6], $0x2FFFF;
	_ =	strace $0x9FFFFFFF  }
0xc2: {  	(tm) =	ssettm $0x7FFFFFFF  }
0xc3: {  	_ =	shalt  }
tec
execute0_lowered:
.L_overlay_start_1:
0x0: {  	(tag) =	ssettag $0x1  }
0x1: {  	s0 =	rddreg [dreg:$0x0]  }
0x2: {  	s2 =	rddreg [dreg:$0x1];
	s3 =	simm.s32 $0x0  }
0x3: {  	s11 =	stileid.u32;
	s5 =	srdreg.scid;
	s30 =	simm.s32 $0x5000  }
0x4: {  	s31 =	simm.s32 $0x53E8;
	s29 =	simm.s32 $0x57D0;
	s28 =	simm.s32 $0x5BB8  }
0x5: {  	[smem:$0x7FF] =	sst s3;
	s1 =	smul.u32 $0x5000, s11;
	s4 =	sadd.s32 $0x15C00, s0  }
0x6: {  	s5 =	sand.u32 $0x1, s5;
	s8 =	sshll.u32 s11, $0x1;
	s12 =	sshll.u32 s11, $0x6  }
0x7: {  	s11 =	simm.s32 $0x7AF8;
	_ =	strace $0x8000004A;
	p0 =	seq.s32 s5, $0x1  }
0x8: {  	s10 =	ssub.s32 $0x2, s5;
	s5 =	sor.u32 s5, s8;
	s6 =	sshrl.u32 s1, $0x3  }
0x9: {  	s25 =	sshrl.u32 s10, $0x1;
	s5 =	smul.u32 $0x2710, s5;
	s1 =	sadd.s32 s1, s2  }
0xa: {  	s7 =	sadd.s32 s6, s0;
	s9 =	sadd.s32 $0xA000, s6;
	s8 =	sshrl.u32 s1, $0x3  }
0xb: {  	s6 =	smov.u32 @p0 s9;
	s9 =	sadd.s32 $0x2200, s0;
	s7 =	sadd.s32 $0x1FC00, s7  }
0xc: {  	s26 =	sshrl.u32 s5, $0x3;
	s14 =	sadd.s32 $0x4EDB8, s5;
	s17 =	sadd.s32 $0x4F588, s5  }
0xd: {  	s20 =	sadd.s32 $0x4FD58, s5;
	p0 =	por $0x0, $0x0;
	s0 =	sadd.s32 s6, s0  }
0xe: {  	s6 =	ssub.s32 s10, s25;
	[dreg:$0x3] =	wrdreg s7;
	s24 =	sadd.s32 s9, s26  }
0xf: {  	s10 =	sadd.s32 $0x4E5E8, s5;
	s5 =	sadd.s32 $0x50528, s5;
	s13 =	sadd.s32 $0x9C40, s24  }
0x10: {  	s7 =	sshrl.u32 s10, $0x3;
	s15 =	sadd.s32 $0x9D3A, s24;
	s10 =	sshrl.u32 s14, $0x3  }
0x11: {  	s18 =	sadd.s32 $0x9E34, s24;
	s21 =	sadd.s32 $0x9F2E, s24;
	s1 =	rddreg [dreg:$0x3]  }
0x12: {  	s23 =	sadd.s32 $0xA028, s24;
	s25 =	sshrl.u32 s5, $0x3;
	[dreg:$0x4] =	wrdreg s13  }
0x13: {  	s5 =	sor.u32 $0x1C06, s12;
	s12 =	simm.s32 $0x1;
	[dreg:$0x6] =	wrdreg s15  }
0x14: {  	s14 =	simm.s32 $0x5;
	s7 =	sadd.s32 s9, s7;
	[dreg:$0x8] =	wrdreg s18  }
0x15: {  	s16 =	sadd.s32 s9, s10;
	s10 =	sshrl.u32 s17, $0x3;
	[dreg:$0xa] =	wrdreg s21  }
0x16: {  	[dreg:$0xc] =	wrdreg s23;
	s26 =	sadd.s32 s9, s25;
	s18 =	simm.s32 $0xFBE0  }
0x17: {  	s13 =	simm.s32 $0x7710;
	s15 =	simm.s32 $0x178E0;
	s17 =	simm.s32 $0x3  }
0x18: {  	s25 =	simm.s32 $0x6388;
	s23 =	simm.s32 $0x6770;
	[dreg:$0x5] =	wrdreg s7  }
0x19: {  	s19 =	sadd.s32 s9, s10;
	s10 =	sshrl.u32 s20, $0x3;
	s20 =	smax.u32 s6, $0x1  }
0x1a: {  	s21 =	simm.s32 $0x6F40;
	[dreg:$0x7] =	wrdreg s16;
	p1 =	sne.s32 s20, $0x1  }
.Ltmp0:
0x1b: {  	[dreg:$0xd] =	wrdreg s26;
	s7 =	sadd.s32 $0x29C00, s0;
	(pc) =	sbr.rel @!p1 .LBB2_3-.Ltmp0, $4  }
0x1c: {  	s6 =	simm.s32 $0x6;
	s16 =	simm.s32 $0x4;
	s26 =	simm.s32 $0x5FA0  }
0x1d: {  	[dreg:$0x9] =	wrdreg s19;
	s22 =	sadd.s32 s9, s10;
	s9 =	simm.s32 $0x3E8  }
0x1e: {  	s10 =	simm.s32 $0x7EE0;
	s19 =	simm.s32 $0x2;
	s0 =	sadd.s32 $0xFFFFFFFF, s20  }
0x1f: {  	s20 =	simm.s32 $0x7328;
	[dreg:$0xb] =	wrdreg s22;
	s22 =	simm.s32 $0x6B58  }
0x20: {  	[spmem:s8], [sflag:s5] =	dma.local [hbm:s1], $0xA00  }
0x21: {  	_ =	swait.ge [sflag:s6], $0xA00  }
0x22: {  	[sflag:s6] =	ssyncset.done $0x0  }
0x23: {  	[sflag:s6] =	ssyncadd.s32 $0xFFFFF600  }
0x24: {  	[tilespmem:s30], [sflag:$0x6] =	stream.linear.gather [hbm4b:s24+s3], $0x2710, $0x38;
	[tilespmem:$0x1F5E0] =	vst v63  }
0x25: {  	_ =	swait.ge [sflag:s6], $0x2710  }
0x26: {  	[sflag:s6] =	ssyncset.done $0x0  }
0x27: {  	[sflag:s6] =	ssyncadd.s32 $0xFFFFD8F0  }
0x28: {  	[bflag:$0x0] =	sbarrier.arrive $0xFFFF  }
0x29: {  	[tilespmem:s10], [sflag:$0x1] =	stream.indirect.gather [hbm4b:s4+s9], $0x20, s30, s9, $0xb8;
	[tilespmem:$0x1F5E0] =	vst v63  }
0x2a: {  	s1 =	rddreg [dreg:$0x4]  }
0x2b: {  	[tilespmem:s18], [sflag:$0x2] =	stream.indirect.gather [hbm4b:s4+s9], $0x20, s31, s9, $0xb8;
	[tilespmem:$0x1F5E0] =	vst v63  }
0x2c: {  	[dreg:$0xe] =	wrdreg s0  }
0x2d: {  	[tilespmem:s13], [sflag:$0x4] =	stream.linear.gather [hbm4b:s1+s3], $0x3E8, $0x38;
	[tilespmem:$0x1F5E0] =	vst v63  }
0x2e: {  	s0 =	rddreg [dreg:$0x5]  }
0x2f: {  	[tilespmem:s11], [sflag:$0x5] =	stream.linear.gather [hbm4b:s0+s3], $0x3E8, $0x38;
	[tilespmem:$0x1F5E0] =	vst v63  }
0x30: {  	_ =	swait.ge [sflag:s16], $0x3E8  }
0x31: {  	[sflag:s16] =	ssyncset.done $0x0  }
0x32: {  	[sflag:s16] =	ssyncadd.s32 $0xFFFFFC18  }
0x33: {  	_ =	swait.ge [sflag:s12], $0x7D00  }
0x34: {  	[sflag:s12] =	ssyncset.done $0x0  }
0x35: {  	[sflag:s12] =	ssyncadd.s32 $0xFFFF8300  }
0x36: {  	[tilespmem:s15], [sflag:$0x3] =	stream.indirect.gather [hbm4b:s4+s9], $0x20, s29, s9, $0xb8;
	[tilespmem:$0x1F5E0] =	vst v63  }
0x37: {  	_ = 	snop  }
0x38: {  	[spmem:s2] =	stream.indirect.scatter.add.f32 [tilespmem:s10], [sflag:$0x6], $0x20, s13, s9, $0xb8;
	[tilespmem:$0x1F5E0] =	vst v63  }
0x39: {  	_ =	swait.ge [sflag:s6], $0x7D00  }
0x3a: {  	[sflag:s6] =	ssyncset.done $0x0  }
0x3b: {  	s1 =	rddreg [dreg:$0x6];
	[sflag:s6] =	ssyncadd.s32 $0xFFFF8300  }
0x3c: {  	[tilespmem:s13], [sflag:$0x4] =	stream.linear.gather [hbm4b:s1+s3], $0x3E8, $0x38;
	[tilespmem:$0x1F5E0] =	vst v63  }
0x3d: {  	_ =	swait.ge [sflag:s14], $0x3E8  }
0x3e: {  	[sflag:s14] =	ssyncset.done $0x0  }
0x3f: {  	[sflag:s14] =	ssyncadd.s32 $0xFFFFFC18  }
0x40: {  	_ =	swait.ge [sflag:s19], $0x7D00  }
0x41: {  	[sflag:s19] =	ssyncset.done $0x0  }
0x42: {  	[sflag:s19] =	ssyncadd.s32 $0xFFFF8300  }
0x43: {  	[tilespmem:s10], [sflag:$0x1] =	stream.indirect.gather [hbm4b:s4+s9], $0x20, s28, s9, $0xb8;
	[tilespmem:$0x1F5E0] =	vst v63  }
0x44: {  	_ = 	snop  }
0x45: {  	[spmem:s2] =	stream.indirect.scatter.add.f32 [tilespmem:s18], [sflag:$0x6], $0x20, s11, s9, $0xb8;
	[tilespmem:$0x1F5E0] =	vst v63  }
0x46: {  	_ =	swait.ge [sflag:s6], $0x7D00  }
0x47: {  	[sflag:s6] =	ssyncset.done $0x0  }
0x48: {  	s1 =	rddreg [dreg:$0x7];
	[sflag:s6] =	ssyncadd.s32 $0xFFFF8300  }
0x49: {  	[tilespmem:s11], [sflag:$0x5] =	stream.linear.gather [hbm4b:s1+s3], $0x3E8, $0x38;
	[tilespmem:$0x1F5E0] =	vst v63  }
0x4a: {  	_ =	swait.ge [sflag:s16], $0x3E8  }
0x4b: {  	[sflag:s16] =	ssyncset.done $0x0  }
0x4c: {  	[sflag:s16] =	ssyncadd.s32 $0xFFFFFC18  }
0x4d: {  	_ =	swait.ge [sflag:s17], $0x7D00  }
0x4e: {  	[sflag:s17] =	ssyncset.done $0x0  }
0x4f: {  	[sflag:s17] =	ssyncadd.s32 $0xFFFF8300  }
0x50: {  	[tilespmem:s18], [sflag:$0x2] =	stream.indirect.gather [hbm4b:s4+s9], $0x20, s26, s9, $0xb8;
	[tilespmem:$0x1F5E0] =	vst v63  }
0x51: {  	_ = 	snop  }
0x52: {  	[spmem:s2] =	stream.indirect.scatter.add.f32 [tilespmem:s15], [sflag:$0x6], $0x20, s13, s9, $0xb8;
	[tilespmem:$0x1F5E0] =	vst v63  }
0x53: {  	_ =	swait.ge [sflag:s6], $0x7D00  }
0x54: {  	[sflag:s6] =	ssyncset.done $0x0  }
0x55: {  	s1 =	rddreg [dreg:$0x8];
	[sflag:s6] =	ssyncadd.s32 $0xFFFF8300  }
0x56: {  	[tilespmem:s13], [sflag:$0x4] =	stream.linear.gather [hbm4b:s1+s3], $0x3E8, $0x38;
	[tilespmem:$0x1F5E0] =	vst v63  }
0x57: {  	_ =	swait.ge [sflag:s14], $0x3E8  }
0x58: {  	[sflag:s14] =	ssyncset.done $0x0  }
0x59: {  	[sflag:s14] =	ssyncadd.s32 $0xFFFFFC18  }
0x5a: {  	_ =	swait.ge [sflag:s12], $0x7D00  }
0x5b: {  	[sflag:s12] =	ssyncset.done $0x0  }
0x5c: {  	[sflag:s12] =	ssyncadd.s32 $0xFFFF8300  }
0x5d: {  	[tilespmem:s15], [sflag:$0x3] =	stream.indirect.gather [hbm4b:s4+s9], $0x20, s25, s9, $0xb8;
	[tilespmem:$0x1F5E0] =	vst v63  }
0x5e: {  	_ = 	snop  }
0x5f: {  	[spmem:s2] =	stream.indirect.scatter.add.f32 [tilespmem:s10], [sflag:$0x6], $0x20, s11, s9, $0xb8;
	[tilespmem:$0x1F5E0] =	vst v63  }
0x60: {  	_ =	swait.ge [sflag:s6], $0x7D00  }
0x61: {  	[sflag:s6] =	ssyncset.done $0x0  }
0x62: {  	s1 =	rddreg [dreg:$0x9];
	[sflag:s6] =	ssyncadd.s32 $0xFFFF8300  }
0x63: {  	[tilespmem:s11], [sflag:$0x5] =	stream.linear.gather [hbm4b:s1+s3], $0x3E8, $0x38;
	[tilespmem:$0x1F5E0] =	vst v63  }
0x64: {  	_ =	swait.ge [sflag:s16], $0x3E8  }
0x65: {  	[sflag:s16] =	ssyncset.done $0x0  }
0x66: {  	[sflag:s16] =	ssyncadd.s32 $0xFFFFFC18  }
0x67: {  	_ =	swait.ge [sflag:s19], $0x7D00  }
0x68: {  	[sflag:s19] =	ssyncset.done $0x0  }
0x69: {  	[sflag:s19] =	ssyncadd.s32 $0xFFFF8300  }
0x6a: {  	[tilespmem:s10], [sflag:$0x1] =	stream.indirect.gather [hbm4b:s4+s9], $0x20, s23, s9, $0xb8;
	[tilespmem:$0x1F5E0] =	vst v63  }
0x6b: {  	_ = 	snop  }
0x6c: {  	[spmem:s2] =	stream.indirect.scatter.add.f32 [tilespmem:s18], [sflag:$0x6], $0x20, s13, s9, $0xb8;
	[tilespmem:$0x1F5E0] =	vst v63  }
0x6d: {  	_ =	swait.ge [sflag:s6], $0x7D00  }
0x6e: {  	[sflag:s6] =	ssyncset.done $0x0  }
0x6f: {  	s1 =	rddreg [dreg:$0xa];
	[sflag:s6] =	ssyncadd.s32 $0xFFFF8300  }
0x70: {  	[tilespmem:s13], [sflag:$0x4] =	stream.linear.gather [hbm4b:s1+s3], $0x3E8, $0x38;
	[tilespmem:$0x1F5E0] =	vst v63  }
0x71: {  	_ =	swait.ge [sflag:s14], $0x3E8  }
0x72: {  	[sflag:s14] =	ssyncset.done $0x0  }
0x73: {  	[sflag:s14] =	ssyncadd.s32 $0xFFFFFC18  }
0x74: {  	_ =	swait.ge [sflag:s17], $0x7D00  }
0x75: {  	[sflag:s17] =	ssyncset.done $0x0  }
0x76: {  	[sflag:s17] =	ssyncadd.s32 $0xFFFF8300  }
0x77: {  	[tilespmem:s18], [sflag:$0x2] =	stream.indirect.gather [hbm4b:s4+s9], $0x20, s22, s9, $0xb8;
	[tilespmem:$0x1F5E0] =	vst v63  }
0x78: {  	_ = 	snop  }
0x79: {  	[spmem:s2] =	stream.indirect.scatter.add.f32 [tilespmem:s15], [sflag:$0x6], $0x20, s11, s9, $0xb8;
	[tilespmem:$0x1F5E0] =	vst v63  }
0x7a: {  	_ =	swait.ge [sflag:s6], $0x7D00  }
0x7b: {  	[sflag:s6] =	ssyncset.done $0x0  }
0x7c: {  	s1 =	rddreg [dreg:$0xb];
	[sflag:s6] =	ssyncadd.s32 $0xFFFF8300  }
0x7d: {  	[tilespmem:s11], [sflag:$0x5] =	stream.linear.gather [hbm4b:s1+s3], $0x3E8, $0x38;
	[tilespmem:$0x1F5E0] =	vst v63  }
0x7e: {  	_ =	swait.ge [sflag:s16], $0x3E8  }
0x7f: {  	[sflag:s16] =	ssyncset.done $0x0  }
0x80: {  	[sflag:s16] =	ssyncadd.s32 $0xFFFFFC18  }
0x81: {  	_ =	swait.ge [sflag:s12], $0x7D00  }
0x82: {  	[sflag:s12] =	ssyncset.done $0x0  }
0x83: {  	[sflag:s12] =	ssyncadd.s32 $0xFFFF8300  }
0x84: {  	[tilespmem:s15], [sflag:$0x3] =	stream.indirect.gather [hbm4b:s4+s9], $0x20, s21, s9, $0xb8;
	[tilespmem:$0x1F5E0] =	vst v63  }
0x85: {  	_ = 	snop  }
0x86: {  	[spmem:s2] =	stream.indirect.scatter.add.f32 [tilespmem:s10], [sflag:$0x6], $0x20, s13, s9, $0xb8;
	[tilespmem:$0x1F5E0] =	vst v63  }
0x87: {  	_ =	swait.ge [sflag:s6], $0x7D00  }
0x88: {  	[sflag:s6] =	ssyncset.done $0x0  }
0x89: {  	s1 =	rddreg [dreg:$0xc];
	[sflag:s6] =	ssyncadd.s32 $0xFFFF8300  }
0x8a: {  	[tilespmem:s13], [sflag:$0x4] =	stream.linear.gather [hbm4b:s1+s3], $0x3E8, $0x38;
	[tilespmem:$0x1F5E0] =	vst v63  }
0x8b: {  	_ =	swait.ge [sflag:s14], $0x3E8  }
0x8c: {  	[sflag:s14] =	ssyncset.done $0x0  }
0x8d: {  	[sflag:s14] =	ssyncadd.s32 $0xFFFFFC18  }
0x8e: {  	_ =	swait.ge [sflag:s19], $0x7D00  }
0x8f: {  	[sflag:s19] =	ssyncset.done $0x0  }
0x90: {  	[sflag:s19] =	ssyncadd.s32 $0xFFFF8300  }
0x91: {  	[tilespmem:s10], [sflag:$0x1] =	stream.indirect.gather [hbm4b:s4+s9], $0x20, s20, s9, $0xb8;
	[tilespmem:$0x1F5E0] =	vst v63  }
0x92: {  	_ = 	snop  }
0x93: {  	[spmem:s2] =	stream.indirect.scatter.add.f32 [tilespmem:s18], [sflag:$0x6], $0x20, s11, s9, $0xb8;
	[tilespmem:$0x1F5E0] =	vst v63  }
0x94: {  	_ =	swait.ge [sflag:s6], $0x7D00  }
0x95: {  	[sflag:s6] =	ssyncset.done $0x0  }
0x96: {  	s1 =	rddreg [dreg:$0xd];
	[sflag:s6] =	ssyncadd.s32 $0xFFFF8300  }
0x97: {  	[tilespmem:s11], [sflag:$0x5] =	stream.linear.gather [hbm4b:s1+s3], $0x3E8, $0x38;
	[tilespmem:$0x1F5E0] =	vst v63  }
0x98: {  	_ =	swait.ge [sflag:s16], $0x3E8  }
0x99: {  	[sflag:s16] =	ssyncset.done $0x0  }
0x9a: {  	[sflag:s16] =	ssyncadd.s32 $0xFFFFFC18  }
0x9b: {  	_ =	swait.ge [sflag:s17], $0x7D00  }
0x9c: {  	[sflag:s17] =	ssyncset.done $0x0  }
0x9d: {  	[sflag:s17] =	ssyncadd.s32 $0xFFFF8300  }
0x9e: {  	[spmem:s2] =	stream.indirect.scatter.add.f32 [tilespmem:s15], [sflag:$0x6], $0x20, s13, s9, $0xb8;
	[tilespmem:$0x1F5E0] =	vst v63  }
0x9f: {  	_ =	swait.ge [sflag:s6], $0x7D00  }
0xa0: {  	[sflag:s6] =	ssyncset.done $0x0  }
0xa1: {  	[sflag:s6] =	ssyncadd.s32 $0xFFFF8300  }
0xa2: {  	_ =	swait.ge [sflag:s14], $0x3E8  }
0xa3: {  	[sflag:s14] =	ssyncset.done $0x0  }
0xa4: {  	[sflag:s14] =	ssyncadd.s32 $0xFFFFFC18  }
0xa5: {  	_ =	swait.ge [sflag:s12], $0x7D00  }
0xa6: {  	[sflag:s12] =	ssyncset.done $0x0  }
0xa7: {  	[sflag:s12] =	ssyncadd.s32 $0xFFFF8300  }
0xa8: {  	[spmem:s2] =	stream.indirect.scatter.add.f32 [tilespmem:s10], [sflag:$0x6], $0x20, s11, s9, $0xb8;
	[tilespmem:$0x1F5E0] =	vst v63  }
0xa9: {  	_ =	swait.ge [sflag:s6], $0x7D00  }
0xaa: {  	[sflag:s6] =	ssyncset.done $0x0  }
0xab: {  	[sflag:s6] =	ssyncadd.s32 $0xFFFF8300  }
0xac: {  	[bflag:$0x0] =	sbarrier.arrive $0xFFFF  }
0xad: {  	[hbm:s7], [sflag:s5] =	dma.local [spmem:s8], $0xA00  }
0xae: {  	s1 =	rddreg [dreg:$0xe]  }
0xaf: {  	p1 =	sne.s32 s1, $0x1  }
.Ltmp1:
0xb0: {  	_ = 	snop;
	(pc) =	sbr.rel @!p1 .LBB2_3-.Ltmp1, $3  }
0xb1: {  	_ =	sdelay $0x1  }
0xb2: {  	p0 =	por $0x1, $0x1;
	_ =	swait.ge [sflag:s6], $0xA00  }
0xb3: {  	s0 =	sadd.s32 $0xFFFFFFFF, s1;
	s1 =	rddreg [dreg:$0x3];
	[sflag:s6] =	ssyncset.done $0x0  }
.LBB2_2:
0xb4: {  	[sflag:s6] =	ssyncadd.s32 $0xFFFFF600  }
0xb5: {  	[spmem:s8], [sflag:s5] =	dma.local [hbm:s1], $0xA00  }
0xb6: {  	_ =	swait.ge [sflag:s6], $0xA00  }
0xb7: {  	[sflag:s6] =	ssyncset.done $0x0  }
0xb8: {  	[sflag:s6] =	ssyncadd.s32 $0xFFFFF600  }
0xb9: {  	[tilespmem:s30], [sflag:$0x6] =	stream.linear.gather [hbm4b:s24+s3], $0x2710, $0x38;
	[tilespmem:$0x1F5E0] =	vst v63  }
0xba: {  	_ =	swait.ge [sflag:s6], $0x2710  }
0xbb: {  	[sflag:s6] =	ssyncset.done $0x0  }
0xbc: {  	[sflag:s6] =	ssyncadd.s32 $0xFFFFD8F0  }
0xbd: {  	[bflag:$0x0] =	sbarrier.arrive $0xFFFF  }
0xbe: {  	[tilespmem:s10], [sflag:$0x1] =	stream.indirect.gather [hbm4b:s4+s9], $0x20, s30, s9, $0xb8;
	[tilespmem:$0x1F5E0] =	vst v63  }
0xbf: {  	_ = 	snop  }
0xc0: {  	[tilespmem:s18], [sflag:$0x2] =	stream.indirect.gather [hbm4b:s4+s9], $0x20, s31, s9, $0xb8;
	[tilespmem:$0x1F5E0] =	vst v63  }
0xc1: {  	s1 =	rddreg [dreg:$0x4]  }
0xc2: {  	[tilespmem:s13], [sflag:$0x4] =	stream.linear.gather [hbm4b:s1+s3], $0x3E8, $0x38;
	[tilespmem:$0x1F5E0] =	vst v63  }
0xc3: {  	s20 =	rddreg [dreg:$0x5]  }
0xc4: {  	[tilespmem:s11], [sflag:$0x5] =	stream.linear.gather [hbm4b:s20+s3], $0x3E8, $0x38;
	[tilespmem:$0x1F5E0] =	vst v63  }
0xc5: {  	_ =	swait.ge [sflag:s16], $0x3E8  }
0xc6: {  	[sflag:s16] =	ssyncset.done $0x0  }
0xc7: {  	[sflag:s16] =	ssyncadd.s32 $0xFFFFFC18  }
0xc8: {  	_ =	swait.ge [sflag:s12], $0x7D00  }
0xc9: {  	[sflag:s12] =	ssyncset.done $0x0  }
0xca: {  	[sflag:s12] =	ssyncadd.s32 $0xFFFF8300  }
0xcb: {  	[tilespmem:s15], [sflag:$0x3] =	stream.indirect.gather [hbm4b:s4+s9], $0x20, s29, s9, $0xb8;
	[tilespmem:$0x1F5E0] =	vst v63  }
0xcc: {  	_ = 	snop  }
0xcd: {  	[spmem:s2] =	stream.indirect.scatter.add.f32 [tilespmem:s10], [sflag:$0x6], $0x20, s13, s9, $0xb8;
	[tilespmem:$0x1F5E0] =	vst v63  }
0xce: {  	_ =	swait.ge [sflag:s6], $0x7D00  }
0xcf: {  	[sflag:s6] =	ssyncset.done $0x0  }
0xd0: {  	s1 =	rddreg [dreg:$0x6];
	[sflag:s6] =	ssyncadd.s32 $0xFFFF8300  }
0xd1: {  	[tilespmem:s13], [sflag:$0x4] =	stream.linear.gather [hbm4b:s1+s3], $0x3E8, $0x38;
	[tilespmem:$0x1F5E0] =	vst v63  }
0xd2: {  	_ =	swait.ge [sflag:s14], $0x3E8  }
0xd3: {  	[sflag:s14] =	ssyncset.done $0x0  }
0xd4: {  	[sflag:s14] =	ssyncadd.s32 $0xFFFFFC18  }
0xd5: {  	_ =	swait.ge [sflag:s19], $0x7D00  }
0xd6: {  	[sflag:s19] =	ssyncset.done $0x0  }
0xd7: {  	[sflag:s19] =	ssyncadd.s32 $0xFFFF8300  }
0xd8: {  	[tilespmem:s10], [sflag:$0x1] =	stream.indirect.gather [hbm4b:s4+s9], $0x20, s28, s9, $0xb8;
	[tilespmem:$0x1F5E0] =	vst v63  }
0xd9: {  	_ = 	snop  }
0xda: {  	[spmem:s2] =	stream.indirect.scatter.add.f32 [tilespmem:s18], [sflag:$0x6], $0x20, s11, s9, $0xb8;
	[tilespmem:$0x1F5E0] =	vst v63  }
0xdb: {  	_ =	swait.ge [sflag:s6], $0x7D00  }
0xdc: {  	[sflag:s6] =	ssyncset.done $0x0  }
0xdd: {  	s1 =	rddreg [dreg:$0x7];
	[sflag:s6] =	ssyncadd.s32 $0xFFFF8300  }
0xde: {  	[tilespmem:s11], [sflag:$0x5] =	stream.linear.gather [hbm4b:s1+s3], $0x3E8, $0x38;
	[tilespmem:$0x1F5E0] =	vst v63  }
0xdf: {  	_ =	swait.ge [sflag:s16], $0x3E8  }
0xe0: {  	[sflag:s16] =	ssyncset.done $0x0  }
0xe1: {  	[sflag:s16] =	ssyncadd.s32 $0xFFFFFC18  }
0xe2: {  	_ =	swait.ge [sflag:s17], $0x7D00  }
0xe3: {  	[sflag:s17] =	ssyncset.done $0x0  }
0xe4: {  	[sflag:s17] =	ssyncadd.s32 $0xFFFF8300  }
0xe5: {  	[tilespmem:s18], [sflag:$0x2] =	stream.indirect.gather [hbm4b:s4+s9], $0x20, s26, s9, $0xb8;
	[tilespmem:$0x1F5E0] =	vst v63  }
0xe6: {  	_ = 	snop  }
0xe7: {  	[spmem:s2] =	stream.indirect.scatter.add.f32 [tilespmem:s15], [sflag:$0x6], $0x20, s13, s9, $0xb8;
	[tilespmem:$0x1F5E0] =	vst v63  }
0xe8: {  	_ =	swait.ge [sflag:s6], $0x7D00  }
0xe9: {  	[sflag:s6] =	ssyncset.done $0x0  }
0xea: {  	s1 =	rddreg [dreg:$0x8];
	[sflag:s6] =	ssyncadd.s32 $0xFFFF8300  }
0xeb: {  	[tilespmem:s13], [sflag:$0x4] =	stream.linear.gather [hbm4b:s1+s3], $0x3E8, $0x38;
	[tilespmem:$0x1F5E0] =	vst v63  }
0xec: {  	_ =	swait.ge [sflag:s14], $0x3E8  }
0xed: {  	[sflag:s14] =	ssyncset.done $0x0  }
0xee: {  	[sflag:s14] =	ssyncadd.s32 $0xFFFFFC18  }
0xef: {  	_ =	swait.ge [sflag:s12], $0x7D00  }
0xf0: {  	[sflag:s12] =	ssyncset.done $0x0  }
0xf1: {  	[sflag:s12] =	ssyncadd.s32 $0xFFFF8300  }
0xf2: {  	[tilespmem:s15], [sflag:$0x3] =	stream.indirect.gather [hbm4b:s4+s9], $0x20, s25, s9, $0xb8;
	[tilespmem:$0x1F5E0] =	vst v63  }
0xf3: {  	_ = 	snop  }
0xf4: {  	[spmem:s2] =	stream.indirect.scatter.add.f32 [tilespmem:s10], [sflag:$0x6], $0x20, s11, s9, $0xb8;
	[tilespmem:$0x1F5E0] =	vst v63  }
0xf5: {  	_ =	swait.ge [sflag:s6], $0x7D00  }
0xf6: {  	[sflag:s6] =	ssyncset.done $0x0  }
0xf7: {  	s1 =	rddreg [dreg:$0x9];
	[sflag:s6] =	ssyncadd.s32 $0xFFFF8300  }
0xf8: {  	[tilespmem:s11], [sflag:$0x5] =	stream.linear.gather [hbm4b:s1+s3], $0x3E8, $0x38;
	[tilespmem:$0x1F5E0] =	vst v63  }
0xf9: {  	_ =	swait.ge [sflag:s16], $0x3E8  }
0xfa: {  	[sflag:s16] =	ssyncset.done $0x0  }
0xfb: {  	[sflag:s16] =	ssyncadd.s32 $0xFFFFFC18  }
0xfc: {  	_ =	swait.ge [sflag:s19], $0x7D00  }
0xfd: {  	[sflag:s19] =	ssyncset.done $0x0  }
0xfe: {  	[sflag:s19] =	ssyncadd.s32 $0xFFFF8300  }
0xff: {  	[tilespmem:s10], [sflag:$0x1] =	stream.indirect.gather [hbm4b:s4+s9], $0x20, s23, s9, $0xb8;
	[tilespmem:$0x1F5E0] =	vst v63  }
0x100: {  	_ = 	snop  }
0x101: {  	[spmem:s2] =	stream.indirect.scatter.add.f32 [tilespmem:s18], [sflag:$0x6], $0x20, s13, s9, $0xb8;
	[tilespmem:$0x1F5E0] =	vst v63  }
0x102: {  	_ =	swait.ge [sflag:s6], $0x7D00  }
0x103: {  	[sflag:s6] =	ssyncset.done $0x0  }
0x104: {  	s1 =	rddreg [dreg:$0xa];
	[sflag:s6] =	ssyncadd.s32 $0xFFFF8300  }
0x105: {  	[tilespmem:s13], [sflag:$0x4] =	stream.linear.gather [hbm4b:s1+s3], $0x3E8, $0x38;
	[tilespmem:$0x1F5E0] =	vst v63  }
0x106: {  	_ =	swait.ge [sflag:s14], $0x3E8  }
0x107: {  	[sflag:s14] =	ssyncset.done $0x0  }
0x108: {  	[sflag:s14] =	ssyncadd.s32 $0xFFFFFC18  }
0x109: {  	_ =	swait.ge [sflag:s17], $0x7D00  }
0x10a: {  	[sflag:s17] =	ssyncset.done $0x0  }
0x10b: {  	[sflag:s17] =	ssyncadd.s32 $0xFFFF8300  }
0x10c: {  	[tilespmem:s18], [sflag:$0x2] =	stream.indirect.gather [hbm4b:s4+s9], $0x20, s22, s9, $0xb8;
	[tilespmem:$0x1F5E0] =	vst v63  }
0x10d: {  	_ = 	snop  }
0x10e: {  	[spmem:s2] =	stream.indirect.scatter.add.f32 [tilespmem:s15], [sflag:$0x6], $0x20, s11, s9, $0xb8;
	[tilespmem:$0x1F5E0] =	vst v63  }
0x10f: {  	_ =	swait.ge [sflag:s6], $0x7D00  }
0x110: {  	[sflag:s6] =	ssyncset.done $0x0  }
0x111: {  	s1 =	rddreg [dreg:$0xb];
	[sflag:s6] =	ssyncadd.s32 $0xFFFF8300  }
0x112: {  	[tilespmem:s11], [sflag:$0x5] =	stream.linear.gather [hbm4b:s1+s3], $0x3E8, $0x38;
	[tilespmem:$0x1F5E0] =	vst v63  }
0x113: {  	_ =	swait.ge [sflag:s16], $0x3E8  }
0x114: {  	[sflag:s16] =	ssyncset.done $0x0  }
0x115: {  	[sflag:s16] =	ssyncadd.s32 $0xFFFFFC18  }
0x116: {  	_ =	swait.ge [sflag:s12], $0x7D00  }
0x117: {  	[sflag:s12] =	ssyncset.done $0x0  }
0x118: {  	[sflag:s12] =	ssyncadd.s32 $0xFFFF8300  }
0x119: {  	[tilespmem:s15], [sflag:$0x3] =	stream.indirect.gather [hbm4b:s4+s9], $0x20, s21, s9, $0xb8;
	[tilespmem:$0x1F5E0] =	vst v63  }
0x11a: {  	_ = 	snop  }
0x11b: {  	[spmem:s2] =	stream.indirect.scatter.add.f32 [tilespmem:s10], [sflag:$0x6], $0x20, s13, s9, $0xb8;
	[tilespmem:$0x1F5E0] =	vst v63  }
0x11c: {  	_ =	swait.ge [sflag:s6], $0x7D00  }
0x11d: {  	[sflag:s6] =	ssyncset.done $0x0  }
0x11e: {  	s1 =	rddreg [dreg:$0xc];
	[sflag:s6] =	ssyncadd.s32 $0xFFFF8300  }
0x11f: {  	[tilespmem:s13], [sflag:$0x4] =	stream.linear.gather [hbm4b:s1+s3], $0x3E8, $0x38;
	[tilespmem:$0x1F5E0] =	vst v63  }
0x120: {  	_ =	swait.ge [sflag:s14], $0x3E8  }
0x121: {  	[sflag:s14] =	ssyncset.done $0x0  }
0x122: {  	[sflag:s14] =	ssyncadd.s32 $0xFFFFFC18  }
0x123: {  	_ =	swait.ge [sflag:s19], $0x7D00  }
0x124: {  	[sflag:s19] =	ssyncset.done $0x0  }
0x125: {  	s20 =	simm.s32 $0x7328;
	[sflag:s19] =	ssyncadd.s32 $0xFFFF8300  }
0x126: {  	[tilespmem:s10], [sflag:$0x1] =	stream.indirect.gather [hbm4b:s4+s9], $0x20, s20, s9, $0xb8;
	[tilespmem:$0x1F5E0] =	vst v63  }
0x127: {  	_ = 	snop  }
0x128: {  	[spmem:s2] =	stream.indirect.scatter.add.f32 [tilespmem:s18], [sflag:$0x6], $0x20, s11, s9, $0xb8;
	[tilespmem:$0x1F5E0] =	vst v63  }
0x129: {  	_ =	swait.ge [sflag:s6], $0x7D00  }
0x12a: {  	[sflag:s6] =	ssyncset.done $0x0  }
0x12b: {  	s1 =	rddreg [dreg:$0xd];
	[sflag:s6] =	ssyncadd.s32 $0xFFFF8300  }
0x12c: {  	[tilespmem:s11], [sflag:$0x5] =	stream.linear.gather [hbm4b:s1+s3], $0x3E8, $0x38;
	[tilespmem:$0x1F5E0] =	vst v63  }
0x12d: {  	_ =	swait.ge [sflag:s16], $0x3E8  }
0x12e: {  	[sflag:s16] =	ssyncset.done $0x0  }
0x12f: {  	[sflag:s16] =	ssyncadd.s32 $0xFFFFFC18  }
0x130: {  	_ =	swait.ge [sflag:s17], $0x7D00  }
0x131: {  	[sflag:s17] =	ssyncset.done $0x0  }
0x132: {  	[sflag:s17] =	ssyncadd.s32 $0xFFFF8300  }
0x133: {  	[spmem:s2] =	stream.indirect.scatter.add.f32 [tilespmem:s15], [sflag:$0x6], $0x20, s13, s9, $0xb8;
	[tilespmem:$0x1F5E0] =	vst v63  }
0x134: {  	_ =	swait.ge [sflag:s6], $0x7D00  }
0x135: {  	[sflag:s6] =	ssyncset.done $0x0  }
0x136: {  	[sflag:s6] =	ssyncadd.s32 $0xFFFF8300  }
0x137: {  	_ =	swait.ge [sflag:s14], $0x3E8  }
0x138: {  	[sflag:s14] =	ssyncset.done $0x0  }
0x139: {  	[sflag:s14] =	ssyncadd.s32 $0xFFFFFC18  }
0x13a: {  	_ =	swait.ge [sflag:s12], $0x7D00  }
0x13b: {  	[sflag:s12] =	ssyncset.done $0x0  }
0x13c: {  	[sflag:s12] =	ssyncadd.s32 $0xFFFF8300  }
0x13d: {  	[spmem:s2] =	stream.indirect.scatter.add.f32 [tilespmem:s10], [sflag:$0x6], $0x20, s11, s9, $0xb8;
	[tilespmem:$0x1F5E0] =	vst v63  }
0x13e: {  	_ =	swait.ge [sflag:s6], $0x7D00  }
0x13f: {  	p1 =	sne.s32 s0, $0x1;
	[sflag:s6] =	ssyncset.done $0x0  }
.Ltmp2:
0x140: {  	[sflag:s6] =	ssyncadd.s32 $0xFFFF8300;
	(pc) =	sbr.rel @p1 .LBB2_2-.Ltmp2, $4  }
0x141: {  	[bflag:$0x0] =	sbarrier.arrive $0xFFFF  }
0x142: {  	[hbm:s7], [sflag:s5] =	dma.local [spmem:s8], $0xA00  }
0x143: {  	_ =	swait.ge [sflag:s6], $0xA00  }
0x144: {  	s0 =	sadd.s32 $0xFFFFFFFF, s0;
	s1 =	rddreg [dreg:$0x3];
	[sflag:s6] =	ssyncset.done $0x0  }
.LBB2_3:
0x145: {  	[sflag:s6] =	ssyncadd.s32 @p0 $0xFFFFF600  }
0x146: {  	[spmem:s8], [sflag:s5] =	dma.local [hbm:s1], $0xA00  }
0x147: {  	_ =	swait.ge [sflag:s6], $0xA00  }
0x148: {  	[sflag:s6] =	ssyncset.done $0x0  }
0x149: {  	[sflag:s6] =	ssyncadd.s32 $0xFFFFF600  }
0x14a: {  	[tilespmem:s30], [sflag:$0x6] =	stream.linear.gather [hbm4b:s24+s3], $0x2710, $0x38;
	[tilespmem:$0x1F5E0] =	vst v63  }
0x14b: {  	_ =	swait.ge [sflag:s6], $0x2710  }
0x14c: {  	[sflag:s6] =	ssyncset.done $0x0  }
0x14d: {  	[sflag:s6] =	ssyncadd.s32 $0xFFFFD8F0  }
0x14e: {  	[bflag:$0x0] =	sbarrier.arrive $0xFFFF  }
0x14f: {  	[tilespmem:s10], [sflag:$0x1] =	stream.indirect.gather [hbm4b:s4+s9], $0x20, s30, s9, $0xb8;
	[tilespmem:$0x1F5E0] =	vst v63  }
0x150: {  	_ = 	snop  }
0x151: {  	[tilespmem:s18], [sflag:$0x2] =	stream.indirect.gather [hbm4b:s4+s9], $0x20, s31, s9, $0xb8;
	[tilespmem:$0x1F5E0] =	vst v63  }
0x152: {  	s0 =	rddreg [dreg:$0x4]  }
0x153: {  	[tilespmem:s13], [sflag:$0x4] =	stream.linear.gather [hbm4b:s0+s3], $0x3E8, $0x38;
	[tilespmem:$0x1F5E0] =	vst v63  }
0x154: {  	s30 =	rddreg [dreg:$0x5]  }
0x155: {  	[tilespmem:s11], [sflag:$0x5] =	stream.linear.gather [hbm4b:s30+s3], $0x3E8, $0x38;
	[tilespmem:$0x1F5E0] =	vst v63  }
0x156: {  	_ =	swait.ge [sflag:s16], $0x3E8  }
0x157: {  	[sflag:s16] =	ssyncset.done $0x0  }
0x158: {  	[sflag:s16] =	ssyncadd.s32 $0xFFFFFC18  }
0x159: {  	_ =	swait.ge [sflag:s12], $0x7D00  }
0x15a: {  	[sflag:s12] =	ssyncset.done $0x0  }
0x15b: {  	[sflag:s12] =	ssyncadd.s32 $0xFFFF8300  }
0x15c: {  	[tilespmem:s15], [sflag:$0x3] =	stream.indirect.gather [hbm4b:s4+s9], $0x20, s29, s9, $0xb8;
	[tilespmem:$0x1F5E0] =	vst v63  }
0x15d: {  	_ = 	snop  }
0x15e: {  	[spmem:s2] =	stream.indirect.scatter.add.f32 [tilespmem:s10], [sflag:$0x6], $0x20, s13, s9, $0xb8;
	[tilespmem:$0x1F5E0] =	vst v63  }
0x15f: {  	_ =	swait.ge [sflag:s6], $0x7D00  }
0x160: {  	[sflag:s6] =	ssyncset.done $0x0  }
0x161: {  	s31 =	rddreg [dreg:$0x6];
	[sflag:s6] =	ssyncadd.s32 $0xFFFF8300  }
0x162: {  	[tilespmem:s13], [sflag:$0x4] =	stream.linear.gather [hbm4b:s31+s3], $0x3E8, $0x38;
	[tilespmem:$0x1F5E0] =	vst v63  }
0x163: {  	_ =	swait.ge [sflag:s14], $0x3E8  }
0x164: {  	[sflag:s14] =	ssyncset.done $0x0  }
0x165: {  	[sflag:s14] =	ssyncadd.s32 $0xFFFFFC18  }
0x166: {  	_ =	swait.ge [sflag:s19], $0x7D00  }
0x167: {  	[sflag:s19] =	ssyncset.done $0x0  }
0x168: {  	[sflag:s19] =	ssyncadd.s32 $0xFFFF8300  }
0x169: {  	[tilespmem:s10], [sflag:$0x1] =	stream.indirect.gather [hbm4b:s4+s9], $0x20, s28, s9, $0xb8;
	[tilespmem:$0x1F5E0] =	vst v63  }
0x16a: {  	_ = 	snop  }
0x16b: {  	[spmem:s2] =	stream.indirect.scatter.add.f32 [tilespmem:s18], [sflag:$0x6], $0x20, s11, s9, $0xb8;
	[tilespmem:$0x1F5E0] =	vst v63  }
0x16c: {  	_ =	swait.ge [sflag:s6], $0x7D00  }
0x16d: {  	[sflag:s6] =	ssyncset.done $0x0  }
0x16e: {  	s1 =	rddreg [dreg:$0x7];
	[sflag:s6] =	ssyncadd.s32 $0xFFFF8300  }
0x16f: {  	[tilespmem:s11], [sflag:$0x5] =	stream.linear.gather [hbm4b:s1+s3], $0x3E8, $0x38;
	[tilespmem:$0x1F5E0] =	vst v63  }
0x170: {  	_ =	swait.ge [sflag:s16], $0x3E8  }
0x171: {  	[sflag:s16] =	ssyncset.done $0x0  }
0x172: {  	[sflag:s16] =	ssyncadd.s32 $0xFFFFFC18  }
0x173: {  	_ =	swait.ge [sflag:s17], $0x7D00  }
0x174: {  	[sflag:s17] =	ssyncset.done $0x0  }
0x175: {  	[sflag:s17] =	ssyncadd.s32 $0xFFFF8300  }
0x176: {  	[tilespmem:s18], [sflag:$0x2] =	stream.indirect.gather [hbm4b:s4+s9], $0x20, s26, s9, $0xb8;
	[tilespmem:$0x1F5E0] =	vst v63  }
0x177: {  	_ = 	snop  }
0x178: {  	[spmem:s2] =	stream.indirect.scatter.add.f32 [tilespmem:s15], [sflag:$0x6], $0x20, s13, s9, $0xb8;
	[tilespmem:$0x1F5E0] =	vst v63  }
0x179: {  	_ =	swait.ge [sflag:s6], $0x7D00  }
0x17a: {  	[sflag:s6] =	ssyncset.done $0x0  }
0x17b: {  	s24 =	rddreg [dreg:$0x8];
	[sflag:s6] =	ssyncadd.s32 $0xFFFF8300  }
0x17c: {  	[tilespmem:s13], [sflag:$0x4] =	stream.linear.gather [hbm4b:s24+s3], $0x3E8, $0x38;
	[tilespmem:$0x1F5E0] =	vst v63  }
0x17d: {  	_ =	swait.ge [sflag:s14], $0x3E8  }
0x17e: {  	[sflag:s14] =	ssyncset.done $0x0  }
0x17f: {  	[sflag:s14] =	ssyncadd.s32 $0xFFFFFC18  }
0x180: {  	_ =	swait.ge [sflag:s12], $0x7D00  }
0x181: {  	[sflag:s12] =	ssyncset.done $0x0  }
0x182: {  	[sflag:s12] =	ssyncadd.s32 $0xFFFF8300  }
0x183: {  	[tilespmem:s15], [sflag:$0x3] =	stream.indirect.gather [hbm4b:s4+s9], $0x20, s25, s9, $0xb8;
	[tilespmem:$0x1F5E0] =	vst v63  }
0x184: {  	_ = 	snop  }
0x185: {  	[spmem:s2] =	stream.indirect.scatter.add.f32 [tilespmem:s10], [sflag:$0x6], $0x20, s11, s9, $0xb8;
	[tilespmem:$0x1F5E0] =	vst v63  }
0x186: {  	_ =	swait.ge [sflag:s6], $0x7D00  }
0x187: {  	[sflag:s6] =	ssyncset.done $0x0  }
0x188: {  	s25 =	rddreg [dreg:$0x9];
	[sflag:s6] =	ssyncadd.s32 $0xFFFF8300  }
0x189: {  	[tilespmem:s11], [sflag:$0x5] =	stream.linear.gather [hbm4b:s25+s3], $0x3E8, $0x38;
	[tilespmem:$0x1F5E0] =	vst v63  }
0x18a: {  	_ =	swait.ge [sflag:s16], $0x3E8  }
0x18b: {  	[sflag:s16] =	ssyncset.done $0x0  }
0x18c: {  	[sflag:s16] =	ssyncadd.s32 $0xFFFFFC18  }
0x18d: {  	_ =	swait.ge [sflag:s19], $0x7D00  }
0x18e: {  	[sflag:s19] =	ssyncset.done $0x0  }
0x18f: {  	[sflag:s19] =	ssyncadd.s32 $0xFFFF8300  }
0x190: {  	[tilespmem:s10], [sflag:$0x1] =	stream.indirect.gather [hbm4b:s4+s9], $0x20, s23, s9, $0xb8;
	[tilespmem:$0x1F5E0] =	vst v63  }
0x191: {  	_ = 	snop  }
0x192: {  	[spmem:s2] =	stream.indirect.scatter.add.f32 [tilespmem:s18], [sflag:$0x6], $0x20, s13, s9, $0xb8;
	[tilespmem:$0x1F5E0] =	vst v63  }
0x193: {  	_ =	swait.ge [sflag:s6], $0x7D00  }
0x194: {  	[sflag:s6] =	ssyncset.done $0x0  }
0x195: {  	s26 =	rddreg [dreg:$0xa];
	[sflag:s6] =	ssyncadd.s32 $0xFFFF8300  }
0x196: {  	[tilespmem:s13], [sflag:$0x4] =	stream.linear.gather [hbm4b:s26+s3], $0x3E8, $0x38;
	[tilespmem:$0x1F5E0] =	vst v63  }
0x197: {  	_ =	swait.ge [sflag:s14], $0x3E8  }
0x198: {  	[sflag:s14] =	ssyncset.done $0x0  }
0x199: {  	[sflag:s14] =	ssyncadd.s32 $0xFFFFFC18  }
0x19a: {  	_ =	swait.ge [sflag:s17], $0x7D00  }
0x19b: {  	[sflag:s17] =	ssyncset.done $0x0  }
0x19c: {  	[sflag:s17] =	ssyncadd.s32 $0xFFFF8300  }
0x19d: {  	[tilespmem:s18], [sflag:$0x2] =	stream.indirect.gather [hbm4b:s4+s9], $0x20, s22, s9, $0xb8;
	[tilespmem:$0x1F5E0] =	vst v63  }
0x19e: {  	_ = 	snop  }
0x19f: {  	[spmem:s2] =	stream.indirect.scatter.add.f32 [tilespmem:s15], [sflag:$0x6], $0x20, s11, s9, $0xb8;
	[tilespmem:$0x1F5E0] =	vst v63  }
0x1a0: {  	_ =	swait.ge [sflag:s6], $0x7D00  }
0x1a1: {  	[sflag:s6] =	ssyncset.done $0x0  }
0x1a2: {  	s28 =	rddreg [dreg:$0xb];
	[sflag:s6] =	ssyncadd.s32 $0xFFFF8300  }
0x1a3: {  	[tilespmem:s11], [sflag:$0x5] =	stream.linear.gather [hbm4b:s28+s3], $0x3E8, $0x38;
	[tilespmem:$0x1F5E0] =	vst v63  }
0x1a4: {  	_ =	swait.ge [sflag:s16], $0x3E8  }
0x1a5: {  	[sflag:s16] =	ssyncset.done $0x0  }
0x1a6: {  	[sflag:s16] =	ssyncadd.s32 $0xFFFFFC18  }
0x1a7: {  	_ =	swait.ge [sflag:s12], $0x7D00  }
0x1a8: {  	[sflag:s12] =	ssyncset.done $0x0  }
0x1a9: {  	[sflag:s12] =	ssyncadd.s32 $0xFFFF8300  }
0x1aa: {  	[tilespmem:s15], [sflag:$0x3] =	stream.indirect.gather [hbm4b:s4+s9], $0x20, s21, s9, $0xb8;
	[tilespmem:$0x1F5E0] =	vst v63  }
0x1ab: {  	_ = 	snop  }
0x1ac: {  	[spmem:s2] =	stream.indirect.scatter.add.f32 [tilespmem:s10], [sflag:$0x6], $0x20, s13, s9, $0xb8;
	[tilespmem:$0x1F5E0] =	vst v63  }
0x1ad: {  	_ =	swait.ge [sflag:s6], $0x7D00  }
0x1ae: {  	[sflag:s6] =	ssyncset.done $0x0  }
0x1af: {  	s29 =	rddreg [dreg:$0xc];
	[sflag:s6] =	ssyncadd.s32 $0xFFFF8300  }
0x1b0: {  	[tilespmem:s13], [sflag:$0x4] =	stream.linear.gather [hbm4b:s29+s3], $0x3E8, $0x38;
	[tilespmem:$0x1F5E0] =	vst v63  }
0x1b1: {  	_ =	swait.ge [sflag:s14], $0x3E8  }
0x1b2: {  	[sflag:s14] =	ssyncset.done $0x0  }
0x1b3: {  	[sflag:s14] =	ssyncadd.s32 $0xFFFFFC18  }
0x1b4: {  	_ =	swait.ge [sflag:s19], $0x7D00  }
0x1b5: {  	[sflag:s19] =	ssyncset.done $0x0  }
0x1b6: {  	[sflag:s19] =	ssyncadd.s32 $0xFFFF8300  }
0x1b7: {  	[tilespmem:s10], [sflag:$0x1] =	stream.indirect.gather [hbm4b:s4+s9], $0x20, s20, s9, $0xb8;
	[tilespmem:$0x1F5E0] =	vst v63  }
0x1b8: {  	_ = 	snop  }
0x1b9: {  	[spmem:s2] =	stream.indirect.scatter.add.f32 [tilespmem:s18], [sflag:$0x6], $0x20, s11, s9, $0xb8;
	[tilespmem:$0x1F5E0] =	vst v63  }
0x1ba: {  	_ =	swait.ge [sflag:s6], $0x7D00  }
0x1bb: {  	[sflag:s6] =	ssyncset.done $0x0  }
0x1bc: {  	s30 =	rddreg [dreg:$0xd];
	[sflag:s6] =	ssyncadd.s32 $0xFFFF8300  }
0x1bd: {  	[tilespmem:s11], [sflag:$0x5] =	stream.linear.gather [hbm4b:s30+s3], $0x3E8, $0x38;
	[tilespmem:$0x1F5E0] =	vst v63  }
0x1be: {  	_ =	swait.ge [sflag:s16], $0x3E8  }
0x1bf: {  	[sflag:s16] =	ssyncset.done $0x0  }
0x1c0: {  	[sflag:s16] =	ssyncadd.s32 $0xFFFFFC18  }
0x1c1: {  	_ =	swait.ge [sflag:s17], $0x7D00  }
0x1c2: {  	[sflag:s17] =	ssyncset.done $0x0  }
0x1c3: {  	[sflag:s17] =	ssyncadd.s32 $0xFFFF8300  }
0x1c4: {  	[spmem:s2] =	stream.indirect.scatter.add.f32 [tilespmem:s15], [sflag:$0x6], $0x20, s13, s9, $0xb8;
	[tilespmem:$0x1F5E0] =	vst v63  }
0x1c5: {  	_ =	swait.ge [sflag:s6], $0x7D00  }
0x1c6: {  	[sflag:s6] =	ssyncset.done $0x0  }
0x1c7: {  	[sflag:s6] =	ssyncadd.s32 $0xFFFF8300  }
0x1c8: {  	_ =	swait.ge [sflag:s14], $0x3E8  }
0x1c9: {  	[sflag:s14] =	ssyncset.done $0x0  }
0x1ca: {  	[sflag:s14] =	ssyncadd.s32 $0xFFFFFC18  }
0x1cb: {  	_ =	swait.ge [sflag:s12], $0x7D00  }
0x1cc: {  	[sflag:s12] =	ssyncset.done $0x0  }
0x1cd: {  	[sflag:s12] =	ssyncadd.s32 $0xFFFF8300  }
0x1ce: {  	[spmem:s2] =	stream.indirect.scatter.add.f32 [tilespmem:s10], [sflag:$0x6], $0x20, s11, s9, $0xb8;
	[tilespmem:$0x1F5E0] =	vst v63  }
0x1cf: {  	_ =	swait.ge [sflag:s6], $0x7D00  }
0x1d0: {  	[sflag:s6] =	ssyncset.done $0x0  }
0x1d1: {  	[sflag:s6] =	ssyncadd.s32 $0xFFFF8300  }
0x1d2: {  	[bflag:$0x0] =	sbarrier.arrive $0xFFFF  }
0x1d3: {  	[hbm:s7], [sflag:s5] =	dma.local [spmem:s8], $0xA00  }
0x1d4: {  	_ =	swait.ge [sflag:s6], $0xA00  }
0x1d5: {  	[sflag:s6] =	ssyncset.done $0x0  }
0x1d6: {  	[sflag:s6] =	ssyncadd.s32 $0xFFFFF600  }
0x1d7: {  	_ =	sfence.sel $0x180000  }
0x1d8: {  	[bflag:$0x0] =	sbarrier.arrive $0xFFFF  }
0x1d9: {  	_ =	strace $0x9000004A  }
0x1da: {  	s31 =	stileid.u32;
	[bflag:$0x2] =	sbarrier.arrive $0xFFFF  }
0x1db: {  	p0 =	sne.s32 s31, $0x0;
	s0 =	rddreg [dreg:$0x2]  }
0x1dc: {  	s0 =	sadd.s32 @!p0 $0x100000, s0  }
0x1dd: {  	[sflag:s0] =	ssyncadd.tile.s32 @!p0 $0x1;
	_ =	shalt  }
.Lfunc_end2:
_tile_overlayer_lowered:
.L_overlay_start_2:
0x1de: {  	(tag) =	ssettag $0x2  }
0x1df: {  	s0 =	rddreg [dreg:$0x0];
	s2 =	stileid.u32  }
0x1e0: {  	s1 =	rddreg [dreg:$0x1];
	p0 =	sne.s32 s2, $0x0  }
0x1e1: {  	s3 =	rddreg [dreg:$0x2];
	[bflag:$0x3] =	sbarrier.arrive $0xFFFF;
	s2 =	simm.s32 @!p0 $0x1C06  }
0x1e2: {  	[timem:s3], [sflag:s2] =	dma.local @!p0 [hbm:s0], s1  }
0x1e3: {  	s0 =	simm.s32 @!p0 $0x6  }
0x1e4: {  	_ =	swait.ge @!p0 [sflag:s0], s1  }
0x1e5: {  	s1 =	ssub.s32 @!p0 $0x0, s1;
	[sflag:s0] =	ssyncset.done @!p0 $0x0  }
0x1e6: {  	[sflag:s0] =	ssyncadd.s32 @!p0 s1  }
0x1e7: {  	[bflag:$0x3] =	sbarrier.arrive $0xFFFF  }
0x1e8: {  	_ =	shalt  }

// kernel: kernel.14.cloned.1.call-start
scs
__scs_entry_jumppad:
0x0: {  	(pc) =	sbr.rel $0x88, $3  }
0x1: {  	(tag) =	ssettag $0x0;
	lr =	simm.s32 $0x1  }
0x2: {  	[smem:$0x3F9B] =	sst lr;
	_ =	strace $0xD0000000  }
0x3: {  	_ = 	snop  }
0x4: {  	_ = 	snop  }
0x5: {  	_ = 	snop  }
0x6: {  	_ = 	snop  }
0x7: {  	_ = 	snop  }
__scs_overlays_trampoline_lowered:
0x8: {  	[smem:$0x3FAA] =	sst s0  }
0x9: {  	[smem:$0x3FAB] =	sst s1  }
0xa: {  	[smem:$0x3FAC] =	sst s2  }
0xb: {  	[smem:$0x3FAD] =	sst s3  }
0xc: {  	[smem:$0x3FAE] =	sst s4  }
0xd: {  	[smem:$0x3FAF] =	sst s5  }
0xe: {  	[smem:$0x3FB0] =	sst s6  }
0xf: {  	[smem:$0x3FB1] =	sst s7  }
0x10: {  	[smem:$0x3FB2] =	sst s8  }
0x11: {  	[smem:$0x3FB3] =	sst s9;
	s0 =	simm.s32 @!p0 $0x0  }
0x12: {  	s1 =	sld [smem:$0x3F99];
	s0 =	simm.s32 @p0 $0x1  }
0x13: {  	[smem:$0x3FB4] =	sst s0;
	s0 =	simm.s32 @!p1 $0x0  }
0x14: {  	s2 =	sld [smem:$0x3F98];
	s0 =	simm.s32 @p1 $0x1  }
0x15: {  	[smem:$0x3FB5] =	sst s0;
	s0 =	simm.s32 @!p2 $0x0  }
0x16: {  	s3 =	sld [smem:$0x3FDB];
	s0 =	simm.s32 @p2 $0x1  }
0x17: {  	s4 =	simm.s32 $0x1BF5;
	[smem:$0x3FB7] =	sst s0  }
0x18: {  	s0 =	sld [smem:$0x3F9A];
	_ =	swait.ge [sflag:s4], $0x0  }
0x19: {  	s7 =	sld [smem:$0x3F9B]  }
0x1a: {  	s8 =	sadd.s32 $0xFFFFE003, lr  }
0x1b: {  	s9 =	sadd.s32 $0xFFFFFEF7, lr;
	s5 =	simm.s32 $0xFFFFFFFF;
	p2 =	slt.u32 s8, $0xFFFFF086  }
0x1c: {  	p1 =	slt.u32 s9, $0xF7A;
	s5 =	simm.s32 @!p2 $0x0  }
0x1d: {  	s5 =	simm.s32 @p1 $0x1;
	p0 =	seq.s32 s7, s2  }
0x1e: {  	s7 =	smul.u32 @!p0 $0xF7A, s2;
	p2 =	seq.s32 @!p0 s5, $0x0  }
0x1f: {  	s9 =	smul.u32 $0xF7A, s1;
	s8 =	simm.s32 @!p0 $0x1BF5;
	p2 =	por !p2, p0  }
0x20: {  	[sflag:s8] =	ssyncset.s32 @!p0 $0xFFFFF086;
	s6 =	sadd.s32 @!p0 s3, s7;
	s7 =	simm.s32 @!p0 $0x108  }
0x21: {  	s3 =	sadd.s32 s3, s9;
	s6 =	sadd.s32 @!p0 $0x88, s6;
	s7 =	simm.s32 @p2 $0x1082  }
0x22: {  	[simem:s7], [sflag:s8] =	dma.local @!p0 [hbm:s6], $0xF7A  }
0x23: {  	s9 =	sor.u32 $0xD0000000, s2;
	s6 =	simm.s32 $0x108;
	_ =	swait.ge @!p0 [sflag:s8], $0x0  }
0x24: {  	s3 =	sadd.s32 $0x88, s3;
	s6 =	simm.s32 @!p1 $0x1082;
	[sflag:s4] =	ssyncset.s32 $0xFFFFF086  }
0x25: {  	[simem:s6], [sflag:s4] =	dma.local [hbm:s3], $0xF7A  }
0x26: {  	[smem:$0x3F9B] =	sst s1;
	(tag) =	ssettag s2;
	_ =	strace s9  }
0x27: {  	s1 =	sld [smem:$0x3FAB]  }
0x28: {  	s2 =	sld [smem:$0x3FAC]  }
0x29: {  	s4 =	sld [smem:$0x3FAE]  }
0x2a: {  	p0 =	seq.s32 s5, $0x0;
	s5 =	sld [smem:$0x3FAF]  }
0x2b: {  	s6 =	sld [smem:$0x3FB0]  }
0x2c: {  	s7 =	sld [smem:$0x3FB1]  }
0x2d: {  	s3 =	simm.s32 $0x108;
	s8 =	sld [smem:$0x3FB2]  }
0x2e: {  	s3 =	simm.s32 @!p0 $0x1082;
	s9 =	sld [smem:$0x3FB3]  }
0x2f: {  	lr =	sadd.s32 s0, s3;
	s0 =	sld [smem:$0x3FAA]  }
0x30: {  	s3 =	sld [smem:$0x3FAD]  }
0x31: {  	[smem:$0x3FB6] =	sst s10  }
0x32: {  	s10 =	sld [smem:$0x3FB4];
	_ =	sdelay $0x3  }
0x33: {  	p0 =	seq.s32 s10, $0x1;
	s10 =	sld [smem:$0x3FB6];
	_ =	sdelay $0x3  }
0x34: {  	[smem:$0x3FB6] =	sst s10  }
0x35: {  	s10 =	sld [smem:$0x3FB5];
	_ =	sdelay $0x3  }
0x36: {  	p1 =	seq.s32 s10, $0x1;
	s10 =	sld [smem:$0x3FB6];
	_ =	sdelay $0x3  }
0x37: {  	[smem:$0x3FB6] =	sst s10  }
0x38: {  	s10 =	sld [smem:$0x3FB7]  }
0x39: {  	_ = 	snop;
	(pc) =	sbr.ind lr, $3  }
0x3a: {  	_ = 	snop  }
0x3b: {  	_ = 	snop  }
0x3c: {  	p2 =	seq.s32 s10, $0x1;
	s10 =	sld [smem:$0x3FB6]  }
0x3d: {  	_ =	shalt  }
0x3e: {  	_ =	shalt  }
0x3f: {  	_ =	shalt  }
0x40: {  	_ =	shalt  }
0x41: {  	_ =	shalt  }
0x42: {  	_ =	shalt  }
0x43: {  	_ =	shalt  }
0x44: {  	_ =	shalt  }
0x45: {  	_ =	shalt  }
0x46: {  	_ =	shalt  }
0x47: {  	_ =	shalt  }
0x48: {  	_ =	shalt  }
0x49: {  	_ =	shalt  }
0x4a: {  	_ =	shalt  }
0x4b: {  	_ =	shalt  }
0x4c: {  	_ =	shalt  }
0x4d: {  	_ =	shalt  }
0x4e: {  	_ =	shalt  }
0x4f: {  	_ =	shalt  }
0x50: {  	_ =	shalt  }
0x51: {  	_ =	shalt  }
0x52: {  	_ =	shalt  }
0x53: {  	_ =	shalt  }
0x54: {  	_ =	shalt  }
0x55: {  	_ =	shalt  }
0x56: {  	_ =	shalt  }
0x57: {  	_ =	shalt  }
0x58: {  	_ =	shalt  }
0x59: {  	_ =	shalt  }
0x5a: {  	_ =	shalt  }
0x5b: {  	_ =	shalt  }
0x5c: {  	_ =	shalt  }
0x5d: {  	_ =	shalt  }
0x5e: {  	_ =	shalt  }
0x5f: {  	_ =	shalt  }
0x60: {  	_ =	shalt  }
0x61: {  	_ =	shalt  }
0x62: {  	_ =	shalt  }
0x63: {  	_ =	shalt  }
0x64: {  	_ =	shalt  }
0x65: {  	_ =	shalt  }
0x66: {  	_ =	shalt  }
0x67: {  	_ =	shalt  }
0x68: {  	_ =	shalt  }
0x69: {  	_ =	shalt  }
0x6a: {  	_ =	shalt  }
0x6b: {  	_ =	shalt  }
0x6c: {  	_ =	shalt  }
0x6d: {  	_ =	shalt  }
0x6e: {  	_ =	shalt  }
0x6f: {  	_ =	shalt  }
0x70: {  	_ =	shalt  }
0x71: {  	_ =	shalt  }
0x72: {  	_ =	shalt  }
0x73: {  	_ =	shalt  }
0x74: {  	_ =	shalt  }
0x75: {  	_ =	shalt  }
0x76: {  	_ =	shalt  }
0x77: {  	_ =	shalt  }
0x78: {  	_ =	shalt  }
0x79: {  	_ =	shalt  }
0x7a: {  	_ =	shalt  }
0x7b: {  	_ =	shalt  }
0x7c: {  	_ =	shalt  }
0x7d: {  	_ =	shalt  }
0x7e: {  	_ =	shalt  }
0x7f: {  	_ =	shalt  }
0x80: {  	_ =	shalt  }
0x81: {  	_ =	shalt  }
0x82: {  	_ =	shalt  }
0x83: {  	_ =	shalt  }
0x84: {  	_ =	shalt  }
0x85: {  	_ =	shalt  }
0x86: {  	_ =	shalt  }
0x87: {  	_ =	shalt  }
.Lfunc_end0:
.L_simem_size_0:
called_computation.2_lowered:
.L_overlay_start_0:
0x88: {  	s2 =	sld [smem:$0x3FD9]  }
0x89: {  	s3 =	sld [smem:$0x3FFE];
	_ =	sdelay $0x1  }
0x8a: {  	s1 =	srdreg.scid  }
0x8b: {  	s0 =	sand.u32 $0x1, s1  }
0x8c: {  	s16 =	sshll.u32 s0, $0xA;
	s2 =	sadd.s32 s3, s2  }
0x8d: {  	s2 =	sadd.s32 s2, s16  }
0x8e: {  	[smem:$0x3FC2] =	sst s2  }
0x8f: {  	_ = 	snop  }
0x90: {  	(tm) =	ssettm $0x1  }
0x91: {  	s17 =	sld [smem:$0x3FFB];
	_ =	sdelay $0x3  }
0x92: {  	_ =	strace s17  }
0x93: {  	s2 =	sld [smem:$0x3FFC];
	_ =	sdelay $0x3  }
0x94: {  	_ =	strace s2  }
0x95: {  	s2 =	sld [smem:$0x3FFD];
	_ =	sdelay $0x3  }
0x96: {  	_ =	strace s2  }
0x97: {  	_ =	strace $0x8FFFFFFF  }
0x98: {  	s18 =	sld [smem:$0x3FDB];
	_ =	sdelay $0x1  }
0x99: {  	s19 =	simm.s32 $_scs_section_size  }
0x9a: {  	s4 =	simm.s32 $_size__tile_overlayer_lowered;
	s5 =	simm.s32 $_tile_overlayer_lowered  }
0x9b: {  	s22 =	simm.s32 $0x1BFF;
	s21 =	sshll.u32 s5, $0x1;
	s2 =	sadd.s32 s19, s18  }
0x9c: {  	s6 =	simm.s32 $0x0;
	s20 =	sshll.u32 s4, $0x1;
	s4 =	sadd.s32 s21, s2  }
0x9d: {  	[timem:s6], [sflag:s22] =	dma.local [hbm:s4], s20  }
0x9e: {  	_ =	swait.ge [sflag:s22], s20  }
0x9f: {  	s3 =	ssub.s32 $0x0, s20;
	[sflag:s22] =	ssyncset.done $0x0  }
0xa0: {  	[sflag:s22] =	ssyncadd.s32 s3;
	_ =	sdelay $0x1  }
0xa1: {  	s23 =	simm.s32 $0x1B8B  }
0xa2: {  	_ =	swait.ge [sflag:s23], $0x1  }
0xa3: {  	[sflag:s23] =	ssyncset.done $0x0  }
0xa4: {  	s25 =	simm.s32 $0x1B8E;
	s24 =	sld [smem:$0x3FFE];
	[sflag:s23] =	ssyncadd.s32 $0xFFFFFFFF  }
0xa5: {  	s26 =	simm.s32 $execute0_lowered;
	[smem:$0x3FD2] =	sst s25  }
0xa6: {  	s4 =	sshll.u32 s26, $0x1;
	_ =	strace $0x8000004C;
	[dreg:$0x1] =	wrdreg $0xFFFFFFFF  }
0xa7: {  	s28 =	simm.s32 $_size_execute0_lowered;
	s2 =	sadd.s32 s2, s4;
	[dreg:$0x0] =	wrdreg $0x0  }
0xa8: {  	s4 =	sshll.u32 s28, $0x1;
	[dreg:$0x2] =	wrdreg s2  }
0xa9: {  	[dreg:$0x3] =	wrdreg s4  }
0xaa: {  	[dreg:$0x4] =	wrdreg $0xC0  }
0xab: {  	_ =	task [dreg:s6], $0x5FFFF  }
0xac: {  	[dreg:$0x1] =	wrdreg $0xFFFFFFFF  }
0xad: {  	[dreg:$0x0] =	wrdreg $0x60  }
0xae: {  	[dreg:$0x2] =	wrdreg s24  }
0xaf: {  	[dreg:$0x3] =	wrdreg $0x0  }
0xb0: {  	[dreg:$0x4] =	wrdreg $0x9  }
0xb1: {  	_ =	task.clear_ibuf [dreg:s6], $0x5FFFF;
	_ =	strace $0x9000004C  }
0xb2: {  	s29 =	simm.s32 $0x9;
	_ =	strace $0x8000004E  }
0xb3: {  	_ =	swait.ge [sflag:s29], $0x1  }
0xb4: {  	[sflag:s29] =	ssyncadd.s32 $0xFFFFFFFF  }
0xb5: {  	_ =	strace $0x9000004E  }
0xb6: {  	_ =	sfence  }
0xb7: {  	s30 =	sld [smem:$0x0];
	_ =	sdelay $0x2  }
0xb8: {  	s31 =	sshll.u32 s1, $0xD;
	s1 =	sshrl.u32 s1, $0x2  }
0xb9: {  	s3 =	sand.u32 $0x4000, s31;
	s1 =	sadd.s32 s1, s30  }
0xba: {  	s0 =	sor.u32 s3, s0;
	s1 =	sshll.u32 s1, $0x11  }
0xbb: {  	s0 =	sor.u32 s1, s0  }
0xbc: {  	s0 =	sadd.s32 $0x8F2B, s0  }
0xbd: {  	[sflag:s0] =	ssyncadd.remote.s32 $0x1  }
0xbe: {  	_ =	sfence.sel $0xFFFF  }
0xbf: {  	[dreg:$0x0] =	wrdreg $0xFFFFFFFF;
	(pc) =	sbr.abs _section_cstart, $3  }
0xc0: {  	[dreg:$0x1] =	wrdreg $0xFFFFFFFF  }
0xc1: {  	_ =	task.clear_ibuf [dreg:s6], $0x2FFFF;
	_ =	strace $0x9FFFFFFF  }
0xc2: {  	(tm) =	ssettm $0x7FFFFFFF  }
0xc3: {  	_ =	shalt  }
tec
execute0_lowered:
.L_overlay_start_1:
0x0: {  	(tag) =	ssettag $0x1  }
0x1: {  	s0 =	rddreg [dreg:$0x0]  }
0x2: {  	s2 =	rddreg [dreg:$0x1];
	s3 =	simm.s32 $0x0  }
0x3: {  	s11 =	stileid.u32;
	s5 =	srdreg.scid;
	s30 =	simm.s32 $0x1400  }
0x4: {  	s31 =	simm.s32 $0x17E8;
	s29 =	simm.s32 $0x1BD0;
	s28 =	simm.s32 $0x1FB8  }
0x5: {  	[smem:$0x7FF] =	sst s3;
	s1 =	smul.u32 $0x1400, s11;
	s4 =	sadd.s32 $0x15C00, s0  }
0x6: {  	s5 =	sand.u32 $0x1, s5;
	s8 =	sshll.u32 s11, $0x1;
	s12 =	sshll.u32 s11, $0x6  }
0x7: {  	s11 =	simm.s32 $0x3EF8;
	_ =	strace $0x8000004D;
	p0 =	seq.s32 s5, $0x1  }
0x8: {  	s10 =	ssub.s32 $0x2, s5;
	s5 =	sor.u32 s5, s8;
	s6 =	sshrl.u32 s1, $0x3  }
0x9: {  	s25 =	sshrl.u32 s10, $0x1;
	s5 =	smul.u32 $0x2710, s5;
	s1 =	sadd.s32 s1, s2  }
0xa: {  	s7 =	sadd.s32 s6, s0;
	s9 =	sadd.s32 $0x2800, s6;
	s8 =	sshrl.u32 s1, $0x3  }
0xb: {  	s6 =	smov.u32 @p0 s9;
	s9 =	sadd.s32 $0x2200, s0;
	s7 =	sadd.s32 $0x18400, s7  }
0xc: {  	s26 =	sshrl.u32 s5, $0x3;
	s14 =	sadd.s32 $0x4EDB8, s5;
	s17 =	sadd.s32 $0x4F588, s5  }
0xd: {  	s20 =	sadd.s32 $0x4FD58, s5;
	p0 =	por $0x0, $0x0;
	s0 =	sadd.s32 s6, s0  }
0xe: {  	s6 =	ssub.s32 s10, s25;
	[dreg:$0x3] =	wrdreg s7;
	s24 =	sadd.s32 s9, s26  }
0xf: {  	s10 =	sadd.s32 $0x4E5E8, s5;
	s5 =	sadd.s32 $0x50528, s5;
	s13 =	sadd.s32 $0x9C40, s24  }
0x10: {  	s7 =	sshrl.u32 s10, $0x3;
	s15 =	sadd.s32 $0x9D3A, s24;
	s10 =	sshrl.u32 s14, $0x3  }
0x11: {  	s18 =	sadd.s32 $0x9E34, s24;
	s21 =	sadd.s32 $0x9F2E, s24;
	s1 =	rddreg [dreg:$0x3]  }
0x12: {  	s23 =	sadd.s32 $0xA028, s24;
	s25 =	sshrl.u32 s5, $0x3;
	[dreg:$0x4] =	wrdreg s13  }
0x13: {  	s5 =	sor.u32 $0x1C06, s12;
	s12 =	simm.s32 $0x1;
	[dreg:$0x6] =	wrdreg s15  }
0x14: {  	s14 =	simm.s32 $0x5;
	s7 =	sadd.s32 s9, s7;
	[dreg:$0x8] =	wrdreg s18  }
0x15: {  	s16 =	sadd.s32 s9, s10;
	s10 =	sshrl.u32 s17, $0x3;
	[dreg:$0xa] =	wrdreg s21  }
0x16: {  	[dreg:$0xc] =	wrdreg s23;
	s26 =	sadd.s32 s9, s25;
	s18 =	simm.s32 $0x6220  }
0x17: {  	s13 =	simm.s32 $0x3B10;
	s15 =	simm.s32 $0x8160;
	s17 =	simm.s32 $0x3  }
0x18: {  	s25 =	simm.s32 $0x2788;
	s23 =	simm.s32 $0x2B70;
	[dreg:$0x5] =	wrdreg s7  }
0x19: {  	s19 =	sadd.s32 s9, s10;
	s10 =	sshrl.u32 s20, $0x3;
	s20 =	smax.u32 s6, $0x1  }
0x1a: {  	s21 =	simm.s32 $0x3340;
	[dreg:$0x7] =	wrdreg s16;
	p1 =	sne.s32 s20, $0x1  }
.Ltmp0:
0x1b: {  	[dreg:$0xd] =	wrdreg s26;
	s7 =	sadd.s32 $0x1AC00, s0;
	(pc) =	sbr.rel @!p1 .LBB2_3-.Ltmp0, $4  }
0x1c: {  	s6 =	simm.s32 $0x6;
	s16 =	simm.s32 $0x4;
	s26 =	simm.s32 $0x23A0  }
0x1d: {  	[dreg:$0x9] =	wrdreg s19;
	s22 =	sadd.s32 s9, s10;
	s9 =	simm.s32 $0x3E8  }
0x1e: {  	s10 =	simm.s32 $0x42E0;
	s19 =	simm.s32 $0x2;
	s0 =	sadd.s32 $0xFFFFFFFF, s20  }
0x1f: {  	s20 =	simm.s32 $0x3728;
	[dreg:$0xb] =	wrdreg s22;
	s22 =	simm.s32 $0x2F58  }
0x20: {  	[spmem:s8], [sflag:s5] =	dma.local [hbm:s1], $0x280  }
0x21: {  	_ =	swait.ge [sflag:s6], $0x280  }
0x22: {  	[sflag:s6] =	ssyncset.done $0x0  }
0x23: {  	[sflag:s6] =	ssyncadd.s32 $0xFFFFFD80  }
0x24: {  	[tilespmem:s30], [sflag:$0x6] =	stream.linear.gather [hbm4b:s24+s3], $0x2710, $0x38;
	[tilespmem:$0xA0A0] =	vst v63  }
0x25: {  	_ =	swait.ge [sflag:s6], $0x2710  }
0x26: {  	[sflag:s6] =	ssyncset.done $0x0  }
0x27: {  	[sflag:s6] =	ssyncadd.s32 $0xFFFFD8F0  }
0x28: {  	[bflag:$0x0] =	sbarrier.arrive $0xFFFF  }
0x29: {  	[tilespmem:s10], [sflag:$0x1] =	stream.indirect.gather [hbm4b:s4+s9], $0x8, s30, s9, $0xb8;
	[tilespmem:$0xA0A0] =	vst v63  }
0x2a: {  	s1 =	rddreg [dreg:$0x4]  }
0x2b: {  	[tilespmem:s18], [sflag:$0x2] =	stream.indirect.gather [hbm4b:s4+s9], $0x8, s31, s9, $0xb8;
	[tilespmem:$0xA0A0] =	vst v63  }
0x2c: {  	[dreg:$0xe] =	wrdreg s0  }
0x2d: {  	[tilespmem:s13], [sflag:$0x4] =	stream.linear.gather [hbm4b:s1+s3], $0x3E8, $0x38;
	[tilespmem:$0xA0A0] =	vst v63  }
0x2e: {  	s0 =	rddreg [dreg:$0x5]  }
0x2f: {  	[tilespmem:s11], [sflag:$0x5] =	stream.linear.gather [hbm4b:s0+s3], $0x3E8, $0x38;
	[tilespmem:$0xA0A0] =	vst v63  }
0x30: {  	_ =	swait.ge [sflag:s16], $0x3E8  }
0x31: {  	[sflag:s16] =	ssyncset.done $0x0  }
0x32: {  	[sflag:s16] =	ssyncadd.s32 $0xFFFFFC18  }
0x33: {  	_ =	swait.ge [sflag:s12], $0x1F40  }
0x34: {  	[sflag:s12] =	ssyncset.done $0x0  }
0x35: {  	[sflag:s12] =	ssyncadd.s32 $0xFFFFE0C0  }
0x36: {  	[tilespmem:s15], [sflag:$0x3] =	stream.indirect.gather [hbm4b:s4+s9], $0x8, s29, s9, $0xb8;
	[tilespmem:$0xA0A0] =	vst v63  }
0x37: {  	_ = 	snop  }
0x38: {  	[spmem:s2] =	stream.indirect.scatter.add.f32 [tilespmem:s10], [sflag:$0x6], $0x8, s13, s9, $0xb8;
	[tilespmem:$0xA0A0] =	vst v63  }
0x39: {  	_ =	swait.ge [sflag:s6], $0x1F40  }
0x3a: {  	[sflag:s6] =	ssyncset.done $0x0  }
0x3b: {  	s1 =	rddreg [dreg:$0x6];
	[sflag:s6] =	ssyncadd.s32 $0xFFFFE0C0  }
0x3c: {  	[tilespmem:s13], [sflag:$0x4] =	stream.linear.gather [hbm4b:s1+s3], $0x3E8, $0x38;
	[tilespmem:$0xA0A0] =	vst v63  }
0x3d: {  	_ =	swait.ge [sflag:s14], $0x3E8  }
0x3e: {  	[sflag:s14] =	ssyncset.done $0x0  }
0x3f: {  	[sflag:s14] =	ssyncadd.s32 $0xFFFFFC18  }
0x40: {  	_ =	swait.ge [sflag:s19], $0x1F40  }
0x41: {  	[sflag:s19] =	ssyncset.done $0x0  }
0x42: {  	[sflag:s19] =	ssyncadd.s32 $0xFFFFE0C0  }
0x43: {  	[tilespmem:s10], [sflag:$0x1] =	stream.indirect.gather [hbm4b:s4+s9], $0x8, s28, s9, $0xb8;
	[tilespmem:$0xA0A0] =	vst v63  }
0x44: {  	_ = 	snop  }
0x45: {  	[spmem:s2] =	stream.indirect.scatter.add.f32 [tilespmem:s18], [sflag:$0x6], $0x8, s11, s9, $0xb8;
	[tilespmem:$0xA0A0] =	vst v63  }
0x46: {  	_ =	swait.ge [sflag:s6], $0x1F40  }
0x47: {  	[sflag:s6] =	ssyncset.done $0x0  }
0x48: {  	s1 =	rddreg [dreg:$0x7];
	[sflag:s6] =	ssyncadd.s32 $0xFFFFE0C0  }
0x49: {  	[tilespmem:s11], [sflag:$0x5] =	stream.linear.gather [hbm4b:s1+s3], $0x3E8, $0x38;
	[tilespmem:$0xA0A0] =	vst v63  }
0x4a: {  	_ =	swait.ge [sflag:s16], $0x3E8  }
0x4b: {  	[sflag:s16] =	ssyncset.done $0x0  }
0x4c: {  	[sflag:s16] =	ssyncadd.s32 $0xFFFFFC18  }
0x4d: {  	_ =	swait.ge [sflag:s17], $0x1F40  }
0x4e: {  	[sflag:s17] =	ssyncset.done $0x0  }
0x4f: {  	[sflag:s17] =	ssyncadd.s32 $0xFFFFE0C0  }
0x50: {  	[tilespmem:s18], [sflag:$0x2] =	stream.indirect.gather [hbm4b:s4+s9], $0x8, s26, s9, $0xb8;
	[tilespmem:$0xA0A0] =	vst v63  }
0x51: {  	_ = 	snop  }
0x52: {  	[spmem:s2] =	stream.indirect.scatter.add.f32 [tilespmem:s15], [sflag:$0x6], $0x8, s13, s9, $0xb8;
	[tilespmem:$0xA0A0] =	vst v63  }
0x53: {  	_ =	swait.ge [sflag:s6], $0x1F40  }
0x54: {  	[sflag:s6] =	ssyncset.done $0x0  }
0x55: {  	s1 =	rddreg [dreg:$0x8];
	[sflag:s6] =	ssyncadd.s32 $0xFFFFE0C0  }
0x56: {  	[tilespmem:s13], [sflag:$0x4] =	stream.linear.gather [hbm4b:s1+s3], $0x3E8, $0x38;
	[tilespmem:$0xA0A0] =	vst v63  }
0x57: {  	_ =	swait.ge [sflag:s14], $0x3E8  }
0x58: {  	[sflag:s14] =	ssyncset.done $0x0  }
0x59: {  	[sflag:s14] =	ssyncadd.s32 $0xFFFFFC18  }
0x5a: {  	_ =	swait.ge [sflag:s12], $0x1F40  }
0x5b: {  	[sflag:s12] =	ssyncset.done $0x0  }
0x5c: {  	[sflag:s12] =	ssyncadd.s32 $0xFFFFE0C0  }
0x5d: {  	[tilespmem:s15], [sflag:$0x3] =	stream.indirect.gather [hbm4b:s4+s9], $0x8, s25, s9, $0xb8;
	[tilespmem:$0xA0A0] =	vst v63  }
0x5e: {  	_ = 	snop  }
0x5f: {  	[spmem:s2] =	stream.indirect.scatter.add.f32 [tilespmem:s10], [sflag:$0x6], $0x8, s11, s9, $0xb8;
	[tilespmem:$0xA0A0] =	vst v63  }
0x60: {  	_ =	swait.ge [sflag:s6], $0x1F40  }
0x61: {  	[sflag:s6] =	ssyncset.done $0x0  }
0x62: {  	s1 =	rddreg [dreg:$0x9];
	[sflag:s6] =	ssyncadd.s32 $0xFFFFE0C0  }
0x63: {  	[tilespmem:s11], [sflag:$0x5] =	stream.linear.gather [hbm4b:s1+s3], $0x3E8, $0x38;
	[tilespmem:$0xA0A0] =	vst v63  }
0x64: {  	_ =	swait.ge [sflag:s16], $0x3E8  }
0x65: {  	[sflag:s16] =	ssyncset.done $0x0  }
0x66: {  	[sflag:s16] =	ssyncadd.s32 $0xFFFFFC18  }
0x67: {  	_ =	swait.ge [sflag:s19], $0x1F40  }
0x68: {  	[sflag:s19] =	ssyncset.done $0x0  }
0x69: {  	[sflag:s19] =	ssyncadd.s32 $0xFFFFE0C0  }
0x6a: {  	[tilespmem:s10], [sflag:$0x1] =	stream.indirect.gather [hbm4b:s4+s9], $0x8, s23, s9, $0xb8;
	[tilespmem:$0xA0A0] =	vst v63  }
0x6b: {  	_ = 	snop  }
0x6c: {  	[spmem:s2] =	stream.indirect.scatter.add.f32 [tilespmem:s18], [sflag:$0x6], $0x8, s13, s9, $0xb8;
	[tilespmem:$0xA0A0] =	vst v63  }
0x6d: {  	_ =	swait.ge [sflag:s6], $0x1F40  }
0x6e: {  	[sflag:s6] =	ssyncset.done $0x0  }
0x6f: {  	s1 =	rddreg [dreg:$0xa];
	[sflag:s6] =	ssyncadd.s32 $0xFFFFE0C0  }
0x70: {  	[tilespmem:s13], [sflag:$0x4] =	stream.linear.gather [hbm4b:s1+s3], $0x3E8, $0x38;
	[tilespmem:$0xA0A0] =	vst v63  }
0x71: {  	_ =	swait.ge [sflag:s14], $0x3E8  }
0x72: {  	[sflag:s14] =	ssyncset.done $0x0  }
0x73: {  	[sflag:s14] =	ssyncadd.s32 $0xFFFFFC18  }
0x74: {  	_ =	swait.ge [sflag:s17], $0x1F40  }
0x75: {  	[sflag:s17] =	ssyncset.done $0x0  }
0x76: {  	[sflag:s17] =	ssyncadd.s32 $0xFFFFE0C0  }
0x77: {  	[tilespmem:s18], [sflag:$0x2] =	stream.indirect.gather [hbm4b:s4+s9], $0x8, s22, s9, $0xb8;
	[tilespmem:$0xA0A0] =	vst v63  }
0x78: {  	_ = 	snop  }
0x79: {  	[spmem:s2] =	stream.indirect.scatter.add.f32 [tilespmem:s15], [sflag:$0x6], $0x8, s11, s9, $0xb8;
	[tilespmem:$0xA0A0] =	vst v63  }
0x7a: {  	_ =	swait.ge [sflag:s6], $0x1F40  }
0x7b: {  	[sflag:s6] =	ssyncset.done $0x0  }
0x7c: {  	s1 =	rddreg [dreg:$0xb];
	[sflag:s6] =	ssyncadd.s32 $0xFFFFE0C0  }
0x7d: {  	[tilespmem:s11], [sflag:$0x5] =	stream.linear.gather [hbm4b:s1+s3], $0x3E8, $0x38;
	[tilespmem:$0xA0A0] =	vst v63  }
0x7e: {  	_ =	swait.ge [sflag:s16], $0x3E8  }
0x7f: {  	[sflag:s16] =	ssyncset.done $0x0  }
0x80: {  	[sflag:s16] =	ssyncadd.s32 $0xFFFFFC18  }
0x81: {  	_ =	swait.ge [sflag:s12], $0x1F40  }
0x82: {  	[sflag:s12] =	ssyncset.done $0x0  }
0x83: {  	[sflag:s12] =	ssyncadd.s32 $0xFFFFE0C0  }
0x84: {  	[tilespmem:s15], [sflag:$0x3] =	stream.indirect.gather [hbm4b:s4+s9], $0x8, s21, s9, $0xb8;
	[tilespmem:$0xA0A0] =	vst v63  }
0x85: {  	_ = 	snop  }
0x86: {  	[spmem:s2] =	stream.indirect.scatter.add.f32 [tilespmem:s10], [sflag:$0x6], $0x8, s13, s9, $0xb8;
	[tilespmem:$0xA0A0] =	vst v63  }
0x87: {  	_ =	swait.ge [sflag:s6], $0x1F40  }
0x88: {  	[sflag:s6] =	ssyncset.done $0x0  }
0x89: {  	s1 =	rddreg [dreg:$0xc];
	[sflag:s6] =	ssyncadd.s32 $0xFFFFE0C0  }
0x8a: {  	[tilespmem:s13], [sflag:$0x4] =	stream.linear.gather [hbm4b:s1+s3], $0x3E8, $0x38;
	[tilespmem:$0xA0A0] =	vst v63  }
0x8b: {  	_ =	swait.ge [sflag:s14], $0x3E8  }
0x8c: {  	[sflag:s14] =	ssyncset.done $0x0  }
0x8d: {  	[sflag:s14] =	ssyncadd.s32 $0xFFFFFC18  }
0x8e: {  	_ =	swait.ge [sflag:s19], $0x1F40  }
0x8f: {  	[sflag:s19] =	ssyncset.done $0x0  }
0x90: {  	[sflag:s19] =	ssyncadd.s32 $0xFFFFE0C0  }
0x91: {  	[tilespmem:s10], [sflag:$0x1] =	stream.indirect.gather [hbm4b:s4+s9], $0x8, s20, s9, $0xb8;
	[tilespmem:$0xA0A0] =	vst v63  }
0x92: {  	_ = 	snop  }
0x93: {  	[spmem:s2] =	stream.indirect.scatter.add.f32 [tilespmem:s18], [sflag:$0x6], $0x8, s11, s9, $0xb8;
	[tilespmem:$0xA0A0] =	vst v63  }
0x94: {  	_ =	swait.ge [sflag:s6], $0x1F40  }
0x95: {  	[sflag:s6] =	ssyncset.done $0x0  }
0x96: {  	s1 =	rddreg [dreg:$0xd];
	[sflag:s6] =	ssyncadd.s32 $0xFFFFE0C0  }
0x97: {  	[tilespmem:s11], [sflag:$0x5] =	stream.linear.gather [hbm4b:s1+s3], $0x3E8, $0x38;
	[tilespmem:$0xA0A0] =	vst v63  }
0x98: {  	_ =	swait.ge [sflag:s16], $0x3E8  }
0x99: {  	[sflag:s16] =	ssyncset.done $0x0  }
0x9a: {  	[sflag:s16] =	ssyncadd.s32 $0xFFFFFC18  }
0x9b: {  	_ =	swait.ge [sflag:s17], $0x1F40  }
0x9c: {  	[sflag:s17] =	ssyncset.done $0x0  }
0x9d: {  	[sflag:s17] =	ssyncadd.s32 $0xFFFFE0C0  }
0x9e: {  	[spmem:s2] =	stream.indirect.scatter.add.f32 [tilespmem:s15], [sflag:$0x6], $0x8, s13, s9, $0xb8;
	[tilespmem:$0xA0A0] =	vst v63  }
0x9f: {  	_ =	swait.ge [sflag:s6], $0x1F40  }
0xa0: {  	[sflag:s6] =	ssyncset.done $0x0  }
0xa1: {  	[sflag:s6] =	ssyncadd.s32 $0xFFFFE0C0  }
0xa2: {  	_ =	swait.ge [sflag:s14], $0x3E8  }
0xa3: {  	[sflag:s14] =	ssyncset.done $0x0  }
0xa4: {  	[sflag:s14] =	ssyncadd.s32 $0xFFFFFC18  }
0xa5: {  	_ =	swait.ge [sflag:s12], $0x1F40  }
0xa6: {  	[sflag:s12] =	ssyncset.done $0x0  }
0xa7: {  	[sflag:s12] =	ssyncadd.s32 $0xFFFFE0C0  }
0xa8: {  	[spmem:s2] =	stream.indirect.scatter.add.f32 [tilespmem:s10], [sflag:$0x6], $0x8, s11, s9, $0xb8;
	[tilespmem:$0xA0A0] =	vst v63  }
0xa9: {  	_ =	swait.ge [sflag:s6], $0x1F40  }
0xaa: {  	[sflag:s6] =	ssyncset.done $0x0  }
0xab: {  	[sflag:s6] =	ssyncadd.s32 $0xFFFFE0C0  }
0xac: {  	[bflag:$0x0] =	sbarrier.arrive $0xFFFF  }
0xad: {  	[hbm:s7], [sflag:s5] =	dma.local [spmem:s8], $0x280  }
0xae: {  	s1 =	rddreg [dreg:$0xe]  }
0xaf: {  	p1 =	sne.s32 s1, $0x1  }
.Ltmp1:
0xb0: {  	_ = 	snop;
	(pc) =	sbr.rel @!p1 .LBB2_3-.Ltmp1, $3  }
0xb1: {  	_ =	sdelay $0x1  }
0xb2: {  	p0 =	por $0x1, $0x1;
	_ =	swait.ge [sflag:s6], $0x280  }
0xb3: {  	s0 =	sadd.s32 $0xFFFFFFFF, s1;
	s1 =	rddreg [dreg:$0x3];
	[sflag:s6] =	ssyncset.done $0x0  }
.LBB2_2:
0xb4: {  	[sflag:s6] =	ssyncadd.s32 $0xFFFFFD80  }
0xb5: {  	[spmem:s8], [sflag:s5] =	dma.local [hbm:s1], $0x280  }
0xb6: {  	_ =	swait.ge [sflag:s6], $0x280  }
0xb7: {  	[sflag:s6] =	ssyncset.done $0x0  }
0xb8: {  	[sflag:s6] =	ssyncadd.s32 $0xFFFFFD80  }
0xb9: {  	[tilespmem:s30], [sflag:$0x6] =	stream.linear.gather [hbm4b:s24+s3], $0x2710, $0x38;
	[tilespmem:$0xA0A0] =	vst v63  }
0xba: {  	_ =	swait.ge [sflag:s6], $0x2710  }
0xbb: {  	[sflag:s6] =	ssyncset.done $0x0  }
0xbc: {  	[sflag:s6] =	ssyncadd.s32 $0xFFFFD8F0  }
0xbd: {  	[bflag:$0x0] =	sbarrier.arrive $0xFFFF  }
0xbe: {  	[tilespmem:s10], [sflag:$0x1] =	stream.indirect.gather [hbm4b:s4+s9], $0x8, s30, s9, $0xb8;
	[tilespmem:$0xA0A0] =	vst v63  }
0xbf: {  	_ = 	snop  }
0xc0: {  	[tilespmem:s18], [sflag:$0x2] =	stream.indirect.gather [hbm4b:s4+s9], $0x8, s31, s9, $0xb8;
	[tilespmem:$0xA0A0] =	vst v63  }
0xc1: {  	s1 =	rddreg [dreg:$0x4]  }
0xc2: {  	[tilespmem:s13], [sflag:$0x4] =	stream.linear.gather [hbm4b:s1+s3], $0x3E8, $0x38;
	[tilespmem:$0xA0A0] =	vst v63  }
0xc3: {  	s20 =	rddreg [dreg:$0x5]  }
0xc4: {  	[tilespmem:s11], [sflag:$0x5] =	stream.linear.gather [hbm4b:s20+s3], $0x3E8, $0x38;
	[tilespmem:$0xA0A0] =	vst v63  }
0xc5: {  	_ =	swait.ge [sflag:s16], $0x3E8  }
0xc6: {  	[sflag:s16] =	ssyncset.done $0x0  }
0xc7: {  	[sflag:s16] =	ssyncadd.s32 $0xFFFFFC18  }
0xc8: {  	_ =	swait.ge [sflag:s12], $0x1F40  }
0xc9: {  	[sflag:s12] =	ssyncset.done $0x0  }
0xca: {  	[sflag:s12] =	ssyncadd.s32 $0xFFFFE0C0  }
0xcb: {  	[tilespmem:s15], [sflag:$0x3] =	stream.indirect.gather [hbm4b:s4+s9], $0x8, s29, s9, $0xb8;
	[tilespmem:$0xA0A0] =	vst v63  }
0xcc: {  	_ = 	snop  }
0xcd: {  	[spmem:s2] =	stream.indirect.scatter.add.f32 [tilespmem:s10], [sflag:$0x6], $0x8, s13, s9, $0xb8;
	[tilespmem:$0xA0A0] =	vst v63  }
0xce: {  	_ =	swait.ge [sflag:s6], $0x1F40  }
0xcf: {  	[sflag:s6] =	ssyncset.done $0x0  }
0xd0: {  	s1 =	rddreg [dreg:$0x6];
	[sflag:s6] =	ssyncadd.s32 $0xFFFFE0C0  }
0xd1: {  	[tilespmem:s13], [sflag:$0x4] =	stream.linear.gather [hbm4b:s1+s3], $0x3E8, $0x38;
	[tilespmem:$0xA0A0] =	vst v63  }
0xd2: {  	_ =	swait.ge [sflag:s14], $0x3E8  }
0xd3: {  	[sflag:s14] =	ssyncset.done $0x0  }
0xd4: {  	[sflag:s14] =	ssyncadd.s32 $0xFFFFFC18  }
0xd5: {  	_ =	swait.ge [sflag:s19], $0x1F40  }
0xd6: {  	[sflag:s19] =	ssyncset.done $0x0  }
0xd7: {  	[sflag:s19] =	ssyncadd.s32 $0xFFFFE0C0  }
0xd8: {  	[tilespmem:s10], [sflag:$0x1] =	stream.indirect.gather [hbm4b:s4+s9], $0x8, s28, s9, $0xb8;
	[tilespmem:$0xA0A0] =	vst v63  }
0xd9: {  	_ = 	snop  }
0xda: {  	[spmem:s2] =	stream.indirect.scatter.add.f32 [tilespmem:s18], [sflag:$0x6], $0x8, s11, s9, $0xb8;
	[tilespmem:$0xA0A0] =	vst v63  }
0xdb: {  	_ =	swait.ge [sflag:s6], $0x1F40  }
0xdc: {  	[sflag:s6] =	ssyncset.done $0x0  }
0xdd: {  	s1 =	rddreg [dreg:$0x7];
	[sflag:s6] =	ssyncadd.s32 $0xFFFFE0C0  }
0xde: {  	[tilespmem:s11], [sflag:$0x5] =	stream.linear.gather [hbm4b:s1+s3], $0x3E8, $0x38;
	[tilespmem:$0xA0A0] =	vst v63  }
0xdf: {  	_ =	swait.ge [sflag:s16], $0x3E8  }
0xe0: {  	[sflag:s16] =	ssyncset.done $0x0  }
0xe1: {  	[sflag:s16] =	ssyncadd.s32 $0xFFFFFC18  }
0xe2: {  	_ =	swait.ge [sflag:s17], $0x1F40  }
0xe3: {  	[sflag:s17] =	ssyncset.done $0x0  }
0xe4: {  	[sflag:s17] =	ssyncadd.s32 $0xFFFFE0C0  }
0xe5: {  	[tilespmem:s18], [sflag:$0x2] =	stream.indirect.gather [hbm4b:s4+s9], $0x8, s26, s9, $0xb8;
	[tilespmem:$0xA0A0] =	vst v63  }
0xe6: {  	_ = 	snop  }
0xe7: {  	[spmem:s2] =	stream.indirect.scatter.add.f32 [tilespmem:s15], [sflag:$0x6], $0x8, s13, s9, $0xb8;
	[tilespmem:$0xA0A0] =	vst v63  }
0xe8: {  	_ =	swait.ge [sflag:s6], $0x1F40  }
0xe9: {  	[sflag:s6] =	ssyncset.done $0x0  }
0xea: {  	s1 =	rddreg [dreg:$0x8];
	[sflag:s6] =	ssyncadd.s32 $0xFFFFE0C0  }
0xeb: {  	[tilespmem:s13], [sflag:$0x4] =	stream.linear.gather [hbm4b:s1+s3], $0x3E8, $0x38;
	[tilespmem:$0xA0A0] =	vst v63  }
0xec: {  	_ =	swait.ge [sflag:s14], $0x3E8  }
0xed: {  	[sflag:s14] =	ssyncset.done $0x0  }
0xee: {  	[sflag:s14] =	ssyncadd.s32 $0xFFFFFC18  }
0xef: {  	_ =	swait.ge [sflag:s12], $0x1F40  }
0xf0: {  	[sflag:s12] =	ssyncset.done $0x0  }
0xf1: {  	[sflag:s12] =	ssyncadd.s32 $0xFFFFE0C0  }
0xf2: {  	[tilespmem:s15], [sflag:$0x3] =	stream.indirect.gather [hbm4b:s4+s9], $0x8, s25, s9, $0xb8;
	[tilespmem:$0xA0A0] =	vst v63  }
0xf3: {  	_ = 	snop  }
0xf4: {  	[spmem:s2] =	stream.indirect.scatter.add.f32 [tilespmem:s10], [sflag:$0x6], $0x8, s11, s9, $0xb8;
	[tilespmem:$0xA0A0] =	vst v63  }
0xf5: {  	_ =	swait.ge [sflag:s6], $0x1F40  }
0xf6: {  	[sflag:s6] =	ssyncset.done $0x0  }
0xf7: {  	s1 =	rddreg [dreg:$0x9];
	[sflag:s6] =	ssyncadd.s32 $0xFFFFE0C0  }
0xf8: {  	[tilespmem:s11], [sflag:$0x5] =	stream.linear.gather [hbm4b:s1+s3], $0x3E8, $0x38;
	[tilespmem:$0xA0A0] =	vst v63  }
0xf9: {  	_ =	swait.ge [sflag:s16], $0x3E8  }
0xfa: {  	[sflag:s16] =	ssyncset.done $0x0  }
0xfb: {  	[sflag:s16] =	ssyncadd.s32 $0xFFFFFC18  }
0xfc: {  	_ =	swait.ge [sflag:s19], $0x1F40  }
0xfd: {  	[sflag:s19] =	ssyncset.done $0x0  }
0xfe: {  	[sflag:s19] =	ssyncadd.s32 $0xFFFFE0C0  }
0xff: {  	[tilespmem:s10], [sflag:$0x1] =	stream.indirect.gather [hbm4b:s4+s9], $0x8, s23, s9, $0xb8;
	[tilespmem:$0xA0A0] =	vst v63  }
0x100: {  	_ = 	snop  }
0x101: {  	[spmem:s2] =	stream.indirect.scatter.add.f32 [tilespmem:s18], [sflag:$0x6], $0x8, s13, s9, $0xb8;
	[tilespmem:$0xA0A0] =	vst v63  }
0x102: {  	_ =	swait.ge [sflag:s6], $0x1F40  }
0x103: {  	[sflag:s6] =	ssyncset.done $0x0  }
0x104: {  	s1 =	rddreg [dreg:$0xa];
	[sflag:s6] =	ssyncadd.s32 $0xFFFFE0C0  }
0x105: {  	[tilespmem:s13], [sflag:$0x4] =	stream.linear.gather [hbm4b:s1+s3], $0x3E8, $0x38;
	[tilespmem:$0xA0A0] =	vst v63  }
0x106: {  	_ =	swait.ge [sflag:s14], $0x3E8  }
0x107: {  	[sflag:s14] =	ssyncset.done $0x0  }
0x108: {  	[sflag:s14] =	ssyncadd.s32 $0xFFFFFC18  }
0x109: {  	_ =	swait.ge [sflag:s17], $0x1F40  }
0x10a: {  	[sflag:s17] =	ssyncset.done $0x0  }
0x10b: {  	[sflag:s17] =	ssyncadd.s32 $0xFFFFE0C0  }
0x10c: {  	[tilespmem:s18], [sflag:$0x2] =	stream.indirect.gather [hbm4b:s4+s9], $0x8, s22, s9, $0xb8;
	[tilespmem:$0xA0A0] =	vst v63  }
0x10d: {  	_ = 	snop  }
0x10e: {  	[spmem:s2] =	stream.indirect.scatter.add.f32 [tilespmem:s15], [sflag:$0x6], $0x8, s11, s9, $0xb8;
	[tilespmem:$0xA0A0] =	vst v63  }
0x10f: {  	_ =	swait.ge [sflag:s6], $0x1F40  }
0x110: {  	[sflag:s6] =	ssyncset.done $0x0  }
0x111: {  	s1 =	rddreg [dreg:$0xb];
	[sflag:s6] =	ssyncadd.s32 $0xFFFFE0C0  }
0x112: {  	[tilespmem:s11], [sflag:$0x5] =	stream.linear.gather [hbm4b:s1+s3], $0x3E8, $0x38;
	[tilespmem:$0xA0A0] =	vst v63  }
0x113: {  	_ =	swait.ge [sflag:s16], $0x3E8  }
0x114: {  	[sflag:s16] =	ssyncset.done $0x0  }
0x115: {  	[sflag:s16] =	ssyncadd.s32 $0xFFFFFC18  }
0x116: {  	_ =	swait.ge [sflag:s12], $0x1F40  }
0x117: {  	[sflag:s12] =	ssyncset.done $0x0  }
0x118: {  	[sflag:s12] =	ssyncadd.s32 $0xFFFFE0C0  }
0x119: {  	[tilespmem:s15], [sflag:$0x3] =	stream.indirect.gather [hbm4b:s4+s9], $0x8, s21, s9, $0xb8;
	[tilespmem:$0xA0A0] =	vst v63  }
0x11a: {  	_ = 	snop  }
0x11b: {  	[spmem:s2] =	stream.indirect.scatter.add.f32 [tilespmem:s10], [sflag:$0x6], $0x8, s13, s9, $0xb8;
	[tilespmem:$0xA0A0] =	vst v63  }
0x11c: {  	_ =	swait.ge [sflag:s6], $0x1F40  }
0x11d: {  	[sflag:s6] =	ssyncset.done $0x0  }
0x11e: {  	s1 =	rddreg [dreg:$0xc];
	[sflag:s6] =	ssyncadd.s32 $0xFFFFE0C0  }
0x11f: {  	[tilespmem:s13], [sflag:$0x4] =	stream.linear.gather [hbm4b:s1+s3], $0x3E8, $0x38;
	[tilespmem:$0xA0A0] =	vst v63  }
0x120: {  	_ =	swait.ge [sflag:s14], $0x3E8  }
0x121: {  	[sflag:s14] =	ssyncset.done $0x0  }
0x122: {  	[sflag:s14] =	ssyncadd.s32 $0xFFFFFC18  }
0x123: {  	_ =	swait.ge [sflag:s19], $0x1F40  }
0x124: {  	[sflag:s19] =	ssyncset.done $0x0  }
0x125: {  	s20 =	simm.s32 $0x3728;
	[sflag:s19] =	ssyncadd.s32 $0xFFFFE0C0  }
0x126: {  	[tilespmem:s10], [sflag:$0x1] =	stream.indirect.gather [hbm4b:s4+s9], $0x8, s20, s9, $0xb8;
	[tilespmem:$0xA0A0] =	vst v63  }
0x127: {  	_ = 	snop  }
0x128: {  	[spmem:s2] =	stream.indirect.scatter.add.f32 [tilespmem:s18], [sflag:$0x6], $0x8, s11, s9, $0xb8;
	[tilespmem:$0xA0A0] =	vst v63  }
0x129: {  	_ =	swait.ge [sflag:s6], $0x1F40  }
0x12a: {  	[sflag:s6] =	ssyncset.done $0x0  }
0x12b: {  	s1 =	rddreg [dreg:$0xd];
	[sflag:s6] =	ssyncadd.s32 $0xFFFFE0C0  }
0x12c: {  	[tilespmem:s11], [sflag:$0x5] =	stream.linear.gather [hbm4b:s1+s3], $0x3E8, $0x38;
	[tilespmem:$0xA0A0] =	vst v63  }
0x12d: {  	_ =	swait.ge [sflag:s16], $0x3E8  }
0x12e: {  	[sflag:s16] =	ssyncset.done $0x0  }
0x12f: {  	[sflag:s16] =	ssyncadd.s32 $0xFFFFFC18  }
0x130: {  	_ =	swait.ge [sflag:s17], $0x1F40  }
0x131: {  	[sflag:s17] =	ssyncset.done $0x0  }
0x132: {  	[sflag:s17] =	ssyncadd.s32 $0xFFFFE0C0  }
0x133: {  	[spmem:s2] =	stream.indirect.scatter.add.f32 [tilespmem:s15], [sflag:$0x6], $0x8, s13, s9, $0xb8;
	[tilespmem:$0xA0A0] =	vst v63  }
0x134: {  	_ =	swait.ge [sflag:s6], $0x1F40  }
0x135: {  	[sflag:s6] =	ssyncset.done $0x0  }
0x136: {  	[sflag:s6] =	ssyncadd.s32 $0xFFFFE0C0  }
0x137: {  	_ =	swait.ge [sflag:s14], $0x3E8  }
0x138: {  	[sflag:s14] =	ssyncset.done $0x0  }
0x139: {  	[sflag:s14] =	ssyncadd.s32 $0xFFFFFC18  }
0x13a: {  	_ =	swait.ge [sflag:s12], $0x1F40  }
0x13b: {  	[sflag:s12] =	ssyncset.done $0x0  }
0x13c: {  	[sflag:s12] =	ssyncadd.s32 $0xFFFFE0C0  }
0x13d: {  	[spmem:s2] =	stream.indirect.scatter.add.f32 [tilespmem:s10], [sflag:$0x6], $0x8, s11, s9, $0xb8;
	[tilespmem:$0xA0A0] =	vst v63  }
0x13e: {  	_ =	swait.ge [sflag:s6], $0x1F40  }
0x13f: {  	p1 =	sne.s32 s0, $0x1;
	[sflag:s6] =	ssyncset.done $0x0  }
.Ltmp2:
0x140: {  	[sflag:s6] =	ssyncadd.s32 $0xFFFFE0C0;
	(pc) =	sbr.rel @p1 .LBB2_2-.Ltmp2, $4  }
0x141: {  	[bflag:$0x0] =	sbarrier.arrive $0xFFFF  }
0x142: {  	[hbm:s7], [sflag:s5] =	dma.local [spmem:s8], $0x280  }
0x143: {  	_ =	swait.ge [sflag:s6], $0x280  }
0x144: {  	s0 =	sadd.s32 $0xFFFFFFFF, s0;
	s1 =	rddreg [dreg:$0x3];
	[sflag:s6] =	ssyncset.done $0x0  }
.LBB2_3:
0x145: {  	[sflag:s6] =	ssyncadd.s32 @p0 $0xFFFFFD80  }
0x146: {  	[spmem:s8], [sflag:s5] =	dma.local [hbm:s1], $0x280  }
0x147: {  	_ =	swait.ge [sflag:s6], $0x280  }
0x148: {  	[sflag:s6] =	ssyncset.done $0x0  }
0x149: {  	[sflag:s6] =	ssyncadd.s32 $0xFFFFFD80  }
0x14a: {  	[tilespmem:s30], [sflag:$0x6] =	stream.linear.gather [hbm4b:s24+s3], $0x2710, $0x38;
	[tilespmem:$0xA0A0] =	vst v63  }
0x14b: {  	_ =	swait.ge [sflag:s6], $0x2710  }
0x14c: {  	[sflag:s6] =	ssyncset.done $0x0  }
0x14d: {  	[sflag:s6] =	ssyncadd.s32 $0xFFFFD8F0  }
0x14e: {  	[bflag:$0x0] =	sbarrier.arrive $0xFFFF  }
0x14f: {  	[tilespmem:s10], [sflag:$0x1] =	stream.indirect.gather [hbm4b:s4+s9], $0x8, s30, s9, $0xb8;
	[tilespmem:$0xA0A0] =	vst v63  }
0x150: {  	_ = 	snop  }
0x151: {  	[tilespmem:s18], [sflag:$0x2] =	stream.indirect.gather [hbm4b:s4+s9], $0x8, s31, s9, $0xb8;
	[tilespmem:$0xA0A0] =	vst v63  }
0x152: {  	s0 =	rddreg [dreg:$0x4]  }
0x153: {  	[tilespmem:s13], [sflag:$0x4] =	stream.linear.gather [hbm4b:s0+s3], $0x3E8, $0x38;
	[tilespmem:$0xA0A0] =	vst v63  }
0x154: {  	s30 =	rddreg [dreg:$0x5]  }
0x155: {  	[tilespmem:s11], [sflag:$0x5] =	stream.linear.gather [hbm4b:s30+s3], $0x3E8, $0x38;
	[tilespmem:$0xA0A0] =	vst v63  }
0x156: {  	_ =	swait.ge [sflag:s16], $0x3E8  }
0x157: {  	[sflag:s16] =	ssyncset.done $0x0  }
0x158: {  	[sflag:s16] =	ssyncadd.s32 $0xFFFFFC18  }
0x159: {  	_ =	swait.ge [sflag:s12], $0x1F40  }
0x15a: {  	[sflag:s12] =	ssyncset.done $0x0  }
0x15b: {  	[sflag:s12] =	ssyncadd.s32 $0xFFFFE0C0  }
0x15c: {  	[tilespmem:s15], [sflag:$0x3] =	stream.indirect.gather [hbm4b:s4+s9], $0x8, s29, s9, $0xb8;
	[tilespmem:$0xA0A0] =	vst v63  }
0x15d: {  	_ = 	snop  }
0x15e: {  	[spmem:s2] =	stream.indirect.scatter.add.f32 [tilespmem:s10], [sflag:$0x6], $0x8, s13, s9, $0xb8;
	[tilespmem:$0xA0A0] =	vst v63  }
0x15f: {  	_ =	swait.ge [sflag:s6], $0x1F40  }
0x160: {  	[sflag:s6] =	ssyncset.done $0x0  }
0x161: {  	s31 =	rddreg [dreg:$0x6];
	[sflag:s6] =	ssyncadd.s32 $0xFFFFE0C0  }
0x162: {  	[tilespmem:s13], [sflag:$0x4] =	stream.linear.gather [hbm4b:s31+s3], $0x3E8, $0x38;
	[tilespmem:$0xA0A0] =	vst v63  }
0x163: {  	_ =	swait.ge [sflag:s14], $0x3E8  }
0x164: {  	[sflag:s14] =	ssyncset.done $0x0  }
0x165: {  	[sflag:s14] =	ssyncadd.s32 $0xFFFFFC18  }
0x166: {  	_ =	swait.ge [sflag:s19], $0x1F40  }
0x167: {  	[sflag:s19] =	ssyncset.done $0x0  }
0x168: {  	[sflag:s19] =	ssyncadd.s32 $0xFFFFE0C0  }
0x169: {  	[tilespmem:s10], [sflag:$0x1] =	stream.indirect.gather [hbm4b:s4+s9], $0x8, s28, s9, $0xb8;
	[tilespmem:$0xA0A0] =	vst v63  }
0x16a: {  	_ = 	snop  }
0x16b: {  	[spmem:s2] =	stream.indirect.scatter.add.f32 [tilespmem:s18], [sflag:$0x6], $0x8, s11, s9, $0xb8;
	[tilespmem:$0xA0A0] =	vst v63  }
0x16c: {  	_ =	swait.ge [sflag:s6], $0x1F40  }
0x16d: {  	[sflag:s6] =	ssyncset.done $0x0  }
0x16e: {  	s1 =	rddreg [dreg:$0x7];
	[sflag:s6] =	ssyncadd.s32 $0xFFFFE0C0  }
0x16f: {  	[tilespmem:s11], [sflag:$0x5] =	stream.linear.gather [hbm4b:s1+s3], $0x3E8, $0x38;
	[tilespmem:$0xA0A0] =	vst v63  }
0x170: {  	_ =	swait.ge [sflag:s16], $0x3E8  }
0x171: {  	[sflag:s16] =	ssyncset.done $0x0  }
0x172: {  	[sflag:s16] =	ssyncadd.s32 $0xFFFFFC18  }
0x173: {  	_ =	swait.ge [sflag:s17], $0x1F40  }
0x174: {  	[sflag:s17] =	ssyncset.done $0x0  }
0x175: {  	[sflag:s17] =	ssyncadd.s32 $0xFFFFE0C0  }
0x176: {  	[tilespmem:s18], [sflag:$0x2] =	stream.indirect.gather [hbm4b:s4+s9], $0x8, s26, s9, $0xb8;
	[tilespmem:$0xA0A0] =	vst v63  }
0x177: {  	_ = 	snop  }
0x178: {  	[spmem:s2] =	stream.indirect.scatter.add.f32 [tilespmem:s15], [sflag:$0x6], $0x8, s13, s9, $0xb8;
	[tilespmem:$0xA0A0] =	vst v63  }
0x179: {  	_ =	swait.ge [sflag:s6], $0x1F40  }
0x17a: {  	[sflag:s6] =	ssyncset.done $0x0  }
0x17b: {  	s24 =	rddreg [dreg:$0x8];
	[sflag:s6] =	ssyncadd.s32 $0xFFFFE0C0  }
0x17c: {  	[tilespmem:s13], [sflag:$0x4] =	stream.linear.gather [hbm4b:s24+s3], $0x3E8, $0x38;
	[tilespmem:$0xA0A0] =	vst v63  }
0x17d: {  	_ =	swait.ge [sflag:s14], $0x3E8  }
0x17e: {  	[sflag:s14] =	ssyncset.done $0x0  }
0x17f: {  	[sflag:s14] =	ssyncadd.s32 $0xFFFFFC18  }
0x180: {  	_ =	swait.ge [sflag:s12], $0x1F40  }
0x181: {  	[sflag:s12] =	ssyncset.done $0x0  }
0x182: {  	[sflag:s12] =	ssyncadd.s32 $0xFFFFE0C0  }
0x183: {  	[tilespmem:s15], [sflag:$0x3] =	stream.indirect.gather [hbm4b:s4+s9], $0x8, s25, s9, $0xb8;
	[tilespmem:$0xA0A0] =	vst v63  }
0x184: {  	_ = 	snop  }
0x185: {  	[spmem:s2] =	stream.indirect.scatter.add.f32 [tilespmem:s10], [sflag:$0x6], $0x8, s11, s9, $0xb8;
	[tilespmem:$0xA0A0] =	vst v63  }
0x186: {  	_ =	swait.ge [sflag:s6], $0x1F40  }
0x187: {  	[sflag:s6] =	ssyncset.done $0x0  }
0x188: {  	s25 =	rddreg [dreg:$0x9];
	[sflag:s6] =	ssyncadd.s32 $0xFFFFE0C0  }
0x189: {  	[tilespmem:s11], [sflag:$0x5] =	stream.linear.gather [hbm4b:s25+s3], $0x3E8, $0x38;
	[tilespmem:$0xA0A0] =	vst v63  }
0x18a: {  	_ =	swait.ge [sflag:s16], $0x3E8  }
0x18b: {  	[sflag:s16] =	ssyncset.done $0x0  }
0x18c: {  	[sflag:s16] =	ssyncadd.s32 $0xFFFFFC18  }
0x18d: {  	_ =	swait.ge [sflag:s19], $0x1F40  }
0x18e: {  	[sflag:s19] =	ssyncset.done $0x0  }
0x18f: {  	[sflag:s19] =	ssyncadd.s32 $0xFFFFE0C0  }
0x190: {  	[tilespmem:s10], [sflag:$0x1] =	stream.indirect.gather [hbm4b:s4+s9], $0x8, s23, s9, $0xb8;
	[tilespmem:$0xA0A0] =	vst v63  }
0x191: {  	_ = 	snop  }
0x192: {  	[spmem:s2] =	stream.indirect.scatter.add.f32 [tilespmem:s18], [sflag:$0x6], $0x8, s13, s9, $0xb8;
	[tilespmem:$0xA0A0] =	vst v63  }
0x193: {  	_ =	swait.ge [sflag:s6], $0x1F40  }
0x194: {  	[sflag:s6] =	ssyncset.done $0x0  }
0x195: {  	s26 =	rddreg [dreg:$0xa];
	[sflag:s6] =	ssyncadd.s32 $0xFFFFE0C0  }
0x196: {  	[tilespmem:s13], [sflag:$0x4] =	stream.linear.gather [hbm4b:s26+s3], $0x3E8, $0x38;
	[tilespmem:$0xA0A0] =	vst v63  }
0x197: {  	_ =	swait.ge [sflag:s14], $0x3E8  }
0x198: {  	[sflag:s14] =	ssyncset.done $0x0  }
0x199: {  	[sflag:s14] =	ssyncadd.s32 $0xFFFFFC18  }
0x19a: {  	_ =	swait.ge [sflag:s17], $0x1F40  }
0x19b: {  	[sflag:s17] =	ssyncset.done $0x0  }
0x19c: {  	[sflag:s17] =	ssyncadd.s32 $0xFFFFE0C0  }
0x19d: {  	[tilespmem:s18], [sflag:$0x2] =	stream.indirect.gather [hbm4b:s4+s9], $0x8, s22, s9, $0xb8;
	[tilespmem:$0xA0A0] =	vst v63  }
0x19e: {  	_ = 	snop  }
0x19f: {  	[spmem:s2] =	stream.indirect.scatter.add.f32 [tilespmem:s15], [sflag:$0x6], $0x8, s11, s9, $0xb8;
	[tilespmem:$0xA0A0] =	vst v63  }
0x1a0: {  	_ =	swait.ge [sflag:s6], $0x1F40  }
0x1a1: {  	[sflag:s6] =	ssyncset.done $0x0  }
0x1a2: {  	s28 =	rddreg [dreg:$0xb];
	[sflag:s6] =	ssyncadd.s32 $0xFFFFE0C0  }
0x1a3: {  	[tilespmem:s11], [sflag:$0x5] =	stream.linear.gather [hbm4b:s28+s3], $0x3E8, $0x38;
	[tilespmem:$0xA0A0] =	vst v63  }
0x1a4: {  	_ =	swait.ge [sflag:s16], $0x3E8  }
0x1a5: {  	[sflag:s16] =	ssyncset.done $0x0  }
0x1a6: {  	[sflag:s16] =	ssyncadd.s32 $0xFFFFFC18  }
0x1a7: {  	_ =	swait.ge [sflag:s12], $0x1F40  }
0x1a8: {  	[sflag:s12] =	ssyncset.done $0x0  }
0x1a9: {  	[sflag:s12] =	ssyncadd.s32 $0xFFFFE0C0  }
0x1aa: {  	[tilespmem:s15], [sflag:$0x3] =	stream.indirect.gather [hbm4b:s4+s9], $0x8, s21, s9, $0xb8;
	[tilespmem:$0xA0A0] =	vst v63  }
0x1ab: {  	_ = 	snop  }
0x1ac: {  	[spmem:s2] =	stream.indirect.scatter.add.f32 [tilespmem:s10], [sflag:$0x6], $0x8, s13, s9, $0xb8;
	[tilespmem:$0xA0A0] =	vst v63  }
0x1ad: {  	_ =	swait.ge [sflag:s6], $0x1F40  }
0x1ae: {  	[sflag:s6] =	ssyncset.done $0x0  }
0x1af: {  	s29 =	rddreg [dreg:$0xc];
	[sflag:s6] =	ssyncadd.s32 $0xFFFFE0C0  }
0x1b0: {  	[tilespmem:s13], [sflag:$0x4] =	stream.linear.gather [hbm4b:s29+s3], $0x3E8, $0x38;
	[tilespmem:$0xA0A0] =	vst v63  }
0x1b1: {  	_ =	swait.ge [sflag:s14], $0x3E8  }
0x1b2: {  	[sflag:s14] =	ssyncset.done $0x0  }
0x1b3: {  	[sflag:s14] =	ssyncadd.s32 $0xFFFFFC18  }
0x1b4: {  	_ =	swait.ge [sflag:s19], $0x1F40  }
0x1b5: {  	[sflag:s19] =	ssyncset.done $0x0  }
0x1b6: {  	[sflag:s19] =	ssyncadd.s32 $0xFFFFE0C0  }
0x1b7: {  	[tilespmem:s10], [sflag:$0x1] =	stream.indirect.gather [hbm4b:s4+s9], $0x8, s20, s9, $0xb8;
	[tilespmem:$0xA0A0] =	vst v63  }
0x1b8: {  	_ = 	snop  }
0x1b9: {  	[spmem:s2] =	stream.indirect.scatter.add.f32 [tilespmem:s18], [sflag:$0x6], $0x8, s11, s9, $0xb8;
	[tilespmem:$0xA0A0] =	vst v63  }
0x1ba: {  	_ =	swait.ge [sflag:s6], $0x1F40  }
0x1bb: {  	[sflag:s6] =	ssyncset.done $0x0  }
0x1bc: {  	s30 =	rddreg [dreg:$0xd];
	[sflag:s6] =	ssyncadd.s32 $0xFFFFE0C0  }
0x1bd: {  	[tilespmem:s11], [sflag:$0x5] =	stream.linear.gather [hbm4b:s30+s3], $0x3E8, $0x38;
	[tilespmem:$0xA0A0] =	vst v63  }
0x1be: {  	_ =	swait.ge [sflag:s16], $0x3E8  }
0x1bf: {  	[sflag:s16] =	ssyncset.done $0x0  }
0x1c0: {  	[sflag:s16] =	ssyncadd.s32 $0xFFFFFC18  }
0x1c1: {  	_ =	swait.ge [sflag:s17], $0x1F40  }
0x1c2: {  	[sflag:s17] =	ssyncset.done $0x0  }
0x1c3: {  	[sflag:s17] =	ssyncadd.s32 $0xFFFFE0C0  }
0x1c4: {  	[spmem:s2] =	stream.indirect.scatter.add.f32 [tilespmem:s15], [sflag:$0x6], $0x8, s13, s9, $0xb8;
	[tilespmem:$0xA0A0] =	vst v63  }
0x1c5: {  	_ =	swait.ge [sflag:s6], $0x1F40  }
0x1c6: {  	[sflag:s6] =	ssyncset.done $0x0  }
0x1c7: {  	[sflag:s6] =	ssyncadd.s32 $0xFFFFE0C0  }
0x1c8: {  	_ =	swait.ge [sflag:s14], $0x3E8  }
0x1c9: {  	[sflag:s14] =	ssyncset.done $0x0  }
0x1ca: {  	[sflag:s14] =	ssyncadd.s32 $0xFFFFFC18  }
0x1cb: {  	_ =	swait.ge [sflag:s12], $0x1F40  }
0x1cc: {  	[sflag:s12] =	ssyncset.done $0x0  }
0x1cd: {  	[sflag:s12] =	ssyncadd.s32 $0xFFFFE0C0  }
0x1ce: {  	[spmem:s2] =	stream.indirect.scatter.add.f32 [tilespmem:s10], [sflag:$0x6], $0x8, s11, s9, $0xb8;
	[tilespmem:$0xA0A0] =	vst v63  }
0x1cf: {  	_ =	swait.ge [sflag:s6], $0x1F40  }
0x1d0: {  	[sflag:s6] =	ssyncset.done $0x0  }
0x1d1: {  	[sflag:s6] =	ssyncadd.s32 $0xFFFFE0C0  }
0x1d2: {  	[bflag:$0x0] =	sbarrier.arrive $0xFFFF  }
0x1d3: {  	[hbm:s7], [sflag:s5] =	dma.local [spmem:s8], $0x280  }
0x1d4: {  	_ =	swait.ge [sflag:s6], $0x280  }
0x1d5: {  	[sflag:s6] =	ssyncset.done $0x0  }
0x1d6: {  	[sflag:s6] =	ssyncadd.s32 $0xFFFFFD80  }
0x1d7: {  	_ =	sfence.sel $0x180000  }
0x1d8: {  	[bflag:$0x0] =	sbarrier.arrive $0xFFFF  }
0x1d9: {  	_ =	strace $0x9000004D  }
0x1da: {  	s31 =	stileid.u32;
	[bflag:$0x2] =	sbarrier.arrive $0xFFFF  }
0x1db: {  	p0 =	sne.s32 s31, $0x0;
	s0 =	rddreg [dreg:$0x2]  }
0x1dc: {  	s0 =	sadd.s32 @!p0 $0x100000, s0  }
0x1dd: {  	[sflag:s0] =	ssyncadd.tile.s32 @!p0 $0x1;
	_ =	shalt  }
.Lfunc_end2:
_tile_overlayer_lowered:
.L_overlay_start_2:
0x1de: {  	(tag) =	ssettag $0x2  }
0x1df: {  	s0 =	rddreg [dreg:$0x0];
	s2 =	stileid.u32  }
0x1e0: {  	s1 =	rddreg [dreg:$0x1];
	p0 =	sne.s32 s2, $0x0  }
0x1e1: {  	s3 =	rddreg [dreg:$0x2];
	[bflag:$0x3] =	sbarrier.arrive $0xFFFF;
	s2 =	simm.s32 @!p0 $0x1C06  }
0x1e2: {  	[timem:s3], [sflag:s2] =	dma.local @!p0 [hbm:s0], s1  }
0x1e3: {  	s0 =	simm.s32 @!p0 $0x6  }
0x1e4: {  	_ =	swait.ge @!p0 [sflag:s0], s1  }
0x1e5: {  	s1 =	ssub.s32 @!p0 $0x0, s1;
	[sflag:s0] =	ssyncset.done @!p0 $0x0  }
0x1e6: {  	[sflag:s0] =	ssyncadd.s32 @!p0 s1  }
0x1e7: {  	[bflag:$0x3] =	sbarrier.arrive $0xFFFF  }
0x1e8: {  	_ =	shalt  }

// kernel: kernel.8.cloned.1.call-start
scs
__scs_entry_jumppad:
0x0: {  	(pc) =	sbr.rel $0x88, $3  }
0x1: {  	(tag) =	ssettag $0x0;
	lr =	simm.s32 $0x1  }
0x2: {  	[smem:$0x3F9B] =	sst lr;
	_ =	strace $0xD0000000  }
0x3: {  	_ = 	snop  }
0x4: {  	_ = 	snop  }
0x5: {  	_ = 	snop  }
0x6: {  	_ = 	snop  }
0x7: {  	_ = 	snop  }
__scs_overlays_trampoline_lowered:
0x8: {  	[smem:$0x3FAA] =	sst s0  }
0x9: {  	[smem:$0x3FAB] =	sst s1  }
0xa: {  	[smem:$0x3FAC] =	sst s2  }
0xb: {  	[smem:$0x3FAD] =	sst s3  }
0xc: {  	[smem:$0x3FAE] =	sst s4  }
0xd: {  	[smem:$0x3FAF] =	sst s5  }
0xe: {  	[smem:$0x3FB0] =	sst s6  }
0xf: {  	[smem:$0x3FB1] =	sst s7  }
0x10: {  	[smem:$0x3FB2] =	sst s8  }
0x11: {  	[smem:$0x3FB3] =	sst s9;
	s0 =	simm.s32 @!p0 $0x0  }
0x12: {  	s1 =	sld [smem:$0x3F99];
	s0 =	simm.s32 @p0 $0x1  }
0x13: {  	[smem:$0x3FB4] =	sst s0;
	s0 =	simm.s32 @!p1 $0x0  }
0x14: {  	s2 =	sld [smem:$0x3F98];
	s0 =	simm.s32 @p1 $0x1  }
0x15: {  	[smem:$0x3FB5] =	sst s0;
	s0 =	simm.s32 @!p2 $0x0  }
0x16: {  	s3 =	sld [smem:$0x3FDB];
	s0 =	simm.s32 @p2 $0x1  }
0x17: {  	s4 =	simm.s32 $0x1BF5;
	[smem:$0x3FB7] =	sst s0  }
0x18: {  	s0 =	sld [smem:$0x3F9A];
	_ =	swait.ge [sflag:s4], $0x0  }
0x19: {  	s7 =	sld [smem:$0x3F9B]  }
0x1a: {  	s8 =	sadd.s32 $0xFFFFE003, lr  }
0x1b: {  	s9 =	sadd.s32 $0xFFFFFEF7, lr;
	s5 =	simm.s32 $0xFFFFFFFF;
	p2 =	slt.u32 s8, $0xFFFFF086  }
0x1c: {  	p1 =	slt.u32 s9, $0xF7A;
	s5 =	simm.s32 @!p2 $0x0  }
0x1d: {  	s5 =	simm.s32 @p1 $0x1;
	p0 =	seq.s32 s7, s2  }
0x1e: {  	s7 =	smul.u32 @!p0 $0xF7A, s2;
	p2 =	seq.s32 @!p0 s5, $0x0  }
0x1f: {  	s9 =	smul.u32 $0xF7A, s1;
	s8 =	simm.s32 @!p0 $0x1BF5;
	p2 =	por !p2, p0  }
0x20: {  	[sflag:s8] =	ssyncset.s32 @!p0 $0xFFFFF086;
	s6 =	sadd.s32 @!p0 s3, s7;
	s7 =	simm.s32 @!p0 $0x108  }
0x21: {  	s3 =	sadd.s32 s3, s9;
	s6 =	sadd.s32 @!p0 $0x88, s6;
	s7 =	simm.s32 @p2 $0x1082  }
0x22: {  	[simem:s7], [sflag:s8] =	dma.local @!p0 [hbm:s6], $0xF7A  }
0x23: {  	s9 =	sor.u32 $0xD0000000, s2;
	s6 =	simm.s32 $0x108;
	_ =	swait.ge @!p0 [sflag:s8], $0x0  }
0x24: {  	s3 =	sadd.s32 $0x88, s3;
	s6 =	simm.s32 @!p1 $0x1082;
	[sflag:s4] =	ssyncset.s32 $0xFFFFF086  }
0x25: {  	[simem:s6], [sflag:s4] =	dma.local [hbm:s3], $0xF7A  }
0x26: {  	[smem:$0x3F9B] =	sst s1;
	(tag) =	ssettag s2;
	_ =	strace s9  }
0x27: {  	s1 =	sld [smem:$0x3FAB]  }
0x28: {  	s2 =	sld [smem:$0x3FAC]  }
0x29: {  	s4 =	sld [smem:$0x3FAE]  }
0x2a: {  	p0 =	seq.s32 s5, $0x0;
	s5 =	sld [smem:$0x3FAF]  }
0x2b: {  	s6 =	sld [smem:$0x3FB0]  }
0x2c: {  	s7 =	sld [smem:$0x3FB1]  }
0x2d: {  	s3 =	simm.s32 $0x108;
	s8 =	sld [smem:$0x3FB2]  }
0x2e: {  	s3 =	simm.s32 @!p0 $0x1082;
	s9 =	sld [smem:$0x3FB3]  }
0x2f: {  	lr =	sadd.s32 s0, s3;
	s0 =	sld [smem:$0x3FAA]  }
0x30: {  	s3 =	sld [smem:$0x3FAD]  }
0x31: {  	[smem:$0x3FB6] =	sst s10  }
0x32: {  	s10 =	sld [smem:$0x3FB4];
	_ =	sdelay $0x3  }
0x33: {  	p0 =	seq.s32 s10, $0x1;
	s10 =	sld [smem:$0x3FB6];
	_ =	sdelay $0x3  }
0x34: {  	[smem:$0x3FB6] =	sst s10  }
0x35: {  	s10 =	sld [smem:$0x3FB5];
	_ =	sdelay $0x3  }
0x36: {  	p1 =	seq.s32 s10, $0x1;
	s10 =	sld [smem:$0x3FB6];
	_ =	sdelay $0x3  }
0x37: {  	[smem:$0x3FB6] =	sst s10  }
0x38: {  	s10 =	sld [smem:$0x3FB7]  }
0x39: {  	_ = 	snop;
	(pc) =	sbr.ind lr, $3  }
0x3a: {  	_ = 	snop  }
0x3b: {  	_ = 	snop  }
0x3c: {  	p2 =	seq.s32 s10, $0x1;
	s10 =	sld [smem:$0x3FB6]  }
0x3d: {  	_ =	shalt  }
0x3e: {  	_ =	shalt  }
0x3f: {  	_ =	shalt  }
0x40: {  	_ =	shalt  }
0x41: {  	_ =	shalt  }
0x42: {  	_ =	shalt  }
0x43: {  	_ =	shalt  }
0x44: {  	_ =	shalt  }
0x45: {  	_ =	shalt  }
0x46: {  	_ =	shalt  }
0x47: {  	_ =	shalt  }
0x48: {  	_ =	shalt  }
0x49: {  	_ =	shalt  }
0x4a: {  	_ =	shalt  }
0x4b: {  	_ =	shalt  }
0x4c: {  	_ =	shalt  }
0x4d: {  	_ =	shalt  }
0x4e: {  	_ =	shalt  }
0x4f: {  	_ =	shalt  }
0x50: {  	_ =	shalt  }
0x51: {  	_ =	shalt  }
0x52: {  	_ =	shalt  }
0x53: {  	_ =	shalt  }
0x54: {  	_ =	shalt  }
0x55: {  	_ =	shalt  }
0x56: {  	_ =	shalt  }
0x57: {  	_ =	shalt  }
0x58: {  	_ =	shalt  }
0x59: {  	_ =	shalt  }
0x5a: {  	_ =	shalt  }
0x5b: {  	_ =	shalt  }
0x5c: {  	_ =	shalt  }
0x5d: {  	_ =	shalt  }
0x5e: {  	_ =	shalt  }
0x5f: {  	_ =	shalt  }
0x60: {  	_ =	shalt  }
0x61: {  	_ =	shalt  }
0x62: {  	_ =	shalt  }
0x63: {  	_ =	shalt  }
0x64: {  	_ =	shalt  }
0x65: {  	_ =	shalt  }
0x66: {  	_ =	shalt  }
0x67: {  	_ =	shalt  }
0x68: {  	_ =	shalt  }
0x69: {  	_ =	shalt  }
0x6a: {  	_ =	shalt  }
0x6b: {  	_ =	shalt  }
0x6c: {  	_ =	shalt  }
0x6d: {  	_ =	shalt  }
0x6e: {  	_ =	shalt  }
0x6f: {  	_ =	shalt  }
0x70: {  	_ =	shalt  }
0x71: {  	_ =	shalt  }
0x72: {  	_ =	shalt  }
0x73: {  	_ =	shalt  }
0x74: {  	_ =	shalt  }
0x75: {  	_ =	shalt  }
0x76: {  	_ =	shalt  }
0x77: {  	_ =	shalt  }
0x78: {  	_ =	shalt  }
0x79: {  	_ =	shalt  }
0x7a: {  	_ =	shalt  }
0x7b: {  	_ =	shalt  }
0x7c: {  	_ =	shalt  }
0x7d: {  	_ =	shalt  }
0x7e: {  	_ =	shalt  }
0x7f: {  	_ =	shalt  }
0x80: {  	_ =	shalt  }
0x81: {  	_ =	shalt  }
0x82: {  	_ =	shalt  }
0x83: {  	_ =	shalt  }
0x84: {  	_ =	shalt  }
0x85: {  	_ =	shalt  }
0x86: {  	_ =	shalt  }
0x87: {  	_ =	shalt  }
.Lfunc_end0:
.L_simem_size_0:
called_computation_lowered:
.L_overlay_start_0:
0x88: {  	s2 =	sld [smem:$0x3FD9]  }
0x89: {  	s3 =	sld [smem:$0x3FFE];
	_ =	sdelay $0x1  }
0x8a: {  	s1 =	srdreg.scid  }
0x8b: {  	s0 =	sand.u32 $0x1, s1  }
0x8c: {  	s17 =	sshll.u32 s0, $0xA;
	s2 =	sadd.s32 s3, s2  }
0x8d: {  	s2 =	sadd.s32 s2, s17  }
0x8e: {  	[smem:$0x3FC2] =	sst s2  }
0x8f: {  	_ = 	snop  }
0x90: {  	s2 =	sld [smem:$0x3FD0];
	(tm) =	ssettm $0x1  }
0x91: {  	s18 =	sld [smem:$0x3FFB];
	_ =	sdelay $0x3  }
0x92: {  	_ =	strace s18  }
0x93: {  	s3 =	sld [smem:$0x3FFC];
	_ =	sdelay $0x3  }
0x94: {  	_ =	strace s3  }
0x95: {  	s3 =	sld [smem:$0x3FFD];
	_ =	sdelay $0x3  }
0x96: {  	_ =	strace s3  }
0x97: {  	_ =	strace $0x8FFFFFFF  }
0x98: {  	s19 =	sld [smem:$0x3FDB];
	_ =	sdelay $0x1  }
0x99: {  	s4 =	simm.s32 $_scs_section_size  }
0x9a: {  	s5 =	simm.s32 $_size__tile_overlayer_lowered;
	s6 =	simm.s32 $_tile_overlayer_lowered  }
0x9b: {  	s22 =	simm.s32 $0x1BFF;
	s21 =	sshll.u32 s6, $0x1;
	s3 =	sadd.s32 s4, s19  }
0x9c: {  	s7 =	simm.s32 $0x0;
	s20 =	sshll.u32 s5, $0x1;
	s5 =	sadd.s32 s21, s3  }
0x9d: {  	[timem:s7], [sflag:s22] =	dma.local [hbm:s5], s20  }
0x9e: {  	_ =	swait.ge [sflag:s22], s20  }
0x9f: {  	s4 =	ssub.s32 $0x0, s20;
	[sflag:s22] =	ssyncset.done $0x0  }
0xa0: {  	[sflag:s22] =	ssyncadd.s32 s4;
	_ =	sdelay $0x1  }
0xa1: {  	s23 =	simm.s32 $0x1B8B  }
0xa2: {  	_ =	swait.ge [sflag:s23], $0x1  }
0xa3: {  	[sflag:s23] =	ssyncset.done $0x0  }
0xa4: {  	s25 =	simm.s32 $0x1B8E;
	s24 =	sld [smem:$0x3FFE];
	[sflag:s23] =	ssyncadd.s32 $0xFFFFFFFF  }
0xa5: {  	s26 =	simm.s32 $execute0_lowered;
	[smem:$0x3FD2] =	sst s25  }
0xa6: {  	s5 =	sshll.u32 s26, $0x1;
	_ =	strace $0x80000046;
	[dreg:$0x1] =	wrdreg $0xFFFFFFFF  }
0xa7: {  	s28 =	simm.s32 $_size_execute0_lowered;
	s3 =	sadd.s32 s3, s5;
	[dreg:$0x0] =	wrdreg $0x0  }
0xa8: {  	s5 =	sshll.u32 s28, $0x1;
	[dreg:$0x2] =	wrdreg s3  }
0xa9: {  	[dreg:$0x3] =	wrdreg s5  }
0xaa: {  	[dreg:$0x4] =	wrdreg $0xC0  }
0xab: {  	_ =	task [dreg:s7], $0x5FFFF  }
0xac: {  	[dreg:$0x1] =	wrdreg $0xFFFFFFFF  }
0xad: {  	[dreg:$0x0] =	wrdreg $0x60  }
0xae: {  	[dreg:$0x2] =	wrdreg s24  }
0xaf: {  	[dreg:$0x3] =	wrdreg s2  }
0xb0: {  	[dreg:$0x4] =	wrdreg $0x0  }
0xb1: {  	[dreg:$0x5] =	wrdreg $0x9  }
0xb2: {  	_ =	task.clear_ibuf [dreg:s7], $0x6FFFF;
	_ =	strace $0x90000046  }
0xb3: {  	s29 =	simm.s32 $0x9;
	_ =	strace $0x80000048  }
0xb4: {  	_ =	swait.ge [sflag:s29], $0x1  }
0xb5: {  	[sflag:s29] =	ssyncadd.s32 $0xFFFFFFFF  }
0xb6: {  	_ =	strace $0x90000048  }
0xb7: {  	_ =	sfence  }
0xb8: {  	s30 =	sld [smem:$0x0];
	_ =	sdelay $0x2  }
0xb9: {  	s31 =	sshll.u32 s1, $0xD;
	s1 =	sshrl.u32 s1, $0x2  }
0xba: {  	s3 =	sand.u32 $0x4000, s31;
	s1 =	sadd.s32 s1, s30  }
0xbb: {  	s0 =	sor.u32 s3, s0;
	s1 =	sshll.u32 s1, $0x11  }
0xbc: {  	s0 =	sor.u32 s1, s0  }
0xbd: {  	s0 =	sadd.s32 $0x8F2B, s0  }
0xbe: {  	[sflag:s0] =	ssyncadd.remote.s32 $0x1  }
0xbf: {  	_ =	sfence.sel $0xFFFF  }
0xc0: {  	[dreg:$0x0] =	wrdreg $0xFFFFFFFF;
	(pc) =	sbr.abs _section_cstart, $3  }
0xc1: {  	[dreg:$0x1] =	wrdreg $0xFFFFFFFF  }
0xc2: {  	_ =	task.clear_ibuf [dreg:s7], $0x2FFFF;
	_ =	strace $0x9FFFFFFF  }
0xc3: {  	(tm) =	ssettm $0x7FFFFFFF  }
tec
execute0_lowered:
.L_overlay_start_1:
0x0: {  	(tag) =	ssettag $0x1  }
0x1: {  	s22 =	rddreg [dreg:$0x0]  }
0x2: {  	s4 =	rddreg [dreg:$0x1]  }
0x3: {  	s2 =	rddreg [dreg:$0x2]  }
0x4: {  	s1 =	stileid.u32;
	s0 =	rddreg [dreg:$0x3];
	s3 =	simm.s32 $0x0  }
0x5: {  	s5 =	smul.u32 $0x280, s1;
	[smem:$0x7FF] =	sst s3  }
0x6: {  	s8 =	srdreg.scid;
	s30 =	sshll.u32 s1, $0x6;
	_ =	strace $0x80000047  }
0x7: {  	s23 =	sshrl.u32 s5, $0x3;
	s6 =	sadd.s32 s5, s2;
	s5 =	sor.u32 $0x1C01, s30  }
0x8: {  	s4 =	sadd.s32 s4, s23;
	s7 =	sshrl.u32 s6, $0x3;
	s6 =	simm.s32 $0x1  }
0x9: {  	[spmem:s7], [sflag:s5] =	dma.local [hbm:s4], $0x50  }
0xa: {  	s24 =	sand.u32 $0x1, s8;
	s9 =	sshll.u32 s1, $0x1;
	_ =	swait.ge [sflag:s6], $0x50  }
0xb: {  	s8 =	sadd.s32 $0x15C00, s22;
	s9 =	sor.u32 s24, s9;
	[sflag:s6] =	ssyncset.done $0x0  }
0xc: {  	s10 =	smul.u32 $0x2710, s9;
	s9 =	simm.s32 $0x2990;
	[sflag:s6] =	ssyncadd.s32 $0xFFFFFFB0  }
0xd: {  	[tilespmem:s9], [sflag:$0x1] =	stream.linear.gather [hbm4b:s8+s3], $0x3E8, $0x38;
	[tilespmem:$0x2D78] =	vst v63  }
0xe: {  	s10 =	sshrl.u32 s10, $0x3;
	_ =	swait.ge [sflag:s6], $0x3E8  }
0xf: {  	s10 =	sadd.s32 s22, s10;
	[sflag:s6] =	ssyncset.done $0x0  }
0x10: {  	s11 =	simm.s32 $0x280;
	s10 =	sadd.s32 $0xBE40, s10;
	[sflag:s6] =	ssyncadd.s32 $0xFFFFFC18  }
0x11: {  	[tilespmem:s11], [sflag:$0x1] =	stream.linear.gather [hbm4b:s10+s3], $0x2710, $0x38;
	[tilespmem:$0x2D78] =	vst v63  }
0x12: {  	_ =	swait.ge [sflag:s6], $0x2710  }
0x13: {  	[sflag:s6] =	ssyncset.done $0x0  }
0x14: {  	[sflag:s6] =	ssyncadd.s32 $0xFFFFD8F0  }
0x15: {  	s12 =	simm.s32 $0x3E8;
	[bflag:$0x0] =	sbarrier.arrive $0xFFFF  }
0x16: {  	[spmem:s2] =	stream.indirect.scatter.add.f32 [tilespmem:s9], [sflag:$0x1], $0x1, s11, s12, $0xb8;
	[tilespmem:$0x2D78] =	vst v63  }
0x17: {  	_ =	swait.ge [sflag:s6], $0x3E8  }
0x18: {  	[sflag:s6] =	ssyncset.done $0x0  }
0x19: {  	s13 =	simm.s32 $0x668;
	[sflag:s6] =	ssyncadd.s32 $0xFFFFFC18  }
0x1a: {  	[spmem:s2] =	stream.indirect.scatter.add.f32 [tilespmem:s9], [sflag:$0x1], $0x1, s13, s12, $0xb8;
	[tilespmem:$0x2D78] =	vst v63  }
0x1b: {  	_ =	swait.ge [sflag:s6], $0x3E8  }
0x1c: {  	[sflag:s6] =	ssyncset.done $0x0  }
0x1d: {  	s14 =	simm.s32 $0xA50;
	[sflag:s6] =	ssyncadd.s32 $0xFFFFFC18  }
0x1e: {  	[spmem:s2] =	stream.indirect.scatter.add.f32 [tilespmem:s9], [sflag:$0x1], $0x1, s14, s12, $0xb8;
	[tilespmem:$0x2D78] =	vst v63  }
0x1f: {  	_ =	swait.ge [sflag:s6], $0x3E8  }
0x20: {  	[sflag:s6] =	ssyncset.done $0x0  }
0x21: {  	s15 =	simm.s32 $0xE38;
	[sflag:s6] =	ssyncadd.s32 $0xFFFFFC18  }
0x22: {  	[spmem:s2] =	stream.indirect.scatter.add.f32 [tilespmem:s9], [sflag:$0x1], $0x1, s15, s12, $0xb8;
	[tilespmem:$0x2D78] =	vst v63  }
0x23: {  	_ =	swait.ge [sflag:s6], $0x3E8  }
0x24: {  	[sflag:s6] =	ssyncset.done $0x0  }
0x25: {  	s16 =	simm.s32 $0x1220;
	[sflag:s6] =	ssyncadd.s32 $0xFFFFFC18  }
0x26: {  	[spmem:s2] =	stream.indirect.scatter.add.f32 [tilespmem:s9], [sflag:$0x1], $0x1, s16, s12, $0xb8;
	[tilespmem:$0x2D78] =	vst v63  }
0x27: {  	_ =	swait.ge [sflag:s6], $0x3E8  }
0x28: {  	[sflag:s6] =	ssyncset.done $0x0  }
0x29: {  	s17 =	simm.s32 $0x1608;
	[sflag:s6] =	ssyncadd.s32 $0xFFFFFC18  }
0x2a: {  	[spmem:s2] =	stream.indirect.scatter.add.f32 [tilespmem:s9], [sflag:$0x1], $0x1, s17, s12, $0xb8;
	[tilespmem:$0x2D78] =	vst v63  }
0x2b: {  	_ =	swait.ge [sflag:s6], $0x3E8  }
0x2c: {  	[sflag:s6] =	ssyncset.done $0x0  }
0x2d: {  	s18 =	simm.s32 $0x19F0;
	[sflag:s6] =	ssyncadd.s32 $0xFFFFFC18  }
0x2e: {  	[spmem:s2] =	stream.indirect.scatter.add.f32 [tilespmem:s9], [sflag:$0x1], $0x1, s18, s12, $0xb8;
	[tilespmem:$0x2D78] =	vst v63  }
0x2f: {  	_ =	swait.ge [sflag:s6], $0x3E8  }
0x30: {  	[sflag:s6] =	ssyncset.done $0x0  }
0x31: {  	s19 =	simm.s32 $0x1DD8;
	[sflag:s6] =	ssyncadd.s32 $0xFFFFFC18  }
0x32: {  	[spmem:s2] =	stream.indirect.scatter.add.f32 [tilespmem:s9], [sflag:$0x1], $0x1, s19, s12, $0xb8;
	[tilespmem:$0x2D78] =	vst v63  }
0x33: {  	_ =	swait.ge [sflag:s6], $0x3E8  }
0x34: {  	[sflag:s6] =	ssyncset.done $0x0  }
0x35: {  	s20 =	simm.s32 $0x21C0;
	[sflag:s6] =	ssyncadd.s32 $0xFFFFFC18  }
0x36: {  	[spmem:s2] =	stream.indirect.scatter.add.f32 [tilespmem:s9], [sflag:$0x1], $0x1, s20, s12, $0xb8;
	[tilespmem:$0x2D78] =	vst v63  }
0x37: {  	s25 =	ssub.s32 $0x2, s24;
	_ =	swait.ge [sflag:s6], $0x3E8  }
0x38: {  	s21 =	simm.s32 $0x25A8;
	s26 =	sshrl.u32 s25, $0x1;
	[sflag:s6] =	ssyncset.done $0x0  }
0x39: {  	p0 =	seq.s32 s24, $0x1;
	s25 =	ssub.s32 s25, s26;
	[sflag:s6] =	ssyncadd.s32 $0xFFFFFC18  }
0x3a: {  	[spmem:s2] =	stream.indirect.scatter.add.f32 [tilespmem:s9], [sflag:$0x1], $0x1, s21, s12, $0xb8;
	[tilespmem:$0x2D78] =	vst v63  }
0x3b: {  	s24 =	simm.s32 $0x15E00;
	s31 =	smax.u32 s25, $0x1;
	_ =	swait.ge [sflag:s6], $0x3E8  }
0x3c: {  	s24 =	simm.s32 @!p0 $0x16400;
	p0 =	sne.s32 s31, $0x1;
	[sflag:s6] =	ssyncset.done $0x0  }
.Ltmp0:
0x3d: {  	s22 =	sadd.s32 s24, s22;
	[sflag:s6] =	ssyncadd.s32 $0xFFFFFC18;
	(pc) =	sbr.rel @!p0 .LBB2_2-.Ltmp0, $4  }
0x3e: {  	s22 =	sadd.s32 s22, s23;
	[bflag:$0x0] =	sbarrier.arrive $0xFFFF  }
0x3f: {  	[hbm:s22], [sflag:s5] =	dma.local [spmem:s7], $0x50  }
0x40: {  	_ =	swait.ge [sflag:s6], $0x50  }
0x41: {  	s23 =	sadd.s32 $0xFFFFFFFF, s31;
	[sflag:s6] =	ssyncset.done $0x0  }
.LBB2_1:
0x42: {  	p0 =	sne.s32 s23, $0x1;
	s23 =	sadd.s32 $0xFFFFFFFF, s23;
	[sflag:s6] =	ssyncadd.s32 $0xFFFFFFB0  }
0x43: {  	[spmem:s7], [sflag:s5] =	dma.local [hbm:s4], $0x50  }
0x44: {  	_ =	swait.ge [sflag:s6], $0x50  }
0x45: {  	[sflag:s6] =	ssyncset.done $0x0  }
0x46: {  	[sflag:s6] =	ssyncadd.s32 $0xFFFFFFB0  }
0x47: {  	[tilespmem:s9], [sflag:$0x1] =	stream.linear.gather [hbm4b:s8+s3], $0x3E8, $0x38;
	[tilespmem:$0x2D78] =	vst v63  }
0x48: {  	_ =	swait.ge [sflag:s6], $0x3E8  }
0x49: {  	[sflag:s6] =	ssyncset.done $0x0  }
0x4a: {  	[sflag:s6] =	ssyncadd.s32 $0xFFFFFC18  }
0x4b: {  	[tilespmem:s11], [sflag:$0x1] =	stream.linear.gather [hbm4b:s10+s3], $0x2710, $0x38;
	[tilespmem:$0x2D78] =	vst v63  }
0x4c: {  	_ =	swait.ge [sflag:s6], $0x2710  }
0x4d: {  	[sflag:s6] =	ssyncset.done $0x0  }
0x4e: {  	[sflag:s6] =	ssyncadd.s32 $0xFFFFD8F0  }
0x4f: {  	[bflag:$0x0] =	sbarrier.arrive $0xFFFF  }
0x50: {  	[spmem:s2] =	stream.indirect.scatter.add.f32 [tilespmem:s9], [sflag:$0x1], $0x1, s11, s12, $0xb8;
	[tilespmem:$0x2D78] =	vst v63  }
0x51: {  	_ =	swait.ge [sflag:s6], $0x3E8  }
0x52: {  	[sflag:s6] =	ssyncset.done $0x0  }
0x53: {  	[sflag:s6] =	ssyncadd.s32 $0xFFFFFC18  }
0x54: {  	[spmem:s2] =	stream.indirect.scatter.add.f32 [tilespmem:s9], [sflag:$0x1], $0x1, s13, s12, $0xb8;
	[tilespmem:$0x2D78] =	vst v63  }
0x55: {  	_ =	swait.ge [sflag:s6], $0x3E8  }
0x56: {  	[sflag:s6] =	ssyncset.done $0x0  }
0x57: {  	[sflag:s6] =	ssyncadd.s32 $0xFFFFFC18  }
0x58: {  	[spmem:s2] =	stream.indirect.scatter.add.f32 [tilespmem:s9], [sflag:$0x1], $0x1, s14, s12, $0xb8;
	[tilespmem:$0x2D78] =	vst v63  }
0x59: {  	_ =	swait.ge [sflag:s6], $0x3E8  }
0x5a: {  	[sflag:s6] =	ssyncset.done $0x0  }
0x5b: {  	[sflag:s6] =	ssyncadd.s32 $0xFFFFFC18  }
0x5c: {  	[spmem:s2] =	stream.indirect.scatter.add.f32 [tilespmem:s9], [sflag:$0x1], $0x1, s15, s12, $0xb8;
	[tilespmem:$0x2D78] =	vst v63  }
0x5d: {  	_ =	swait.ge [sflag:s6], $0x3E8  }
0x5e: {  	[sflag:s6] =	ssyncset.done $0x0  }
0x5f: {  	[sflag:s6] =	ssyncadd.s32 $0xFFFFFC18  }
0x60: {  	[spmem:s2] =	stream.indirect.scatter.add.f32 [tilespmem:s9], [sflag:$0x1], $0x1, s16, s12, $0xb8;
	[tilespmem:$0x2D78] =	vst v63  }
0x61: {  	_ =	swait.ge [sflag:s6], $0x3E8  }
0x62: {  	[sflag:s6] =	ssyncset.done $0x0  }
0x63: {  	[sflag:s6] =	ssyncadd.s32 $0xFFFFFC18  }
0x64: {  	[spmem:s2] =	stream.indirect.scatter.add.f32 [tilespmem:s9], [sflag:$0x1], $0x1, s17, s12, $0xb8;
	[tilespmem:$0x2D78] =	vst v63  }
0x65: {  	_ =	swait.ge [sflag:s6], $0x3E8  }
0x66: {  	[sflag:s6] =	ssyncset.done $0x0  }
0x67: {  	[sflag:s6] =	ssyncadd.s32 $0xFFFFFC18  }
0x68: {  	[spmem:s2] =	stream.indirect.scatter.add.f32 [tilespmem:s9], [sflag:$0x1], $0x1, s18, s12, $0xb8;
	[tilespmem:$0x2D78] =	vst v63  }
0x69: {  	_ =	swait.ge [sflag:s6], $0x3E8  }
0x6a: {  	[sflag:s6] =	ssyncset.done $0x0  }
0x6b: {  	[sflag:s6] =	ssyncadd.s32 $0xFFFFFC18  }
0x6c: {  	[spmem:s2] =	stream.indirect.scatter.add.f32 [tilespmem:s9], [sflag:$0x1], $0x1, s19, s12, $0xb8;
	[tilespmem:$0x2D78] =	vst v63  }
0x6d: {  	_ =	swait.ge [sflag:s6], $0x3E8  }
0x6e: {  	[sflag:s6] =	ssyncset.done $0x0  }
0x6f: {  	[sflag:s6] =	ssyncadd.s32 $0xFFFFFC18  }
0x70: {  	[spmem:s2] =	stream.indirect.scatter.add.f32 [tilespmem:s9], [sflag:$0x1], $0x1, s20, s12, $0xb8;
	[tilespmem:$0x2D78] =	vst v63  }
0x71: {  	_ =	swait.ge [sflag:s6], $0x3E8  }
0x72: {  	[sflag:s6] =	ssyncset.done $0x0  }
0x73: {  	[sflag:s6] =	ssyncadd.s32 $0xFFFFFC18  }
0x74: {  	[spmem:s2] =	stream.indirect.scatter.add.f32 [tilespmem:s9], [sflag:$0x1], $0x1, s21, s12, $0xb8;
	[tilespmem:$0x2D78] =	vst v63  }
0x75: {  	_ =	swait.ge [sflag:s6], $0x3E8  }
0x76: {  	[sflag:s6] =	ssyncset.done $0x0  }
.Ltmp1:
0x77: {  	[sflag:s6] =	ssyncadd.s32 $0xFFFFFC18;
	(pc) =	sbr.rel @p0 .LBB2_1-.Ltmp1, $4  }
0x78: {  	[bflag:$0x0] =	sbarrier.arrive $0xFFFF  }
0x79: {  	[hbm:s22], [sflag:s5] =	dma.local [spmem:s7], $0x50  }
0x7a: {  	_ =	swait.ge [sflag:s6], $0x50  }
0x7b: {  	[sflag:s6] =	ssyncset.done $0x0  }
.LBB2_2:
0x7c: {  	[sflag:s6] =	ssyncadd.s32 $0xFFFFFFB0  }
0x7d: {  	_ =	sfence.sel $0x180000  }
0x7e: {  	[bflag:$0x0] =	sbarrier.arrive $0xFFFF  }
0x7f: {  	p0 =	sne.s32 s1, $0x0;
	_ =	strace $0x90000047  }
0x80: {  	s0 =	sadd.s32 @!p0 $0x100000, s0;
	[bflag:$0x2] =	sbarrier.arrive $0xFFFF  }
0x81: {  	[sflag:s0] =	ssyncadd.tile.s32 @!p0 $0x1;
	_ =	shalt  }
.Lfunc_end2:
_tile_overlayer_lowered:
.L_overlay_start_2:
0x82: {  	(tag) =	ssettag $0x2  }
0x83: {  	s0 =	rddreg [dreg:$0x0];
	s2 =	stileid.u32  }
0x84: {  	s1 =	rddreg [dreg:$0x1];
	p0 =	sne.s32 s2, $0x0  }
0x85: {  	s3 =	rddreg [dreg:$0x2];
	[bflag:$0x3] =	sbarrier.arrive $0xFFFF;
	s2 =	simm.s32 @!p0 $0x1C01  }
0x86: {  	[timem:s3], [sflag:s2] =	dma.local @!p0 [hbm:s0], s1  }
0x87: {  	s0 =	simm.s32 @!p0 $0x1  }
0x88: {  	_ =	swait.ge @!p0 [sflag:s0], s1  }
0x89: {  	s1 =	ssub.s32 @!p0 $0x0, s1;
	[sflag:s0] =	ssyncset.done @!p0 $0x0  }
0x8a: {  	[sflag:s0] =	ssyncadd.s32 @!p0 s1  }
0x8b: {  	[bflag:$0x3] =	sbarrier.arrive $0xFFFF  }
0x8c: {  	_ =	shalt  }

</sc_bundles>
